<compile_context>
chip_gen: v7x
topology: tpu7x:2x2x1
jax: 0.10.2.dev20260603
libtpu: 0.0.44.dev20260713+nightly
codegen_flags: <defaults>
</compile_context>

<pallas_src>
import functools

import jax
import jax.numpy as jnp
from jax import lax
from jax.experimental import pallas as pl
from jax.experimental.pallas import tpu as pltpu
from jax.experimental.pallas import tpu_sc as plsc

_NC = 2
_NS = 16
_NW = _NC * _NS
_L = 16


def _rsqrt(v):
    i = plsc.bitcast(v, jnp.int32)
    y = plsc.bitcast(jnp.int32(0x5F3759DF) - (i >> 1), jnp.float32)
    for _ in range(2):
        y = y * (jnp.float32(1.5) - jnp.float32(0.5) * v * y * y)
    return y


def _arccos(c):
    ax = jnp.abs(c)
    t = jnp.float32(1.0) - ax
    s = t * _rsqrt(jnp.maximum(t, jnp.float32(1e-30)))
    p = jnp.float32(1.5707288) + ax * (
        jnp.float32(-0.2121144)
        + ax * (jnp.float32(0.0742610) + ax * jnp.float32(-0.0187293)))
    r = s * p
    return jnp.where(c < jnp.float32(0.0), jnp.float32(3.14159265) - r, r)


def _make_sc_kernel(B, N, P):
    bpw = B // _NW

    mesh = plsc.VectorSubcoreMesh(
        core_axis_name="c", subcore_axis_name="s",
        num_cores=_NC, num_subcores=_NS)

    @functools.partial(
        pl.kernel,
        out_type=jax.ShapeDtypeStruct((B, P), jnp.float32),
        mesh=mesh,
        compiler_params=pltpu.CompilerParams(needs_layout_passes=False),
        scratch_types=[
            pltpu.VMEM((9, N), jnp.float32),
            pltpu.VMEM((9, N), jnp.float32),
            pltpu.VMEM((4, P), jnp.int32),
            pltpu.VMEM((3, N), jnp.float32),
            pltpu.VMEM((3, N), jnp.float32),
            pltpu.VMEM((P,), jnp.float32),
            pltpu.VMEM((P,), jnp.float32),
            pltpu.SemaphoreType.DMA,
            pltpu.SemaphoreType.DMA,
            pltpu.SemaphoreType.DMA,
            pltpu.SemaphoreType.DMA,
        ],
    )
    def sc_kernel(tri_hbm, pairs_hbm, out_hbm, xbuf0, xbuf1, pbuf,
                  sbuf0, sbuf1, obuf0, obuf1, isem0, isem1, osem0, osem1):
        wid = lax.axis_index("s") * _NC + lax.axis_index("c")
        base = wid * bpw
        last = base + bpw - 1

        pltpu.sync_copy(pairs_hbm, pbuf)

        cvecs = [jnp.full((_L,), c, jnp.int32) for c in range(3)]
        xbufs = (xbuf0, xbuf1)
        sbufs = (sbuf0, sbuf1)
        obufs = (obuf0, obuf1)
        isems = (isem0, isem1)
        osems = (osem0, osem1)

        def sum_slice(xref, sref, n):
            for c in range(3):
                sref[c, pl.ds(n, _L)] = (
                    xref[c, pl.ds(n, _L)]
                    + xref[3 + c, pl.ds(n, _L)]
                    + xref[6 + c, pl.ds(n, _L)])

        def merged(xnext, snext, sprev, oref):
            @plsc.parallel_loop(0, P, _L, unroll=2)
            def group(o):
                sum_slice(xnext, snext, 2 * o)
                sum_slice(xnext, snext, 2 * o + _L)

                i0 = pbuf[0, pl.ds(o, _L)]
                i1 = pbuf[1, pl.ds(o, _L)]
                i2 = pbuf[2, pl.ds(o, _L)]
                i3 = pbuf[3, pl.ds(o, _L)]

                def cvec(ia, ib, c):
                    return (plsc.load_gather(sprev, [cvecs[c], ia])
                            - plsc.load_gather(sprev, [cvecs[c], ib]))

                a0 = cvec(i0, i1, 0)
                a1 = cvec(i0, i1, 1)
                a2 = cvec(i0, i1, 2)
                b0 = cvec(i3, i2, 0)
                b1 = cvec(i3, i2, 1)
                b2 = cvec(i3, i2, 2)

                dot = a0 * b0 + a1 * b1 + a2 * b2
                n0 = a0 * a0 + a1 * a1 + a2 * a2
                n1 = b0 * b0 + b1 * b1 + b2 * b2
                r = _rsqrt(jnp.maximum(n0 * n1, jnp.float32(1e-30)))
                cosv = jnp.clip(dot * r, jnp.float32(-1.0), jnp.float32(1.0))
                oref[pl.ds(o, _L)] = _arccos(cosv)

        pltpu.make_async_copy(tri_hbm.at[:, base], xbuf0, isem0).start()
        pltpu.make_async_copy(tri_hbm.at[:, base + 1], xbuf1, isem1).start()
        pltpu.make_async_copy(tri_hbm.at[:, base], xbuf0, isem0).wait()

        @plsc.parallel_loop(0, N, _L, unroll=8)
        def s_first(n):
            sum_slice(xbuf0, sbuf0, n)

        def step(k, p):
            b = base + k
            nxt = jnp.minimum(b + 2, last)
            pltpu.make_async_copy(tri_hbm.at[:, nxt], xbufs[p], isems[p]).start()
            pltpu.make_async_copy(tri_hbm.at[:, b + 1], xbufs[p ^ 1],
                                  isems[p ^ 1]).wait()

            @pl.when(k > 1)
            def _():
                pltpu.make_async_copy(obufs[p], out_hbm.at[b], osems[p]).wait()

            merged(xbufs[p ^ 1], sbufs[p ^ 1], sbufs[p], obufs[p])
            pltpu.make_async_copy(obufs[p], out_hbm.at[b], osems[p]).start()

        def iter2(k2, _):
            step(2 * k2, 0)
            step(2 * k2 + 1, 1)
            return 0

        lax.fori_loop(0, bpw // 2, iter2, 0)

        pltpu.make_async_copy(tri_hbm.at[:, last], xbuf1, isem1).wait()
        pltpu.make_async_copy(obuf0, out_hbm.at[last], osem0).wait()
        pltpu.make_async_copy(obuf1, out_hbm.at[last], osem1).wait()

    return sc_kernel


def kernel(triangles, bone_pairs):
    B, N, _, _ = triangles.shape
    P = bone_pairs.shape[0]
    planes = triangles.transpose(2, 3, 0, 1).reshape(9, B, N)
    pairs_t = bone_pairs.astype(jnp.int32).T
    return _make_sc_kernel(B, N, P)(planes, pairs_t)

# --- scband reference (transcript-rebuilt; emitter-appended) ---
"""Pipeline reference for scband-bone-angles-36893769072921 (READ-ONLY COPY).

The authoritative reference and input builder live on the scoring server;
editing this copy changes nothing except your own understanding.
"""

import jax, jax.numpy as jnp
import numpy as np


def setup_inputs(seed: int = 0) -> dict:
    key = jax.random.key(seed)
    k1, k2 = jax.random.split(key)
    triangles = jax.random.normal(k1, (4096, 1024, 3, 3), dtype=jnp.float32)
    bone_pairs = jax.random.randint(k2, (512, 4), 0, 1024, dtype=jnp.int64 if jax.config.jax_enable_x64 else jnp.int32)
    return {"triangles": triangles, "bone_pairs": bone_pairs}


def reference(triangles, bone_pairs):
    # centroids of each triangle: mean over the 3 vertices
    centroids = jnp.mean(triangles, axis=2)  # [B, N, 3]
    # gather bone-pair centroid quadruples: [B, P, 4, 3]
    timebatch_bone_pairs = centroids[:, bone_pairs, :]
    v0 = timebatch_bone_pairs[:, :, 0, :] - timebatch_bone_pairs[:, :, 1, :]
    v1 = timebatch_bone_pairs[:, :, 3, :] - timebatch_bone_pairs[:, :, 2, :]
    v0 = v0 / jnp.linalg.norm(v0, axis=2, keepdims=True)
    v1 = v1 / jnp.linalg.norm(v1, axis=2, keepdims=True)
    cos_ij = jnp.einsum('bij,bij->bi', v0, v1)
    angles = jnp.arccos(cos_ij)
    return angles

if __name__ == "__main__":
    import jax
    _d = setup_inputs()
    print(jax.jit(kernel)(*tuple(_d.values())))

</pallas_src>

<mosaic_0001>
#map = affine_map<(d0, d1) -> (0, 0, 0)>
#map1 = affine_map<(d0, d1) -> (0, 0)>
module attributes {stable_mosaic.version = 14 : i64} {
  func.func @sc_kernel(%arg0: i32, %arg1: i32, %arg2: memref<9x4096x1024xf32, #tpu.memory_space<hbm>>, %arg3: memref<4x512xi32, #tpu.memory_space<hbm>>, %arg4: memref<4096x512xf32, #tpu.memory_space<hbm>>, %arg5: memref<9x1024xf32, #tpu.memory_space<vmem>>, %arg6: memref<9x1024xf32, #tpu.memory_space<vmem>>, %arg7: memref<4x512xi32, #tpu.memory_space<vmem>>, %arg8: memref<3x1024xf32, #tpu.memory_space<vmem>>, %arg9: memref<3x1024xf32, #tpu.memory_space<vmem>>, %arg10: memref<512xf32, #tpu.memory_space<vmem>>, %arg11: memref<512xf32, #tpu.memory_space<vmem>>, %arg12: memref<!tpu.dma_semaphore, #tpu.memory_space<semaphore_mem>>, %arg13: memref<!tpu.dma_semaphore, #tpu.memory_space<semaphore_mem>>, %arg14: memref<!tpu.dma_semaphore, #tpu.memory_space<semaphore_mem>>, %arg15: memref<!tpu.dma_semaphore, #tpu.memory_space<semaphore_mem>>) attributes {dimension_semantics = [#tpu.dimension_semantics<core_parallel>, #tpu.dimension_semantics<subcore_parallel>], iteration_bounds = array<i64: 2, 16>, scalar_prefetch = 0 : i64, scratch_operands = 11 : i64, tpu.core_type = #tpu.core_type<sc_vector_subcore>, window_params = [{transform_indices = #map}, {transform_indices = #map1}, {transform_indices = #map1}]} {
    %mul3A = arith.constant 2 : i32
    %mul3A_0 = arith.muli %arg1, %mul3A : i32
    %add3A = arith.addi %mul3A_0, %arg0 : i32
    %mul3A_1 = arith.constant 128 : i32
    %mul3A_2 = arith.muli %add3A, %mul3A_1 : i32
    %add3A_3 = arith.constant 128 : i32
    %add3A_4 = arith.addi %mul3A_2, %add3A_3 : i32
    %sub3A = arith.constant 1 : i32
    %sub3A_5 = arith.subi %add3A_4, %sub3A : i32
    "tpu.region"() ({
      %run_scoped3A = tpu.sem_alloc : memref<!tpu.dma_semaphore, #tpu.memory_space<semaphore_mem>>
      tpu.enqueue_dma source(%arg3 : memref<4x512xi32, #tpu.memory_space<hbm>>) target(%arg7 : memref<4x512xi32, #tpu.memory_space<vmem>>) target_semaphore(%run_scoped3A : memref<!tpu.dma_semaphore, #tpu.memory_space<semaphore_mem>>)
      tpu.wait_dma2 semaphore(%run_scoped3A : memref<!tpu.dma_semaphore, #tpu.memory_space<semaphore_mem>>) src(%arg3 : memref<4x512xi32, #tpu.memory_space<hbm>>) dst(%arg7 : memref<4x512xi32, #tpu.memory_space<vmem>>)
      tpu.yield
    }) : () -> ()
    %broadcast_in_dim3A = arith.constant 0 : i32
    %broadcast_in_dim3A_6 = vector.broadcast %broadcast_in_dim3A : i32 to vector<16xi32>
    %broadcast_in_dim3A_7 = arith.constant 1 : i32
    %broadcast_in_dim3A_8 = vector.broadcast %broadcast_in_dim3A_7 : i32 to vector<16xi32>
    %broadcast_in_dim3A_9 = arith.constant 2 : i32
    %broadcast_in_dim3A_10 = vector.broadcast %broadcast_in_dim3A_9 : i32 to vector<16xi32>
    %dma_start3A = arith.constant 0 : i32
    %dma_start3A_11 = arith.constant 0 : i32
    %dma_start3A_12 = tpu.memref_slice %arg2[%dma_start3A, %mul3A_2, %dma_start3A_11] : memref<9x4096x1024xf32, #tpu.memory_space<hbm>> -> memref<9x1x1024xf32, #tpu.memory_space<hbm>>
    %dma_start3A_13 = tpu.memref_squeeze %dma_start3A_12 : memref<9x1x1024xf32, #tpu.memory_space<hbm>> -> memref<9x1024xf32, #tpu.memory_space<hbm>>
    %dma_start3A_14 = arith.constant 0 : i32
    %dma_start3A_15 = arith.constant 0 : i32
    %dma_start3A_16 = tpu.memref_slice %arg2[%dma_start3A_14, %mul3A_2, %dma_start3A_15] : memref<9x4096x1024xf32, #tpu.memory_space<hbm>> -> memref<9x1x1024xf32, #tpu.memory_space<hbm>>
    %dma_start3A_17 = tpu.memref_squeeze %dma_start3A_16 : memref<9x1x1024xf32, #tpu.memory_space<hbm>> -> memref<9x1024xf32, #tpu.memory_space<hbm>>
    tpu.enqueue_dma source(%dma_start3A_17 : memref<9x1024xf32, #tpu.memory_space<hbm>>) target(%arg5 : memref<9x1024xf32, #tpu.memory_space<vmem>>) target_semaphore(%arg12 : memref<!tpu.dma_semaphore, #tpu.memory_space<semaphore_mem>>)
    %add3A_18 = arith.constant 1 : i32
    %add3A_19 = arith.addi %mul3A_2, %add3A_18 : i32
    %dma_start3A_20 = arith.constant 0 : i32
    %dma_start3A_21 = arith.constant 0 : i32
    %dma_start3A_22 = tpu.memref_slice %arg2[%dma_start3A_20, %add3A_19, %dma_start3A_21] : memref<9x4096x1024xf32, #tpu.memory_space<hbm>> -> memref<9x1x1024xf32, #tpu.memory_space<hbm>>
    %dma_start3A_23 = tpu.memref_squeeze %dma_start3A_22 : memref<9x1x1024xf32, #tpu.memory_space<hbm>> -> memref<9x1024xf32, #tpu.memory_space<hbm>>
    %dma_start3A_24 = arith.constant 0 : i32
    %dma_start3A_25 = arith.constant 0 : i32
    %dma_start3A_26 = tpu.memref_slice %arg2[%dma_start3A_24, %add3A_19, %dma_start3A_25] : memref<9x4096x1024xf32, #tpu.memory_space<hbm>> -> memref<9x1x1024xf32, #tpu.memory_space<hbm>>
    %dma_start3A_27 = tpu.memref_squeeze %dma_start3A_26 : memref<9x1x1024xf32, #tpu.memory_space<hbm>> -> memref<9x1024xf32, #tpu.memory_space<hbm>>
    tpu.enqueue_dma source(%dma_start3A_27 : memref<9x1024xf32, #tpu.memory_space<hbm>>) target(%arg6 : memref<9x1024xf32, #tpu.memory_space<vmem>>) target_semaphore(%arg13 : memref<!tpu.dma_semaphore, #tpu.memory_space<semaphore_mem>>)
    %dma_wait3A = arith.constant 0 : i32
    %dma_wait3A_28 = arith.constant 0 : i32
    %dma_wait3A_29 = tpu.memref_slice %arg2[%dma_wait3A, %mul3A_2, %dma_wait3A_28] : memref<9x4096x1024xf32, #tpu.memory_space<hbm>> -> memref<9x1x1024xf32, #tpu.memory_space<hbm>>
    %dma_wait3A_30 = tpu.memref_squeeze %dma_wait3A_29 : memref<9x1x1024xf32, #tpu.memory_space<hbm>> -> memref<9x1024xf32, #tpu.memory_space<hbm>>
    %dma_wait3A_31 = arith.constant 0 : i32
    %dma_wait3A_32 = arith.constant 0 : i32
    %dma_wait3A_33 = tpu.memref_slice %arg2[%dma_wait3A_31, %mul3A_2, %dma_wait3A_32] : memref<9x4096x1024xf32, #tpu.memory_space<hbm>> -> memref<9x1x1024xf32, #tpu.memory_space<hbm>>
    %dma_wait3A_34 = tpu.memref_squeeze %dma_wait3A_33 : memref<9x1x1024xf32, #tpu.memory_space<hbm>> -> memref<9x1024xf32, #tpu.memory_space<hbm>>
    tpu.wait_dma2 semaphore(%arg12 : memref<!tpu.dma_semaphore, #tpu.memory_space<semaphore_mem>>) src(%dma_wait3A_34 : memref<9x1024xf32, #tpu.memory_space<hbm>>) dst(%arg5 : memref<9x1024xf32, #tpu.memory_space<vmem>>)
    %parallel_loop3A = arith.constant 0 : i32
    %parallel_loop3A_35 = arith.constant 1024 : i32
    %parallel_loop3A_36 = arith.constant 16 : i32
    scf.for %parallel_loop3A_63 = %parallel_loop3A to %parallel_loop3A_35 step %parallel_loop3A_36  : i32 {
      %parallel_loop3A_64 = arith.constant 0 : i32
      %parallel_loop3A_65 = arith.index_cast %parallel_loop3A_64 : i32 to index
      %parallel_loop3A_66 = arith.index_cast %parallel_loop3A_63 : i32 to index
      %parallel_loop3A_67 = tpu.vector_load %arg5[%parallel_loop3A_65, %parallel_loop3A_66] {strides = array<i32>} : memref<9x1024xf32, #tpu.memory_space<vmem>>, vector<16xf32>,
      %parallel_loop3A_68 = arith.constant 3 : i32
      %parallel_loop3A_69 = arith.index_cast %parallel_loop3A_68 : i32 to index
      %parallel_loop3A_70 = arith.index_cast %parallel_loop3A_63 : i32 to index
      %parallel_loop3A_71 = tpu.vector_load %arg5[%parallel_loop3A_69, %parallel_loop3A_70] {strides = array<i32>} : memref<9x1024xf32, #tpu.memory_space<vmem>>, vector<16xf32>,
      %parallel_loop3A_72 = arith.addf %parallel_loop3A_67, %parallel_loop3A_71 : vector<16xf32>
      %parallel_loop3A_73 = arith.constant 6 : i32
      %parallel_loop3A_74 = arith.index_cast %parallel_loop3A_73 : i32 to index
      %parallel_loop3A_75 = arith.index_cast %parallel_loop3A_63 : i32 to index
      %parallel_loop3A_76 = tpu.vector_load %arg5[%parallel_loop3A_74, %parallel_loop3A_75] {strides = array<i32>} : memref<9x1024xf32, #tpu.memory_space<vmem>>, vector<16xf32>,
      %parallel_loop3A_77 = arith.addf %parallel_loop3A_72, %parallel_loop3A_76 : vector<16xf32>
      %parallel_loop3A_78 = arith.constant 0 : i32
      %parallel_loop3A_79 = arith.index_cast %parallel_loop3A_78 : i32 to index
      %parallel_loop3A_80 = arith.index_cast %parallel_loop3A_63 : i32 to index
      %parallel_loop3A_81 = tpu.vector_load %arg8[%parallel_loop3A_79, %parallel_loop3A_80] {strides = array<i32>} : memref<3x1024xf32, #tpu.memory_space<vmem>>, vector<16xf32>,
      tpu.vector_store %arg8[%parallel_loop3A_79, %parallel_loop3A_80], %parallel_loop3A_77 {strides = array<i32>} : memref<3x1024xf32, #tpu.memory_space<vmem>>, vector<16xf32>,
      %parallel_loop3A_82 = arith.constant 1 : i32
      %parallel_loop3A_83 = arith.index_cast %parallel_loop3A_82 : i32 to index
      %parallel_loop3A_84 = arith.index_cast %parallel_loop3A_63 : i32 to index
      %parallel_loop3A_85 = tpu.vector_load %arg5[%parallel_loop3A_83, %parallel_loop3A_84] {strides = array<i32>} : memref<9x1024xf32, #tpu.memory_space<vmem>>, vector<16xf32>,
      %parallel_loop3A_86 = arith.constant 4 : i32
      %parallel_loop3A_87 = arith.index_cast %parallel_loop3A_86 : i32 to index
      %parallel_loop3A_88 = arith.index_cast %parallel_loop3A_63 : i32 to index
      %parallel_loop3A_89 = tpu.vector_load %arg5[%parallel_loop3A_87, %parallel_loop3A_88] {strides = array<i32>} : memref<9x1024xf32, #tpu.memory_space<vmem>>, vector<16xf32>,
      %parallel_loop3A_90 = arith.addf %parallel_loop3A_85, %parallel_loop3A_89 : vector<16xf32>
      %parallel_loop3A_91 = arith.constant 7 : i32
      %parallel_loop3A_92 = arith.index_cast %parallel_loop3A_91 : i32 to index
      %parallel_loop3A_93 = arith.index_cast %parallel_loop3A_63 : i32 to index
      %parallel_loop3A_94 = tpu.vector_load %arg5[%parallel_loop3A_92, %parallel_loop3A_93] {strides = array<i32>} : memref<9x1024xf32, #tpu.memory_space<vmem>>, vector<16xf32>,
      %parallel_loop3A_95 = arith.addf %parallel_loop3A_90, %parallel_loop3A_94 : vector<16xf32>
      %parallel_loop3A_96 = arith.constant 1 : i32
      %parallel_loop3A_97 = arith.index_cast %parallel_loop3A_96 : i32 to index
      %parallel_loop3A_98 = arith.index_cast %parallel_loop3A_63 : i32 to index
      %parallel_loop3A_99 = tpu.vector_load %arg8[%parallel_loop3A_97, %parallel_loop3A_98] {strides = array<i32>} : memref<3x1024xf32, #tpu.memory_space<vmem>>, vector<16xf32>,
      tpu.vector_store %arg8[%parallel_loop3A_97, %parallel_loop3A_98], %parallel_loop3A_95 {strides = array<i32>} : memref<3x1024xf32, #tpu.memory_space<vmem>>, vector<16xf32>,
      %parallel_loop3A_100 = arith.constant 2 : i32
      %parallel_loop3A_101 = arith.index_cast %parallel_loop3A_100 : i32 to index
      %parallel_loop3A_102 = arith.index_cast %parallel_loop3A_63 : i32 to index
      %parallel_loop3A_103 = tpu.vector_load %arg5[%parallel_loop3A_101, %parallel_loop3A_102] {strides = array<i32>} : memref<9x1024xf32, #tpu.memory_space<vmem>>, vector<16xf32>,
      %parallel_loop3A_104 = arith.constant 5 : i32
      %parallel_loop3A_105 = arith.index_cast %parallel_loop3A_104 : i32 to index
      %parallel_loop3A_106 = arith.index_cast %parallel_loop3A_63 : i32 to index
      %parallel_loop3A_107 = tpu.vector_load %arg5[%parallel_loop3A_105, %parallel_loop3A_106] {strides = array<i32>} : memref<9x1024xf32, #tpu.memory_space<vmem>>, vector<16xf32>,
      %parallel_loop3A_108 = arith.addf %parallel_loop3A_103, %parallel_loop3A_107 : vector<16xf32>
      %parallel_loop3A_109 = arith.constant 8 : i32
      %parallel_loop3A_110 = arith.index_cast %parallel_loop3A_109 : i32 to index
      %parallel_loop3A_111 = arith.index_cast %parallel_loop3A_63 : i32 to index
      %parallel_loop3A_112 = tpu.vector_load %arg5[%parallel_loop3A_110, %parallel_loop3A_111] {strides = array<i32>} : memref<9x1024xf32, #tpu.memory_space<vmem>>, vector<16xf32>,
      %parallel_loop3A_113 = arith.addf %parallel_loop3A_108, %parallel_loop3A_112 : vector<16xf32>
      %parallel_loop3A_114 = arith.constant 2 : i32
      %parallel_loop3A_115 = arith.index_cast %parallel_loop3A_114 : i32 to index
      %parallel_loop3A_116 = arith.index_cast %parallel_loop3A_63 : i32 to index
      %parallel_loop3A_117 = tpu.vector_load %arg8[%parallel_loop3A_115, %parallel_loop3A_116] {strides = array<i32>} : memref<3x1024xf32, #tpu.memory_space<vmem>>, vector<16xf32>,
      tpu.vector_store %arg8[%parallel_loop3A_115, %parallel_loop3A_116], %parallel_loop3A_113 {strides = array<i32>} : memref<3x1024xf32, #tpu.memory_space<vmem>>, vector<16xf32>,
    } {sc.loop_unroll_factor = 8 : i64, sc.parallel_access}
    %scan3A = arith.constant 0 : i32
    %scan3A_37 = arith.constant 0 : i32
    %scan3A_38 = arith.constant 64 : i32
    %scan3A_39 = arith.addi %scan3A_37, %scan3A_38 : i32
    %scan3A_40 = arith.constant 1 : i32
    %scan3A_41 = scf.for %scan3A_63 = %scan3A_37 to %scan3A_39 step %scan3A_40 iter_args(%scan3A_64 = %scan3A) -> (i32)  : i32 {
      %mul3A_65 = arith.constant 2 : i32
      %mul3A_66 = arith.muli %mul3A_65, %scan3A_63 : i32
      %add3A_67 = arith.addi %mul3A_2, %mul3A_66 : i32
      %add3A_68 = arith.constant 2 : i32
      %add3A_69 = arith.addi %add3A_67, %add3A_68 : i32
      %min3A = arith.minsi %add3A_69, %sub3A_5 : i32
      %dma_start3A_70 = arith.constant 0 : i32
      %dma_start3A_71 = arith.constant 0 : i32
      %dma_start3A_72 = tpu.memref_slice %arg2[%dma_start3A_70, %min3A, %dma_start3A_71] : memref<9x4096x1024xf32, #tpu.memory_space<hbm>> -> memref<9x1x1024xf32, #tpu.memory_space<hbm>>
      %dma_start3A_73 = tpu.memref_squeeze %dma_start3A_72 : memref<9x1x1024xf32, #tpu.memory_space<hbm>> -> memref<9x1024xf32, #tpu.memory_space<hbm>>
      %dma_start3A_74 = arith.constant 0 : i32
      %dma_start3A_75 = arith.constant 0 : i32
      %dma_start3A_76 = tpu.memref_slice %arg2[%dma_start3A_74, %min3A, %dma_start3A_75] : memref<9x4096x1024xf32, #tpu.memory_space<hbm>> -> memref<9x1x1024xf32, #tpu.memory_space<hbm>>
      %dma_start3A_77 = tpu.memref_squeeze %dma_start3A_76 : memref<9x1x1024xf32, #tpu.memory_space<hbm>> -> memref<9x1024xf32, #tpu.memory_space<hbm>>
      tpu.enqueue_dma source(%dma_start3A_77 : memref<9x1024xf32, #tpu.memory_space<hbm>>) target(%arg5 : memref<9x1024xf32, #tpu.memory_space<vmem>>) target_semaphore(%arg12 : memref<!tpu.dma_semaphore, #tpu.memory_space<semaphore_mem>>)
      %add3A_78 = arith.constant 1 : i32
      %add3A_79 = arith.addi %add3A_67, %add3A_78 : i32
      %dma_wait3A_80 = arith.constant 0 : i32
      %dma_wait3A_81 = arith.constant 0 : i32
      %dma_wait3A_82 = tpu.memref_slice %arg2[%dma_wait3A_80, %add3A_79, %dma_wait3A_81] : memref<9x4096x1024xf32, #tpu.memory_space<hbm>> -> memref<9x1x1024xf32, #tpu.memory_space<hbm>>
      %dma_wait3A_83 = tpu.memref_squeeze %dma_wait3A_82 : memref<9x1x1024xf32, #tpu.memory_space<hbm>> -> memref<9x1024xf32, #tpu.memory_space<hbm>>
      %dma_wait3A_84 = arith.constant 0 : i32
      %dma_wait3A_85 = arith.constant 0 : i32
      %dma_wait3A_86 = tpu.memref_slice %arg2[%dma_wait3A_84, %add3A_79, %dma_wait3A_85] : memref<9x4096x1024xf32, #tpu.memory_space<hbm>> -> memref<9x1x1024xf32, #tpu.memory_space<hbm>>
      %dma_wait3A_87 = tpu.memref_squeeze %dma_wait3A_86 : memref<9x1x1024xf32, #tpu.memory_space<hbm>> -> memref<9x1024xf32, #tpu.memory_space<hbm>>
      tpu.wait_dma2 semaphore(%arg13 : memref<!tpu.dma_semaphore, #tpu.memory_space<semaphore_mem>>) src(%dma_wait3A_87 : memref<9x1024xf32, #tpu.memory_space<hbm>>) dst(%arg6 : memref<9x1024xf32, #tpu.memory_space<vmem>>)
      %gt3A = arith.constant 1 : i32
      %gt3A_88 = arith.cmpi sgt, %mul3A_66, %gt3A : i32
      %convert_element_type3A = arith.extui %gt3A_88 : i1 to i32
      %cond3A = arith.constant 0 : i32
      %cond3A_89 = arith.cmpi ne, %convert_element_type3A, %cond3A : i32
      scf.if %cond3A_89 {
        %dma_wait3A_140 = arith.constant 0 : i32
        %dma_wait3A_141 = tpu.memref_slice %arg4[%add3A_67, %dma_wait3A_140] : memref<4096x512xf32, #tpu.memory_space<hbm>> -> memref<1x512xf32, #tpu.memory_space<hbm>>
        %dma_wait3A_142 = tpu.memref_squeeze %dma_wait3A_141 : memref<1x512xf32, #tpu.memory_space<hbm>> -> memref<512xf32, #tpu.memory_space<hbm>>
        %dma_wait3A_143 = arith.constant 0 : i32
        %dma_wait3A_144 = tpu.memref_slice %arg4[%add3A_67, %dma_wait3A_143] : memref<4096x512xf32, #tpu.memory_space<hbm>> -> memref<1x512xf32, #tpu.memory_space<hbm>>
        %dma_wait3A_145 = tpu.memref_squeeze %dma_wait3A_144 : memref<1x512xf32, #tpu.memory_space<hbm>> -> memref<512xf32, #tpu.memory_space<hbm>>
        tpu.wait_dma2 semaphore(%arg14 : memref<!tpu.dma_semaphore, #tpu.memory_space<semaphore_mem>>) src(%arg10 : memref<512xf32, #tpu.memory_space<vmem>>) dst(%dma_wait3A_145 : memref<512xf32, #tpu.memory_space<hbm>>)
      } else {
      }
      %parallel_loop3A_90 = arith.constant 0 : i32
      %parallel_loop3A_91 = arith.constant 512 : i32
      %parallel_loop3A_92 = arith.constant 16 : i32
      scf.for %parallel_loop3A_140 = %parallel_loop3A_90 to %parallel_loop3A_91 step %parallel_loop3A_92  : i32 {
        %parallel_loop3A_141 = arith.constant 2 : i32
        %parallel_loop3A_142 = arith.muli %parallel_loop3A_141, %parallel_loop3A_140 : i32
        %parallel_loop3A_143 = arith.constant 0 : i32
        %parallel_loop3A_144 = arith.index_cast %parallel_loop3A_143 : i32 to index
        %parallel_loop3A_145 = arith.index_cast %parallel_loop3A_142 : i32 to index
        %parallel_loop3A_146 = tpu.vector_load %arg6[%parallel_loop3A_144, %parallel_loop3A_145] {strides = array<i32>} : memref<9x1024xf32, #tpu.memory_space<vmem>>, vector<16xf32>,
        %parallel_loop3A_147 = arith.constant 3 : i32
        %parallel_loop3A_148 = arith.index_cast %parallel_loop3A_147 : i32 to index
        %parallel_loop3A_149 = arith.index_cast %parallel_loop3A_142 : i32 to index
        %parallel_loop3A_150 = tpu.vector_load %arg6[%parallel_loop3A_148, %parallel_loop3A_149] {strides = array<i32>} : memref<9x1024xf32, #tpu.memory_space<vmem>>, vector<16xf32>,
        %parallel_loop3A_151 = arith.addf %parallel_loop3A_146, %parallel_loop3A_150 : vector<16xf32>
        %parallel_loop3A_152 = arith.constant 6 : i32
        %parallel_loop3A_153 = arith.index_cast %parallel_loop3A_152 : i32 to index
        %parallel_loop3A_154 = arith.index_cast %parallel_loop3A_142 : i32 to index
        %parallel_loop3A_155 = tpu.vector_load %arg6[%parallel_loop3A_153, %parallel_loop3A_154] {strides = array<i32>} : memref<9x1024xf32, #tpu.memory_space<vmem>>, vector<16xf32>,
        %parallel_loop3A_156 = arith.addf %parallel_loop3A_151, %parallel_loop3A_155 : vector<16xf32>
        %parallel_loop3A_157 = arith.constant 0 : i32
        %parallel_loop3A_158 = arith.index_cast %parallel_loop3A_157 : i32 to index
        %parallel_loop3A_159 = arith.index_cast %parallel_loop3A_142 : i32 to index
        %parallel_loop3A_160 = tpu.vector_load %arg9[%parallel_loop3A_158, %parallel_loop3A_159] {strides = array<i32>} : memref<3x1024xf32, #tpu.memory_space<vmem>>, vector<16xf32>,
        tpu.vector_store %arg9[%parallel_loop3A_158, %parallel_loop3A_159], %parallel_loop3A_156 {strides = array<i32>} : memref<3x1024xf32, #tpu.memory_space<vmem>>, vector<16xf32>,
        %parallel_loop3A_161 = arith.constant 1 : i32
        %parallel_loop3A_162 = arith.index_cast %parallel_loop3A_161 : i32 to index
        %parallel_loop3A_163 = arith.index_cast %parallel_loop3A_142 : i32 to index
        %parallel_loop3A_164 = tpu.vector_load %arg6[%parallel_loop3A_162, %parallel_loop3A_163] {strides = array<i32>} : memref<9x1024xf32, #tpu.memory_space<vmem>>, vector<16xf32>,
        %parallel_loop3A_165 = arith.constant 4 : i32
        %parallel_loop3A_166 = arith.index_cast %parallel_loop3A_165 : i32 to index
        %parallel_loop3A_167 = arith.index_cast %parallel_loop3A_142 : i32 to index
        %parallel_loop3A_168 = tpu.vector_load %arg6[%parallel_loop3A_166, %parallel_loop3A_167] {strides = array<i32>} : memref<9x1024xf32, #tpu.memory_space<vmem>>, vector<16xf32>,
        %parallel_loop3A_169 = arith.addf %parallel_loop3A_164, %parallel_loop3A_168 : vector<16xf32>
        %parallel_loop3A_170 = arith.constant 7 : i32
        %parallel_loop3A_171 = arith.index_cast %parallel_loop3A_170 : i32 to index
        %parallel_loop3A_172 = arith.index_cast %parallel_loop3A_142 : i32 to index
        %parallel_loop3A_173 = tpu.vector_load %arg6[%parallel_loop3A_171, %parallel_loop3A_172] {strides = array<i32>} : memref<9x1024xf32, #tpu.memory_space<vmem>>, vector<16xf32>,
        %parallel_loop3A_174 = arith.addf %parallel_loop3A_169, %parallel_loop3A_173 : vector<16xf32>
        %parallel_loop3A_175 = arith.constant 1 : i32
        %parallel_loop3A_176 = arith.index_cast %parallel_loop3A_175 : i32 to index
        %parallel_loop3A_177 = arith.index_cast %parallel_loop3A_142 : i32 to index
        %parallel_loop3A_178 = tpu.vector_load %arg9[%parallel_loop3A_176, %parallel_loop3A_177] {strides = array<i32>} : memref<3x1024xf32, #tpu.memory_space<vmem>>, vector<16xf32>,
        tpu.vector_store %arg9[%parallel_loop3A_176, %parallel_loop3A_177], %parallel_loop3A_174 {strides = array<i32>} : memref<3x1024xf32, #tpu.memory_space<vmem>>, vector<16xf32>,
        %parallel_loop3A_179 = arith.constant 2 : i32
        %parallel_loop3A_180 = arith.index_cast %parallel_loop3A_179 : i32 to index
        %parallel_loop3A_181 = arith.index_cast %parallel_loop3A_142 : i32 to index
        %parallel_loop3A_182 = tpu.vector_load %arg6[%parallel_loop3A_180, %parallel_loop3A_181] {strides = array<i32>} : memref<9x1024xf32, #tpu.memory_space<vmem>>, vector<16xf32>,
        %parallel_loop3A_183 = arith.constant 5 : i32
        %parallel_loop3A_184 = arith.index_cast %parallel_loop3A_183 : i32 to index
        %parallel_loop3A_185 = arith.index_cast %parallel_loop3A_142 : i32 to index
        %parallel_loop3A_186 = tpu.vector_load %arg6[%parallel_loop3A_184, %parallel_loop3A_185] {strides = array<i32>} : memref<9x1024xf32, #tpu.memory_space<vmem>>, vector<16xf32>,
        %parallel_loop3A_187 = arith.addf %parallel_loop3A_182, %parallel_loop3A_186 : vector<16xf32>
        %parallel_loop3A_188 = arith.constant 8 : i32
        %parallel_loop3A_189 = arith.index_cast %parallel_loop3A_188 : i32 to index
        %parallel_loop3A_190 = arith.index_cast %parallel_loop3A_142 : i32 to index
        %parallel_loop3A_191 = tpu.vector_load %arg6[%parallel_loop3A_189, %parallel_loop3A_190] {strides = array<i32>} : memref<9x1024xf32, #tpu.memory_space<vmem>>, vector<16xf32>,
        %parallel_loop3A_192 = arith.addf %parallel_loop3A_187, %parallel_loop3A_191 : vector<16xf32>
        %parallel_loop3A_193 = arith.constant 2 : i32
        %parallel_loop3A_194 = arith.index_cast %parallel_loop3A_193 : i32 to index
        %parallel_loop3A_195 = arith.index_cast %parallel_loop3A_142 : i32 to index
        %parallel_loop3A_196 = tpu.vector_load %arg9[%parallel_loop3A_194, %parallel_loop3A_195] {strides = array<i32>} : memref<3x1024xf32, #tpu.memory_space<vmem>>, vector<16xf32>,
        tpu.vector_store %arg9[%parallel_loop3A_194, %parallel_loop3A_195], %parallel_loop3A_192 {strides = array<i32>} : memref<3x1024xf32, #tpu.memory_space<vmem>>, vector<16xf32>,
        %parallel_loop3A_197 = arith.constant 2 : i32
        %parallel_loop3A_198 = arith.muli %parallel_loop3A_197, %parallel_loop3A_140 : i32
        %parallel_loop3A_199 = arith.constant 16 : i32
        %parallel_loop3A_200 = arith.addi %parallel_loop3A_198, %parallel_loop3A_199 : i32
        %parallel_loop3A_201 = arith.constant 0 : i32
        %parallel_loop3A_202 = arith.index_cast %parallel_loop3A_201 : i32 to index
        %parallel_loop3A_203 = arith.index_cast %parallel_loop3A_200 : i32 to index
        %parallel_loop3A_204 = tpu.vector_load %arg6[%parallel_loop3A_202, %parallel_loop3A_203] {strides = array<i32>} : memref<9x1024xf32, #tpu.memory_space<vmem>>, vector<16xf32>,
        %parallel_loop3A_205 = arith.constant 3 : i32
        %parallel_loop3A_206 = arith.index_cast %parallel_loop3A_205 : i32 to index
        %parallel_loop3A_207 = arith.index_cast %parallel_loop3A_200 : i32 to index
        %parallel_loop3A_208 = tpu.vector_load %arg6[%parallel_loop3A_206, %parallel_loop3A_207] {strides = array<i32>} : memref<9x1024xf32, #tpu.memory_space<vmem>>, vector<16xf32>,
        %parallel_loop3A_209 = arith.addf %parallel_loop3A_204, %parallel_loop3A_208 : vector<16xf32>
        %parallel_loop3A_210 = arith.constant 6 : i32
        %parallel_loop3A_211 = arith.index_cast %parallel_loop3A_210 : i32 to index
        %parallel_loop3A_212 = arith.index_cast %parallel_loop3A_200 : i32 to index
        %parallel_loop3A_213 = tpu.vector_load %arg6[%parallel_loop3A_211, %parallel_loop3A_212] {strides = array<i32>} : memref<9x1024xf32, #tpu.memory_space<vmem>>, vector<16xf32>,
        %parallel_loop3A_214 = arith.addf %parallel_loop3A_209, %parallel_loop3A_213 : vector<16xf32>
        %parallel_loop3A_215 = arith.constant 0 : i32
        %parallel_loop3A_216 = arith.index_cast %parallel_loop3A_215 : i32 to index
        %parallel_loop3A_217 = arith.index_cast %parallel_loop3A_200 : i32 to index
        %parallel_loop3A_218 = tpu.vector_load %arg9[%parallel_loop3A_216, %parallel_loop3A_217] {strides = array<i32>} : memref<3x1024xf32, #tpu.memory_space<vmem>>, vector<16xf32>,
        tpu.vector_store %arg9[%parallel_loop3A_216, %parallel_loop3A_217], %parallel_loop3A_214 {strides = array<i32>} : memref<3x1024xf32, #tpu.memory_space<vmem>>, vector<16xf32>,
        %parallel_loop3A_219 = arith.constant 1 : i32
        %parallel_loop3A_220 = arith.index_cast %parallel_loop3A_219 : i32 to index
        %parallel_loop3A_221 = arith.index_cast %parallel_loop3A_200 : i32 to index
        %parallel_loop3A_222 = tpu.vector_load %arg6[%parallel_loop3A_220, %parallel_loop3A_221] {strides = array<i32>} : memref<9x1024xf32, #tpu.memory_space<vmem>>, vector<16xf32>,
        %parallel_loop3A_223 = arith.constant 4 : i32
        %parallel_loop3A_224 = arith.index_cast %parallel_loop3A_223 : i32 to index
        %parallel_loop3A_225 = arith.index_cast %parallel_loop3A_200 : i32 to index
        %parallel_loop3A_226 = tpu.vector_load %arg6[%parallel_loop3A_224, %parallel_loop3A_225] {strides = array<i32>} : memref<9x1024xf32, #tpu.memory_space<vmem>>, vector<16xf32>,
        %parallel_loop3A_227 = arith.addf %parallel_loop3A_222, %parallel_loop3A_226 : vector<16xf32>
        %parallel_loop3A_228 = arith.constant 7 : i32
        %parallel_loop3A_229 = arith.index_cast %parallel_loop3A_228 : i32 to index
        %parallel_loop3A_230 = arith.index_cast %parallel_loop3A_200 : i32 to index
        %parallel_loop3A_231 = tpu.vector_load %arg6[%parallel_loop3A_229, %parallel_loop3A_230] {strides = array<i32>} : memref<9x1024xf32, #tpu.memory_space<vmem>>, vector<16xf32>,
        %parallel_loop3A_232 = arith.addf %parallel_loop3A_227, %parallel_loop3A_231 : vector<16xf32>
        %parallel_loop3A_233 = arith.constant 1 : i32
        %parallel_loop3A_234 = arith.index_cast %parallel_loop3A_233 : i32 to index
        %parallel_loop3A_235 = arith.index_cast %parallel_loop3A_200 : i32 to index
        %parallel_loop3A_236 = tpu.vector_load %arg9[%parallel_loop3A_234, %parallel_loop3A_235] {strides = array<i32>} : memref<3x1024xf32, #tpu.memory_space<vmem>>, vector<16xf32>,
        tpu.vector_store %arg9[%parallel_loop3A_234, %parallel_loop3A_235], %parallel_loop3A_232 {strides = array<i32>} : memref<3x1024xf32, #tpu.memory_space<vmem>>, vector<16xf32>,
        %parallel_loop3A_237 = arith.constant 2 : i32
        %parallel_loop3A_238 = arith.index_cast %parallel_loop3A_237 : i32 to index
        %parallel_loop3A_239 = arith.index_cast %parallel_loop3A_200 : i32 to index
        %parallel_loop3A_240 = tpu.vector_load %arg6[%parallel_loop3A_238, %parallel_loop3A_239] {strides = array<i32>} : memref<9x1024xf32, #tpu.memory_space<vmem>>, vector<16xf32>,
        %parallel_loop3A_241 = arith.constant 5 : i32
        %parallel_loop3A_242 = arith.index_cast %parallel_loop3A_241 : i32 to index
        %parallel_loop3A_243 = arith.index_cast %parallel_loop3A_200 : i32 to index
        %parallel_loop3A_244 = tpu.vector_load %arg6[%parallel_loop3A_242, %parallel_loop3A_243] {strides = array<i32>} : memref<9x1024xf32, #tpu.memory_space<vmem>>, vector<16xf32>,
        %parallel_loop3A_245 = arith.addf %parallel_loop3A_240, %parallel_loop3A_244 : vector<16xf32>
        %parallel_loop3A_246 = arith.constant 8 : i32
        %parallel_loop3A_247 = arith.index_cast %parallel_loop3A_246 : i32 to index
        %parallel_loop3A_248 = arith.index_cast %parallel_loop3A_200 : i32 to index
        %parallel_loop3A_249 = tpu.vector_load %arg6[%parallel_loop3A_247, %parallel_loop3A_248] {strides = array<i32>} : memref<9x1024xf32, #tpu.memory_space<vmem>>, vector<16xf32>,
        %parallel_loop3A_250 = arith.addf %parallel_loop3A_245, %parallel_loop3A_249 : vector<16xf32>
        %parallel_loop3A_251 = arith.constant 2 : i32
        %parallel_loop3A_252 = arith.index_cast %parallel_loop3A_251 : i32 to index
        %parallel_loop3A_253 = arith.index_cast %parallel_loop3A_200 : i32 to index
        %parallel_loop3A_254 = tpu.vector_load %arg9[%parallel_loop3A_252, %parallel_loop3A_253] {strides = array<i32>} : memref<3x1024xf32, #tpu.memory_space<vmem>>, vector<16xf32>,
        tpu.vector_store %arg9[%parallel_loop3A_252, %parallel_loop3A_253], %parallel_loop3A_250 {strides = array<i32>} : memref<3x1024xf32, #tpu.memory_space<vmem>>, vector<16xf32>,
        %parallel_loop3A_255 = arith.constant 0 : i32
        %parallel_loop3A_256 = arith.index_cast %parallel_loop3A_255 : i32 to index
        %parallel_loop3A_257 = arith.index_cast %parallel_loop3A_140 : i32 to index
        %parallel_loop3A_258 = tpu.vector_load %arg7[%parallel_loop3A_256, %parallel_loop3A_257] {strides = array<i32>} : memref<4x512xi32, #tpu.memory_space<vmem>>, vector<16xi32>,
        %parallel_loop3A_259 = arith.constant 1 : i32
        %parallel_loop3A_260 = arith.index_cast %parallel_loop3A_259 : i32 to index
        %parallel_loop3A_261 = arith.index_cast %parallel_loop3A_140 : i32 to index
        %parallel_loop3A_262 = tpu.vector_load %arg7[%parallel_loop3A_260, %parallel_loop3A_261] {strides = array<i32>} : memref<4x512xi32, #tpu.memory_space<vmem>>, vector<16xi32>,
        %parallel_loop3A_263 = arith.constant 2 : i32
        %parallel_loop3A_264 = arith.index_cast %parallel_loop3A_263 : i32 to index
        %parallel_loop3A_265 = arith.index_cast %parallel_loop3A_140 : i32 to index
        %parallel_loop3A_266 = tpu.vector_load %arg7[%parallel_loop3A_264, %parallel_loop3A_265] {strides = array<i32>} : memref<4x512xi32, #tpu.memory_space<vmem>>, vector<16xi32>,
        %parallel_loop3A_267 = arith.constant 3 : i32
        %parallel_loop3A_268 = arith.index_cast %parallel_loop3A_267 : i32 to index
        %parallel_loop3A_269 = arith.index_cast %parallel_loop3A_140 : i32 to index
        %parallel_loop3A_270 = tpu.vector_load %arg7[%parallel_loop3A_268, %parallel_loop3A_269] {strides = array<i32>} : memref<4x512xi32, #tpu.memory_space<vmem>>, vector<16xi32>,
        %parallel_loop3A_271 = tpu.vector_load_idx %arg8[%broadcast_in_dim3A_6, %parallel_loop3A_258] : memref<3x1024xf32, #tpu.memory_space<vmem>>[vector<16xi32>, vector<16xi32>], vector<16xf32>,
        %parallel_loop3A_272 = tpu.vector_load_idx %arg8[%broadcast_in_dim3A_6, %parallel_loop3A_262] : memref<3x1024xf32, #tpu.memory_space<vmem>>[vector<16xi32>, vector<16xi32>], vector<16xf32>,
        %parallel_loop3A_273 = arith.subf %parallel_loop3A_271, %parallel_loop3A_272 : vector<16xf32>
        %parallel_loop3A_274 = tpu.vector_load_idx %arg8[%broadcast_in_dim3A_8, %parallel_loop3A_258] : memref<3x1024xf32, #tpu.memory_space<vmem>>[vector<16xi32>, vector<16xi32>], vector<16xf32>,
        %parallel_loop3A_275 = tpu.vector_load_idx %arg8[%broadcast_in_dim3A_8, %parallel_loop3A_262] : memref<3x1024xf32, #tpu.memory_space<vmem>>[vector<16xi32>, vector<16xi32>], vector<16xf32>,
        %parallel_loop3A_276 = arith.subf %parallel_loop3A_274, %parallel_loop3A_275 : vector<16xf32>
        %parallel_loop3A_277 = tpu.vector_load_idx %arg8[%broadcast_in_dim3A_10, %parallel_loop3A_258] : memref<3x1024xf32, #tpu.memory_space<vmem>>[vector<16xi32>, vector<16xi32>], vector<16xf32>,
        %parallel_loop3A_278 = tpu.vector_load_idx %arg8[%broadcast_in_dim3A_10, %parallel_loop3A_262] : memref<3x1024xf32, #tpu.memory_space<vmem>>[vector<16xi32>, vector<16xi32>], vector<16xf32>,
        %parallel_loop3A_279 = arith.subf %parallel_loop3A_277, %parallel_loop3A_278 : vector<16xf32>
        %parallel_loop3A_280 = tpu.vector_load_idx %arg8[%broadcast_in_dim3A_6, %parallel_loop3A_270] : memref<3x1024xf32, #tpu.memory_space<vmem>>[vector<16xi32>, vector<16xi32>], vector<16xf32>,
        %parallel_loop3A_281 = tpu.vector_load_idx %arg8[%broadcast_in_dim3A_6, %parallel_loop3A_266] : memref<3x1024xf32, #tpu.memory_space<vmem>>[vector<16xi32>, vector<16xi32>], vector<16xf32>,
        %parallel_loop3A_282 = arith.subf %parallel_loop3A_280, %parallel_loop3A_281 : vector<16xf32>
        %parallel_loop3A_283 = tpu.vector_load_idx %arg8[%broadcast_in_dim3A_8, %parallel_loop3A_270] : memref<3x1024xf32, #tpu.memory_space<vmem>>[vector<16xi32>, vector<16xi32>], vector<16xf32>,
        %parallel_loop3A_284 = tpu.vector_load_idx %arg8[%broadcast_in_dim3A_8, %parallel_loop3A_266] : memref<3x1024xf32, #tpu.memory_space<vmem>>[vector<16xi32>, vector<16xi32>], vector<16xf32>,
        %parallel_loop3A_285 = arith.subf %parallel_loop3A_283, %parallel_loop3A_284 : vector<16xf32>
        %parallel_loop3A_286 = tpu.vector_load_idx %arg8[%broadcast_in_dim3A_10, %parallel_loop3A_270] : memref<3x1024xf32, #tpu.memory_space<vmem>>[vector<16xi32>, vector<16xi32>], vector<16xf32>,
        %parallel_loop3A_287 = tpu.vector_load_idx %arg8[%broadcast_in_dim3A_10, %parallel_loop3A_266] : memref<3x1024xf32, #tpu.memory_space<vmem>>[vector<16xi32>, vector<16xi32>], vector<16xf32>,
        %parallel_loop3A_288 = arith.subf %parallel_loop3A_286, %parallel_loop3A_287 : vector<16xf32>
        %parallel_loop3A_289 = arith.mulf %parallel_loop3A_273, %parallel_loop3A_282 : vector<16xf32>
        %parallel_loop3A_290 = arith.mulf %parallel_loop3A_276, %parallel_loop3A_285 : vector<16xf32>
        %parallel_loop3A_291 = arith.addf %parallel_loop3A_289, %parallel_loop3A_290 : vector<16xf32>
        %parallel_loop3A_292 = arith.mulf %parallel_loop3A_279, %parallel_loop3A_288 : vector<16xf32>
        %parallel_loop3A_293 = arith.addf %parallel_loop3A_291, %parallel_loop3A_292 : vector<16xf32>
        %parallel_loop3A_294 = arith.mulf %parallel_loop3A_273, %parallel_loop3A_273 : vector<16xf32>
        %parallel_loop3A_295 = arith.mulf %parallel_loop3A_276, %parallel_loop3A_276 : vector<16xf32>
        %parallel_loop3A_296 = arith.addf %parallel_loop3A_294, %parallel_loop3A_295 : vector<16xf32>
        %parallel_loop3A_297 = arith.mulf %parallel_loop3A_279, %parallel_loop3A_279 : vector<16xf32>
        %parallel_loop3A_298 = arith.addf %parallel_loop3A_296, %parallel_loop3A_297 : vector<16xf32>
        %parallel_loop3A_299 = arith.mulf %parallel_loop3A_282, %parallel_loop3A_282 : vector<16xf32>
        %parallel_loop3A_300 = arith.mulf %parallel_loop3A_285, %parallel_loop3A_285 : vector<16xf32>
        %parallel_loop3A_301 = arith.addf %parallel_loop3A_299, %parallel_loop3A_300 : vector<16xf32>
        %parallel_loop3A_302 = arith.mulf %parallel_loop3A_288, %parallel_loop3A_288 : vector<16xf32>
        %parallel_loop3A_303 = arith.addf %parallel_loop3A_301, %parallel_loop3A_302 : vector<16xf32>
        %parallel_loop3A_304 = arith.mulf %parallel_loop3A_298, %parallel_loop3A_303 : vector<16xf32>
        %parallel_loop3A_305 = arith.constant 1.000000e-30 : f32
        %parallel_loop3A_306 = vector.broadcast %parallel_loop3A_305 : f32 to vector<16xf32>
        %parallel_loop3A_307 = arith.maximumf %parallel_loop3A_304, %parallel_loop3A_306 : vector<16xf32>
        %parallel_loop3A_308 = vector.bitcast %parallel_loop3A_307 : vector<16xf32> to vector<16xi32>
        %parallel_loop3A_309 = arith.constant 1 : i32
        %parallel_loop3A_310 = vector.broadcast %parallel_loop3A_309 : i32 to vector<16xi32>
        %parallel_loop3A_311 = arith.shrsi %parallel_loop3A_308, %parallel_loop3A_310 : vector<16xi32>
        %parallel_loop3A_312 = arith.constant 1597463007 : i32
        %parallel_loop3A_313 = vector.broadcast %parallel_loop3A_312 : i32 to vector<16xi32>
        %parallel_loop3A_314 = arith.subi %parallel_loop3A_313, %parallel_loop3A_311 : vector<16xi32>
        %parallel_loop3A_315 = vector.bitcast %parallel_loop3A_314 : vector<16xi32> to vector<16xf32>
        %parallel_loop3A_316 = arith.constant 5.000000e-01 : f32
        %parallel_loop3A_317 = vector.broadcast %parallel_loop3A_316 : f32 to vector<16xf32>
        %parallel_loop3A_318 = arith.mulf %parallel_loop3A_317, %parallel_loop3A_307 : vector<16xf32>
        %parallel_loop3A_319 = arith.mulf %parallel_loop3A_318, %parallel_loop3A_315 : vector<16xf32>
        %parallel_loop3A_320 = arith.mulf %parallel_loop3A_319, %parallel_loop3A_315 : vector<16xf32>
        %parallel_loop3A_321 = arith.constant 1.500000e+00 : f32
        %parallel_loop3A_322 = vector.broadcast %parallel_loop3A_321 : f32 to vector<16xf32>
        %parallel_loop3A_323 = arith.subf %parallel_loop3A_322, %parallel_loop3A_320 : vector<16xf32>
        %parallel_loop3A_324 = arith.mulf %parallel_loop3A_315, %parallel_loop3A_323 : vector<16xf32>
        %parallel_loop3A_325 = arith.constant 5.000000e-01 : f32
        %parallel_loop3A_326 = vector.broadcast %parallel_loop3A_325 : f32 to vector<16xf32>
        %parallel_loop3A_327 = arith.mulf %parallel_loop3A_326, %parallel_loop3A_307 : vector<16xf32>
        %parallel_loop3A_328 = arith.mulf %parallel_loop3A_327, %parallel_loop3A_324 : vector<16xf32>
        %parallel_loop3A_329 = arith.mulf %parallel_loop3A_328, %parallel_loop3A_324 : vector<16xf32>
        %parallel_loop3A_330 = arith.constant 1.500000e+00 : f32
        %parallel_loop3A_331 = vector.broadcast %parallel_loop3A_330 : f32 to vector<16xf32>
        %parallel_loop3A_332 = arith.subf %parallel_loop3A_331, %parallel_loop3A_329 : vector<16xf32>
        %parallel_loop3A_333 = arith.mulf %parallel_loop3A_324, %parallel_loop3A_332 : vector<16xf32>
        %parallel_loop3A_334 = arith.mulf %parallel_loop3A_293, %parallel_loop3A_333 : vector<16xf32>
        %parallel_loop3A_335 = arith.constant -1.000000e+00 : f32
        %parallel_loop3A_336 = arith.constant 1.000000e+00 : f32
        %parallel_loop3A_337 = vector.broadcast %parallel_loop3A_335 : f32 to vector<16xf32>
        %parallel_loop3A_338 = arith.maximumf %parallel_loop3A_337, %parallel_loop3A_334 : vector<16xf32>
        %parallel_loop3A_339 = vector.broadcast %parallel_loop3A_336 : f32 to vector<16xf32>
        %parallel_loop3A_340 = arith.minimumf %parallel_loop3A_339, %parallel_loop3A_338 : vector<16xf32>
        %parallel_loop3A_341 = math.absf %parallel_loop3A_340 : vector<16xf32>
        %parallel_loop3A_342 = arith.constant 1.000000e+00 : f32
        %parallel_loop3A_343 = vector.broadcast %parallel_loop3A_342 : f32 to vector<16xf32>
        %parallel_loop3A_344 = arith.subf %parallel_loop3A_343, %parallel_loop3A_341 : vector<16xf32>
        %parallel_loop3A_345 = arith.constant 1.000000e-30 : f32
        %parallel_loop3A_346 = vector.broadcast %parallel_loop3A_345 : f32 to vector<16xf32>
        %parallel_loop3A_347 = arith.maximumf %parallel_loop3A_344, %parallel_loop3A_346 : vector<16xf32>
        %parallel_loop3A_348 = vector.bitcast %parallel_loop3A_347 : vector<16xf32> to vector<16xi32>
        %parallel_loop3A_349 = arith.constant 1 : i32
        %parallel_loop3A_350 = vector.broadcast %parallel_loop3A_349 : i32 to vector<16xi32>
        %parallel_loop3A_351 = arith.shrsi %parallel_loop3A_348, %parallel_loop3A_350 : vector<16xi32>
        %parallel_loop3A_352 = arith.constant 1597463007 : i32
        %parallel_loop3A_353 = vector.broadcast %parallel_loop3A_352 : i32 to vector<16xi32>
        %parallel_loop3A_354 = arith.subi %parallel_loop3A_353, %parallel_loop3A_351 : vector<16xi32>
        %parallel_loop3A_355 = vector.bitcast %parallel_loop3A_354 : vector<16xi32> to vector<16xf32>
        %parallel_loop3A_356 = arith.constant 5.000000e-01 : f32
        %parallel_loop3A_357 = vector.broadcast %parallel_loop3A_356 : f32 to vector<16xf32>
        %parallel_loop3A_358 = arith.mulf %parallel_loop3A_357, %parallel_loop3A_347 : vector<16xf32>
        %parallel_loop3A_359 = arith.mulf %parallel_loop3A_358, %parallel_loop3A_355 : vector<16xf32>
        %parallel_loop3A_360 = arith.mulf %parallel_loop3A_359, %parallel_loop3A_355 : vector<16xf32>
        %parallel_loop3A_361 = arith.constant 1.500000e+00 : f32
        %parallel_loop3A_362 = vector.broadcast %parallel_loop3A_361 : f32 to vector<16xf32>
        %parallel_loop3A_363 = arith.subf %parallel_loop3A_362, %parallel_loop3A_360 : vector<16xf32>
        %parallel_loop3A_364 = arith.mulf %parallel_loop3A_355, %parallel_loop3A_363 : vector<16xf32>
        %parallel_loop3A_365 = arith.constant 5.000000e-01 : f32
        %parallel_loop3A_366 = vector.broadcast %parallel_loop3A_365 : f32 to vector<16xf32>
        %parallel_loop3A_367 = arith.mulf %parallel_loop3A_366, %parallel_loop3A_347 : vector<16xf32>
        %parallel_loop3A_368 = arith.mulf %parallel_loop3A_367, %parallel_loop3A_364 : vector<16xf32>
        %parallel_loop3A_369 = arith.mulf %parallel_loop3A_368, %parallel_loop3A_364 : vector<16xf32>
        %parallel_loop3A_370 = arith.constant 1.500000e+00 : f32
        %parallel_loop3A_371 = vector.broadcast %parallel_loop3A_370 : f32 to vector<16xf32>
        %parallel_loop3A_372 = arith.subf %parallel_loop3A_371, %parallel_loop3A_369 : vector<16xf32>
        %parallel_loop3A_373 = arith.mulf %parallel_loop3A_364, %parallel_loop3A_372 : vector<16xf32>
        %parallel_loop3A_374 = arith.mulf %parallel_loop3A_344, %parallel_loop3A_373 : vector<16xf32>
        %parallel_loop3A_375 = arith.constant -1.872930e-02 : f32
        %parallel_loop3A_376 = vector.broadcast %parallel_loop3A_375 : f32 to vector<16xf32>
        %parallel_loop3A_377 = arith.mulf %parallel_loop3A_341, %parallel_loop3A_376 : vector<16xf32>
        %parallel_loop3A_378 = arith.constant 7.426100e-02 : f32
        %parallel_loop3A_379 = vector.broadcast %parallel_loop3A_378 : f32 to vector<16xf32>
        %parallel_loop3A_380 = arith.addf %parallel_loop3A_379, %parallel_loop3A_377 : vector<16xf32>
        %parallel_loop3A_381 = arith.mulf %parallel_loop3A_341, %parallel_loop3A_380 : vector<16xf32>
        %parallel_loop3A_382 = arith.constant -0.212114394 : f32
        %parallel_loop3A_383 = vector.broadcast %parallel_loop3A_382 : f32 to vector<16xf32>
        %parallel_loop3A_384 = arith.addf %parallel_loop3A_383, %parallel_loop3A_381 : vector<16xf32>
        %parallel_loop3A_385 = arith.mulf %parallel_loop3A_341, %parallel_loop3A_384 : vector<16xf32>
        %parallel_loop3A_386 = arith.constant 1.57072878 : f32
        %parallel_loop3A_387 = vector.broadcast %parallel_loop3A_386 : f32 to vector<16xf32>
        %parallel_loop3A_388 = arith.addf %parallel_loop3A_387, %parallel_loop3A_385 : vector<16xf32>
        %parallel_loop3A_389 = arith.mulf %parallel_loop3A_374, %parallel_loop3A_388 : vector<16xf32>
        %parallel_loop3A_390 = arith.constant 0.000000e+00 : f32
        %parallel_loop3A_391 = vector.broadcast %parallel_loop3A_390 : f32 to vector<16xf32>
        %parallel_loop3A_392 = arith.cmpf olt, %parallel_loop3A_340, %parallel_loop3A_391 : vector<16xf32>
        %parallel_loop3A_393 = arith.constant 3.14159274 : f32
        %parallel_loop3A_394 = vector.broadcast %parallel_loop3A_393 : f32 to vector<16xf32>
        %parallel_loop3A_395 = arith.subf %parallel_loop3A_394, %parallel_loop3A_389 : vector<16xf32>
        %parallel_loop3A_396 = arith.select %parallel_loop3A_392, %parallel_loop3A_395, %parallel_loop3A_389 : vector<16xi1>, vector<16xf32>
        %parallel_loop3A_397 = arith.index_cast %parallel_loop3A_140 : i32 to index
        %parallel_loop3A_398 = tpu.vector_load %arg10[%parallel_loop3A_397] {strides = array<i32>} : memref<512xf32, #tpu.memory_space<vmem>>, vector<16xf32>,
        tpu.vector_store %arg10[%parallel_loop3A_397], %parallel_loop3A_396 {strides = array<i32>} : memref<512xf32, #tpu.memory_space<vmem>>, vector<16xf32>,
      } {sc.loop_unroll_factor = 2 : i64, sc.parallel_access}
      %dma_start3A_93 = arith.constant 0 : i32
      %dma_start3A_94 = tpu.memref_slice %arg4[%add3A_67, %dma_start3A_93] : memref<4096x512xf32, #tpu.memory_space<hbm>> -> memref<1x512xf32, #tpu.memory_space<hbm>>
      %dma_start3A_95 = tpu.memref_squeeze %dma_start3A_94 : memref<1x512xf32, #tpu.memory_space<hbm>> -> memref<512xf32, #tpu.memory_space<hbm>>
      %dma_start3A_96 = arith.constant 0 : i32
      %dma_start3A_97 = tpu.memref_slice %arg4[%add3A_67, %dma_start3A_96] : memref<4096x512xf32, #tpu.memory_space<hbm>> -> memref<1x512xf32, #tpu.memory_space<hbm>>
      %dma_start3A_98 = tpu.memref_squeeze %dma_start3A_97 : memref<1x512xf32, #tpu.memory_space<hbm>> -> memref<512xf32, #tpu.memory_space<hbm>>
      tpu.enqueue_dma source(%arg10 : memref<512xf32, #tpu.memory_space<vmem>>) target(%dma_start3A_98 : memref<512xf32, #tpu.memory_space<hbm>>) target_semaphore(%arg14 : memref<!tpu.dma_semaphore, #tpu.memory_space<semaphore_mem>>)
      %mul3A_99 = arith.constant 2 : i32
      %mul3A_100 = arith.muli %mul3A_99, %scan3A_63 : i32
      %add3A_101 = arith.constant 1 : i32
      %add3A_102 = arith.addi %mul3A_100, %add3A_101 : i32
      %add3A_103 = arith.addi %mul3A_2, %add3A_102 : i32
      %add3A_104 = arith.constant 2 : i32
      %add3A_105 = arith.addi %add3A_103, %add3A_104 : i32
      %min3A_106 = arith.minsi %add3A_105, %sub3A_5 : i32
      %dma_start3A_107 = arith.constant 0 : i32
      %dma_start3A_108 = arith.constant 0 : i32
      %dma_start3A_109 = tpu.memref_slice %arg2[%dma_start3A_107, %min3A_106, %dma_start3A_108] : memref<9x4096x1024xf32, #tpu.memory_space<hbm>> -> memref<9x1x1024xf32, #tpu.memory_space<hbm>>
      %dma_start3A_110 = tpu.memref_squeeze %dma_start3A_109 : memref<9x1x1024xf32, #tpu.memory_space<hbm>> -> memref<9x1024xf32, #tpu.memory_space<hbm>>
      %dma_start3A_111 = arith.constant 0 : i32
      %dma_start3A_112 = arith.constant 0 : i32
      %dma_start3A_113 = tpu.memref_slice %arg2[%dma_start3A_111, %min3A_106, %dma_start3A_112] : memref<9x4096x1024xf32, #tpu.memory_space<hbm>> -> memref<9x1x1024xf32, #tpu.memory_space<hbm>>
      %dma_start3A_114 = tpu.memref_squeeze %dma_start3A_113 : memref<9x1x1024xf32, #tpu.memory_space<hbm>> -> memref<9x1024xf32, #tpu.memory_space<hbm>>
      tpu.enqueue_dma source(%dma_start3A_114 : memref<9x1024xf32, #tpu.memory_space<hbm>>) target(%arg6 : memref<9x1024xf32, #tpu.memory_space<vmem>>) target_semaphore(%arg13 : memref<!tpu.dma_semaphore, #tpu.memory_space<semaphore_mem>>)
      %add3A_115 = arith.constant 1 : i32
      %add3A_116 = arith.addi %add3A_103, %add3A_115 : i32
      %dma_wait3A_117 = arith.constant 0 : i32
      %dma_wait3A_118 = arith.constant 0 : i32
      %dma_wait3A_119 = tpu.memref_slice %arg2[%dma_wait3A_117, %add3A_116, %dma_wait3A_118] : memref<9x4096x1024xf32, #tpu.memory_space<hbm>> -> memref<9x1x1024xf32, #tpu.memory_space<hbm>>
      %dma_wait3A_120 = tpu.memref_squeeze %dma_wait3A_119 : memref<9x1x1024xf32, #tpu.memory_space<hbm>> -> memref<9x1024xf32, #tpu.memory_space<hbm>>
      %dma_wait3A_121 = arith.constant 0 : i32
      %dma_wait3A_122 = arith.constant 0 : i32
      %dma_wait3A_123 = tpu.memref_slice %arg2[%dma_wait3A_121, %add3A_116, %dma_wait3A_122] : memref<9x4096x1024xf32, #tpu.memory_space<hbm>> -> memref<9x1x1024xf32, #tpu.memory_space<hbm>>
      %dma_wait3A_124 = tpu.memref_squeeze %dma_wait3A_123 : memref<9x1x1024xf32, #tpu.memory_space<hbm>> -> memref<9x1024xf32, #tpu.memory_space<hbm>>
      tpu.wait_dma2 semaphore(%arg12 : memref<!tpu.dma_semaphore, #tpu.memory_space<semaphore_mem>>) src(%dma_wait3A_124 : memref<9x1024xf32, #tpu.memory_space<hbm>>) dst(%arg5 : memref<9x1024xf32, #tpu.memory_space<vmem>>)
      %gt3A_125 = arith.constant 1 : i32
      %gt3A_126 = arith.cmpi sgt, %add3A_102, %gt3A_125 : i32
      %convert_element_type3A_127 = arith.extui %gt3A_126 : i1 to i32
      %cond3A_128 = arith.constant 0 : i32
      %cond3A_129 = arith.cmpi ne, %convert_element_type3A_127, %cond3A_128 : i32
      scf.if %cond3A_129 {
        %dma_wait3A_140 = arith.constant 0 : i32
        %dma_wait3A_141 = tpu.memref_slice %arg4[%add3A_103, %dma_wait3A_140] : memref<4096x512xf32, #tpu.memory_space<hbm>> -> memref<1x512xf32, #tpu.memory_space<hbm>>
        %dma_wait3A_142 = tpu.memref_squeeze %dma_wait3A_141 : memref<1x512xf32, #tpu.memory_space<hbm>> -> memref<512xf32, #tpu.memory_space<hbm>>
        %dma_wait3A_143 = arith.constant 0 : i32
        %dma_wait3A_144 = tpu.memref_slice %arg4[%add3A_103, %dma_wait3A_143] : memref<4096x512xf32, #tpu.memory_space<hbm>> -> memref<1x512xf32, #tpu.memory_space<hbm>>
        %dma_wait3A_145 = tpu.memref_squeeze %dma_wait3A_144 : memref<1x512xf32, #tpu.memory_space<hbm>> -> memref<512xf32, #tpu.memory_space<hbm>>
        tpu.wait_dma2 semaphore(%arg15 : memref<!tpu.dma_semaphore, #tpu.memory_space<semaphore_mem>>) src(%arg11 : memref<512xf32, #tpu.memory_space<vmem>>) dst(%dma_wait3A_145 : memref<512xf32, #tpu.memory_space<hbm>>)
      } else {
      }
      %parallel_loop3A_130 = arith.constant 0 : i32
      %parallel_loop3A_131 = arith.constant 512 : i32
      %parallel_loop3A_132 = arith.constant 16 : i32
      scf.for %parallel_loop3A_140 = %parallel_loop3A_130 to %parallel_loop3A_131 step %parallel_loop3A_132  : i32 {
        %parallel_loop3A_141 = arith.constant 2 : i32
        %parallel_loop3A_142 = arith.muli %parallel_loop3A_141, %parallel_loop3A_140 : i32
        %parallel_loop3A_143 = arith.constant 0 : i32
        %parallel_loop3A_144 = arith.index_cast %parallel_loop3A_143 : i32 to index
        %parallel_loop3A_145 = arith.index_cast %parallel_loop3A_142 : i32 to index
        %parallel_loop3A_146 = tpu.vector_load %arg5[%parallel_loop3A_144, %parallel_loop3A_145] {strides = array<i32>} : memref<9x1024xf32, #tpu.memory_space<vmem>>, vector<16xf32>,
        %parallel_loop3A_147 = arith.constant 3 : i32
        %parallel_loop3A_148 = arith.index_cast %parallel_loop3A_147 : i32 to index
        %parallel_loop3A_149 = arith.index_cast %parallel_loop3A_142 : i32 to index
        %parallel_loop3A_150 = tpu.vector_load %arg5[%parallel_loop3A_148, %parallel_loop3A_149] {strides = array<i32>} : memref<9x1024xf32, #tpu.memory_space<vmem>>, vector<16xf32>,
        %parallel_loop3A_151 = arith.addf %parallel_loop3A_146, %parallel_loop3A_150 : vector<16xf32>
        %parallel_loop3A_152 = arith.constant 6 : i32
        %parallel_loop3A_153 = arith.index_cast %parallel_loop3A_152 : i32 to index
        %parallel_loop3A_154 = arith.index_cast %parallel_loop3A_142 : i32 to index
        %parallel_loop3A_155 = tpu.vector_load %arg5[%parallel_loop3A_153, %parallel_loop3A_154] {strides = array<i32>} : memref<9x1024xf32, #tpu.memory_space<vmem>>, vector<16xf32>,
        %parallel_loop3A_156 = arith.addf %parallel_loop3A_151, %parallel_loop3A_155 : vector<16xf32>
        %parallel_loop3A_157 = arith.constant 0 : i32
        %parallel_loop3A_158 = arith.index_cast %parallel_loop3A_157 : i32 to index
        %parallel_loop3A_159 = arith.index_cast %parallel_loop3A_142 : i32 to index
        %parallel_loop3A_160 = tpu.vector_load %arg8[%parallel_loop3A_158, %parallel_loop3A_159] {strides = array<i32>} : memref<3x1024xf32, #tpu.memory_space<vmem>>, vector<16xf32>,
        tpu.vector_store %arg8[%parallel_loop3A_158, %parallel_loop3A_159], %parallel_loop3A_156 {strides = array<i32>} : memref<3x1024xf32, #tpu.memory_space<vmem>>, vector<16xf32>,
        %parallel_loop3A_161 = arith.constant 1 : i32
        %parallel_loop3A_162 = arith.index_cast %parallel_loop3A_161 : i32 to index
        %parallel_loop3A_163 = arith.index_cast %parallel_loop3A_142 : i32 to index
        %parallel_loop3A_164 = tpu.vector_load %arg5[%parallel_loop3A_162, %parallel_loop3A_163] {strides = array<i32>} : memref<9x1024xf32, #tpu.memory_space<vmem>>, vector<16xf32>,
        %parallel_loop3A_165 = arith.constant 4 : i32
        %parallel_loop3A_166 = arith.index_cast %parallel_loop3A_165 : i32 to index
        %parallel_loop3A_167 = arith.index_cast %parallel_loop3A_142 : i32 to index
        %parallel_loop3A_168 = tpu.vector_load %arg5[%parallel_loop3A_166, %parallel_loop3A_167] {strides = array<i32>} : memref<9x1024xf32, #tpu.memory_space<vmem>>, vector<16xf32>,
        %parallel_loop3A_169 = arith.addf %parallel_loop3A_164, %parallel_loop3A_168 : vector<16xf32>
        %parallel_loop3A_170 = arith.constant 7 : i32
        %parallel_loop3A_171 = arith.index_cast %parallel_loop3A_170 : i32 to index
        %parallel_loop3A_172 = arith.index_cast %parallel_loop3A_142 : i32 to index
        %parallel_loop3A_173 = tpu.vector_load %arg5[%parallel_loop3A_171, %parallel_loop3A_172] {strides = array<i32>} : memref<9x1024xf32, #tpu.memory_space<vmem>>, vector<16xf32>,
        %parallel_loop3A_174 = arith.addf %parallel_loop3A_169, %parallel_loop3A_173 : vector<16xf32>
        %parallel_loop3A_175 = arith.constant 1 : i32
        %parallel_loop3A_176 = arith.index_cast %parallel_loop3A_175 : i32 to index
        %parallel_loop3A_177 = arith.index_cast %parallel_loop3A_142 : i32 to index
        %parallel_loop3A_178 = tpu.vector_load %arg8[%parallel_loop3A_176, %parallel_loop3A_177] {strides = array<i32>} : memref<3x1024xf32, #tpu.memory_space<vmem>>, vector<16xf32>,
        tpu.vector_store %arg8[%parallel_loop3A_176, %parallel_loop3A_177], %parallel_loop3A_174 {strides = array<i32>} : memref<3x1024xf32, #tpu.memory_space<vmem>>, vector<16xf32>,
        %parallel_loop3A_179 = arith.constant 2 : i32
        %parallel_loop3A_180 = arith.index_cast %parallel_loop3A_179 : i32 to index
        %parallel_loop3A_181 = arith.index_cast %parallel_loop3A_142 : i32 to index
        %parallel_loop3A_182 = tpu.vector_load %arg5[%parallel_loop3A_180, %parallel_loop3A_181] {strides = array<i32>} : memref<9x1024xf32, #tpu.memory_space<vmem>>, vector<16xf32>,
        %parallel_loop3A_183 = arith.constant 5 : i32
        %parallel_loop3A_184 = arith.index_cast %parallel_loop3A_183 : i32 to index
        %parallel_loop3A_185 = arith.index_cast %parallel_loop3A_142 : i32 to index
        %parallel_loop3A_186 = tpu.vector_load %arg5[%parallel_loop3A_184, %parallel_loop3A_185] {strides = array<i32>} : memref<9x1024xf32, #tpu.memory_space<vmem>>, vector<16xf32>,
        %parallel_loop3A_187 = arith.addf %parallel_loop3A_182, %parallel_loop3A_186 : vector<16xf32>
        %parallel_loop3A_188 = arith.constant 8 : i32
        %parallel_loop3A_189 = arith.index_cast %parallel_loop3A_188 : i32 to index
        %parallel_loop3A_190 = arith.index_cast %parallel_loop3A_142 : i32 to index
        %parallel_loop3A_191 = tpu.vector_load %arg5[%parallel_loop3A_189, %parallel_loop3A_190] {strides = array<i32>} : memref<9x1024xf32, #tpu.memory_space<vmem>>, vector<16xf32>,
        %parallel_loop3A_192 = arith.addf %parallel_loop3A_187, %parallel_loop3A_191 : vector<16xf32>
        %parallel_loop3A_193 = arith.constant 2 : i32
        %parallel_loop3A_194 = arith.index_cast %parallel_loop3A_193 : i32 to index
        %parallel_loop3A_195 = arith.index_cast %parallel_loop3A_142 : i32 to index
        %parallel_loop3A_196 = tpu.vector_load %arg8[%parallel_loop3A_194, %parallel_loop3A_195] {strides = array<i32>} : memref<3x1024xf32, #tpu.memory_space<vmem>>, vector<16xf32>,
        tpu.vector_store %arg8[%parallel_loop3A_194, %parallel_loop3A_195], %parallel_loop3A_192 {strides = array<i32>} : memref<3x1024xf32, #tpu.memory_space<vmem>>, vector<16xf32>,
        %parallel_loop3A_197 = arith.constant 2 : i32
        %parallel_loop3A_198 = arith.muli %parallel_loop3A_197, %parallel_loop3A_140 : i32
        %parallel_loop3A_199 = arith.constant 16 : i32
        %parallel_loop3A_200 = arith.addi %parallel_loop3A_198, %parallel_loop3A_199 : i32
        %parallel_loop3A_201 = arith.constant 0 : i32
        %parallel_loop3A_202 = arith.index_cast %parallel_loop3A_201 : i32 to index
        %parallel_loop3A_203 = arith.index_cast %parallel_loop3A_200 : i32 to index
        %parallel_loop3A_204 = tpu.vector_load %arg5[%parallel_loop3A_202, %parallel_loop3A_203] {strides = array<i32>} : memref<9x1024xf32, #tpu.memory_space<vmem>>, vector<16xf32>,
        %parallel_loop3A_205 = arith.constant 3 : i32
        %parallel_loop3A_206 = arith.index_cast %parallel_loop3A_205 : i32 to index
        %parallel_loop3A_207 = arith.index_cast %parallel_loop3A_200 : i32 to index
        %parallel_loop3A_208 = tpu.vector_load %arg5[%parallel_loop3A_206, %parallel_loop3A_207] {strides = array<i32>} : memref<9x1024xf32, #tpu.memory_space<vmem>>, vector<16xf32>,
        %parallel_loop3A_209 = arith.addf %parallel_loop3A_204, %parallel_loop3A_208 : vector<16xf32>
        %parallel_loop3A_210 = arith.constant 6 : i32
        %parallel_loop3A_211 = arith.index_cast %parallel_loop3A_210 : i32 to index
        %parallel_loop3A_212 = arith.index_cast %parallel_loop3A_200 : i32 to index
        %parallel_loop3A_213 = tpu.vector_load %arg5[%parallel_loop3A_211, %parallel_loop3A_212] {strides = array<i32>} : memref<9x1024xf32, #tpu.memory_space<vmem>>, vector<16xf32>,
        %parallel_loop3A_214 = arith.addf %parallel_loop3A_209, %parallel_loop3A_213 : vector<16xf32>
        %parallel_loop3A_215 = arith.constant 0 : i32
        %parallel_loop3A_216 = arith.index_cast %parallel_loop3A_215 : i32 to index
        %parallel_loop3A_217 = arith.index_cast %parallel_loop3A_200 : i32 to index
        %parallel_loop3A_218 = tpu.vector_load %arg8[%parallel_loop3A_216, %parallel_loop3A_217] {strides = array<i32>} : memref<3x1024xf32, #tpu.memory_space<vmem>>, vector<16xf32>,
        tpu.vector_store %arg8[%parallel_loop3A_216, %parallel_loop3A_217], %parallel_loop3A_214 {strides = array<i32>} : memref<3x1024xf32, #tpu.memory_space<vmem>>, vector<16xf32>,
        %parallel_loop3A_219 = arith.constant 1 : i32
        %parallel_loop3A_220 = arith.index_cast %parallel_loop3A_219 : i32 to index
        %parallel_loop3A_221 = arith.index_cast %parallel_loop3A_200 : i32 to index
        %parallel_loop3A_222 = tpu.vector_load %arg5[%parallel_loop3A_220, %parallel_loop3A_221] {strides = array<i32>} : memref<9x1024xf32, #tpu.memory_space<vmem>>, vector<16xf32>,
        %parallel_loop3A_223 = arith.constant 4 : i32
        %parallel_loop3A_224 = arith.index_cast %parallel_loop3A_223 : i32 to index
        %parallel_loop3A_225 = arith.index_cast %parallel_loop3A_200 : i32 to index
        %parallel_loop3A_226 = tpu.vector_load %arg5[%parallel_loop3A_224, %parallel_loop3A_225] {strides = array<i32>} : memref<9x1024xf32, #tpu.memory_space<vmem>>, vector<16xf32>,
        %parallel_loop3A_227 = arith.addf %parallel_loop3A_222, %parallel_loop3A_226 : vector<16xf32>
        %parallel_loop3A_228 = arith.constant 7 : i32
        %parallel_loop3A_229 = arith.index_cast %parallel_loop3A_228 : i32 to index
        %parallel_loop3A_230 = arith.index_cast %parallel_loop3A_200 : i32 to index
        %parallel_loop3A_231 = tpu.vector_load %arg5[%parallel_loop3A_229, %parallel_loop3A_230] {strides = array<i32>} : memref<9x1024xf32, #tpu.memory_space<vmem>>, vector<16xf32>,
        %parallel_loop3A_232 = arith.addf %parallel_loop3A_227, %parallel_loop3A_231 : vector<16xf32>
        %parallel_loop3A_233 = arith.constant 1 : i32
        %parallel_loop3A_234 = arith.index_cast %parallel_loop3A_233 : i32 to index
        %parallel_loop3A_235 = arith.index_cast %parallel_loop3A_200 : i32 to index
        %parallel_loop3A_236 = tpu.vector_load %arg8[%parallel_loop3A_234, %parallel_loop3A_235] {strides = array<i32>} : memref<3x1024xf32, #tpu.memory_space<vmem>>, vector<16xf32>,
        tpu.vector_store %arg8[%parallel_loop3A_234, %parallel_loop3A_235], %parallel_loop3A_232 {strides = array<i32>} : memref<3x1024xf32, #tpu.memory_space<vmem>>, vector<16xf32>,
        %parallel_loop3A_237 = arith.constant 2 : i32
        %parallel_loop3A_238 = arith.index_cast %parallel_loop3A_237 : i32 to index
        %parallel_loop3A_239 = arith.index_cast %parallel_loop3A_200 : i32 to index
        %parallel_loop3A_240 = tpu.vector_load %arg5[%parallel_loop3A_238, %parallel_loop3A_239] {strides = array<i32>} : memref<9x1024xf32, #tpu.memory_space<vmem>>, vector<16xf32>,
        %parallel_loop3A_241 = arith.constant 5 : i32
        %parallel_loop3A_242 = arith.index_cast %parallel_loop3A_241 : i32 to index
        %parallel_loop3A_243 = arith.index_cast %parallel_loop3A_200 : i32 to index
        %parallel_loop3A_244 = tpu.vector_load %arg5[%parallel_loop3A_242, %parallel_loop3A_243] {strides = array<i32>} : memref<9x1024xf32, #tpu.memory_space<vmem>>, vector<16xf32>,
        %parallel_loop3A_245 = arith.addf %parallel_loop3A_240, %parallel_loop3A_244 : vector<16xf32>
        %parallel_loop3A_246 = arith.constant 8 : i32
        %parallel_loop3A_247 = arith.index_cast %parallel_loop3A_246 : i32 to index
        %parallel_loop3A_248 = arith.index_cast %parallel_loop3A_200 : i32 to index
        %parallel_loop3A_249 = tpu.vector_load %arg5[%parallel_loop3A_247, %parallel_loop3A_248] {strides = array<i32>} : memref<9x1024xf32, #tpu.memory_space<vmem>>, vector<16xf32>,
        %parallel_loop3A_250 = arith.addf %parallel_loop3A_245, %parallel_loop3A_249 : vector<16xf32>
        %parallel_loop3A_251 = arith.constant 2 : i32
        %parallel_loop3A_252 = arith.index_cast %parallel_loop3A_251 : i32 to index
        %parallel_loop3A_253 = arith.index_cast %parallel_loop3A_200 : i32 to index
        %parallel_loop3A_254 = tpu.vector_load %arg8[%parallel_loop3A_252, %parallel_loop3A_253] {strides = array<i32>} : memref<3x1024xf32, #tpu.memory_space<vmem>>, vector<16xf32>,
        tpu.vector_store %arg8[%parallel_loop3A_252, %parallel_loop3A_253], %parallel_loop3A_250 {strides = array<i32>} : memref<3x1024xf32, #tpu.memory_space<vmem>>, vector<16xf32>,
        %parallel_loop3A_255 = arith.constant 0 : i32
        %parallel_loop3A_256 = arith.index_cast %parallel_loop3A_255 : i32 to index
        %parallel_loop3A_257 = arith.index_cast %parallel_loop3A_140 : i32 to index
        %parallel_loop3A_258 = tpu.vector_load %arg7[%parallel_loop3A_256, %parallel_loop3A_257] {strides = array<i32>} : memref<4x512xi32, #tpu.memory_space<vmem>>, vector<16xi32>,
        %parallel_loop3A_259 = arith.constant 1 : i32
        %parallel_loop3A_260 = arith.index_cast %parallel_loop3A_259 : i32 to index
        %parallel_loop3A_261 = arith.index_cast %parallel_loop3A_140 : i32 to index
        %parallel_loop3A_262 = tpu.vector_load %arg7[%parallel_loop3A_260, %parallel_loop3A_261] {strides = array<i32>} : memref<4x512xi32, #tpu.memory_space<vmem>>, vector<16xi32>,
        %parallel_loop3A_263 = arith.constant 2 : i32
        %parallel_loop3A_264 = arith.index_cast %parallel_loop3A_263 : i32 to index
        %parallel_loop3A_265 = arith.index_cast %parallel_loop3A_140 : i32 to index
        %parallel_loop3A_266 = tpu.vector_load %arg7[%parallel_loop3A_264, %parallel_loop3A_265] {strides = array<i32>} : memref<4x512xi32, #tpu.memory_space<vmem>>, vector<16xi32>,
        %parallel_loop3A_267 = arith.constant 3 : i32
        %parallel_loop3A_268 = arith.index_cast %parallel_loop3A_267 : i32 to index
        %parallel_loop3A_269 = arith.index_cast %parallel_loop3A_140 : i32 to index
        %parallel_loop3A_270 = tpu.vector_load %arg7[%parallel_loop3A_268, %parallel_loop3A_269] {strides = array<i32>} : memref<4x512xi32, #tpu.memory_space<vmem>>, vector<16xi32>,
        %parallel_loop3A_271 = tpu.vector_load_idx %arg9[%broadcast_in_dim3A_6, %parallel_loop3A_258] : memref<3x1024xf32, #tpu.memory_space<vmem>>[vector<16xi32>, vector<16xi32>], vector<16xf32>,
        %parallel_loop3A_272 = tpu.vector_load_idx %arg9[%broadcast_in_dim3A_6, %parallel_loop3A_262] : memref<3x1024xf32, #tpu.memory_space<vmem>>[vector<16xi32>, vector<16xi32>], vector<16xf32>,
        %parallel_loop3A_273 = arith.subf %parallel_loop3A_271, %parallel_loop3A_272 : vector<16xf32>
        %parallel_loop3A_274 = tpu.vector_load_idx %arg9[%broadcast_in_dim3A_8, %parallel_loop3A_258] : memref<3x1024xf32, #tpu.memory_space<vmem>>[vector<16xi32>, vector<16xi32>], vector<16xf32>,
        %parallel_loop3A_275 = tpu.vector_load_idx %arg9[%broadcast_in_dim3A_8, %parallel_loop3A_262] : memref<3x1024xf32, #tpu.memory_space<vmem>>[vector<16xi32>, vector<16xi32>], vector<16xf32>,
        %parallel_loop3A_276 = arith.subf %parallel_loop3A_274, %parallel_loop3A_275 : vector<16xf32>
        %parallel_loop3A_277 = tpu.vector_load_idx %arg9[%broadcast_in_dim3A_10, %parallel_loop3A_258] : memref<3x1024xf32, #tpu.memory_space<vmem>>[vector<16xi32>, vector<16xi32>], vector<16xf32>,
        %parallel_loop3A_278 = tpu.vector_load_idx %arg9[%broadcast_in_dim3A_10, %parallel_loop3A_262] : memref<3x1024xf32, #tpu.memory_space<vmem>>[vector<16xi32>, vector<16xi32>], vector<16xf32>,
        %parallel_loop3A_279 = arith.subf %parallel_loop3A_277, %parallel_loop3A_278 : vector<16xf32>
        %parallel_loop3A_280 = tpu.vector_load_idx %arg9[%broadcast_in_dim3A_6, %parallel_loop3A_270] : memref<3x1024xf32, #tpu.memory_space<vmem>>[vector<16xi32>, vector<16xi32>], vector<16xf32>,
        %parallel_loop3A_281 = tpu.vector_load_idx %arg9[%broadcast_in_dim3A_6, %parallel_loop3A_266] : memref<3x1024xf32, #tpu.memory_space<vmem>>[vector<16xi32>, vector<16xi32>], vector<16xf32>,
        %parallel_loop3A_282 = arith.subf %parallel_loop3A_280, %parallel_loop3A_281 : vector<16xf32>
        %parallel_loop3A_283 = tpu.vector_load_idx %arg9[%broadcast_in_dim3A_8, %parallel_loop3A_270] : memref<3x1024xf32, #tpu.memory_space<vmem>>[vector<16xi32>, vector<16xi32>], vector<16xf32>,
        %parallel_loop3A_284 = tpu.vector_load_idx %arg9[%broadcast_in_dim3A_8, %parallel_loop3A_266] : memref<3x1024xf32, #tpu.memory_space<vmem>>[vector<16xi32>, vector<16xi32>], vector<16xf32>,
        %parallel_loop3A_285 = arith.subf %parallel_loop3A_283, %parallel_loop3A_284 : vector<16xf32>
        %parallel_loop3A_286 = tpu.vector_load_idx %arg9[%broadcast_in_dim3A_10, %parallel_loop3A_270] : memref<3x1024xf32, #tpu.memory_space<vmem>>[vector<16xi32>, vector<16xi32>], vector<16xf32>,
        %parallel_loop3A_287 = tpu.vector_load_idx %arg9[%broadcast_in_dim3A_10, %parallel_loop3A_266] : memref<3x1024xf32, #tpu.memory_space<vmem>>[vector<16xi32>, vector<16xi32>], vector<16xf32>,
        %parallel_loop3A_288 = arith.subf %parallel_loop3A_286, %parallel_loop3A_287 : vector<16xf32>
        %parallel_loop3A_289 = arith.mulf %parallel_loop3A_273, %parallel_loop3A_282 : vector<16xf32>
        %parallel_loop3A_290 = arith.mulf %parallel_loop3A_276, %parallel_loop3A_285 : vector<16xf32>
        %parallel_loop3A_291 = arith.addf %parallel_loop3A_289, %parallel_loop3A_290 : vector<16xf32>
        %parallel_loop3A_292 = arith.mulf %parallel_loop3A_279, %parallel_loop3A_288 : vector<16xf32>
        %parallel_loop3A_293 = arith.addf %parallel_loop3A_291, %parallel_loop3A_292 : vector<16xf32>
        %parallel_loop3A_294 = arith.mulf %parallel_loop3A_273, %parallel_loop3A_273 : vector<16xf32>
        %parallel_loop3A_295 = arith.mulf %parallel_loop3A_276, %parallel_loop3A_276 : vector<16xf32>
        %parallel_loop3A_296 = arith.addf %parallel_loop3A_294, %parallel_loop3A_295 : vector<16xf32>
        %parallel_loop3A_297 = arith.mulf %parallel_loop3A_279, %parallel_loop3A_279 : vector<16xf32>
        %parallel_loop3A_298 = arith.addf %parallel_loop3A_296, %parallel_loop3A_297 : vector<16xf32>
        %parallel_loop3A_299 = arith.mulf %parallel_loop3A_282, %parallel_loop3A_282 : vector<16xf32>
        %parallel_loop3A_300 = arith.mulf %parallel_loop3A_285, %parallel_loop3A_285 : vector<16xf32>
        %parallel_loop3A_301 = arith.addf %parallel_loop3A_299, %parallel_loop3A_300 : vector<16xf32>
        %parallel_loop3A_302 = arith.mulf %parallel_loop3A_288, %parallel_loop3A_288 : vector<16xf32>
        %parallel_loop3A_303 = arith.addf %parallel_loop3A_301, %parallel_loop3A_302 : vector<16xf32>
        %parallel_loop3A_304 = arith.mulf %parallel_loop3A_298, %parallel_loop3A_303 : vector<16xf32>
        %parallel_loop3A_305 = arith.constant 1.000000e-30 : f32
        %parallel_loop3A_306 = vector.broadcast %parallel_loop3A_305 : f32 to vector<16xf32>
        %parallel_loop3A_307 = arith.maximumf %parallel_loop3A_304, %parallel_loop3A_306 : vector<16xf32>
        %parallel_loop3A_308 = vector.bitcast %parallel_loop3A_307 : vector<16xf32> to vector<16xi32>
        %parallel_loop3A_309 = arith.constant 1 : i32
        %parallel_loop3A_310 = vector.broadcast %parallel_loop3A_309 : i32 to vector<16xi32>
        %parallel_loop3A_311 = arith.shrsi %parallel_loop3A_308, %parallel_loop3A_310 : vector<16xi32>
        %parallel_loop3A_312 = arith.constant 1597463007 : i32
        %parallel_loop3A_313 = vector.broadcast %parallel_loop3A_312 : i32 to vector<16xi32>
        %parallel_loop3A_314 = arith.subi %parallel_loop3A_313, %parallel_loop3A_311 : vector<16xi32>
        %parallel_loop3A_315 = vector.bitcast %parallel_loop3A_314 : vector<16xi32> to vector<16xf32>
        %parallel_loop3A_316 = arith.constant 5.000000e-01 : f32
        %parallel_loop3A_317 = vector.broadcast %parallel_loop3A_316 : f32 to vector<16xf32>
        %parallel_loop3A_318 = arith.mulf %parallel_loop3A_317, %parallel_loop3A_307 : vector<16xf32>
        %parallel_loop3A_319 = arith.mulf %parallel_loop3A_318, %parallel_loop3A_315 : vector<16xf32>
        %parallel_loop3A_320 = arith.mulf %parallel_loop3A_319, %parallel_loop3A_315 : vector<16xf32>
        %parallel_loop3A_321 = arith.constant 1.500000e+00 : f32
        %parallel_loop3A_322 = vector.broadcast %parallel_loop3A_321 : f32 to vector<16xf32>
        %parallel_loop3A_323 = arith.subf %parallel_loop3A_322, %parallel_loop3A_320 : vector<16xf32>
        %parallel_loop3A_324 = arith.mulf %parallel_loop3A_315, %parallel_loop3A_323 : vector<16xf32>
        %parallel_loop3A_325 = arith.constant 5.000000e-01 : f32
        %parallel_loop3A_326 = vector.broadcast %parallel_loop3A_325 : f32 to vector<16xf32>
        %parallel_loop3A_327 = arith.mulf %parallel_loop3A_326, %parallel_loop3A_307 : vector<16xf32>
        %parallel_loop3A_328 = arith.mulf %parallel_loop3A_327, %parallel_loop3A_324 : vector<16xf32>
        %parallel_loop3A_329 = arith.mulf %parallel_loop3A_328, %parallel_loop3A_324 : vector<16xf32>
        %parallel_loop3A_330 = arith.constant 1.500000e+00 : f32
        %parallel_loop3A_331 = vector.broadcast %parallel_loop3A_330 : f32 to vector<16xf32>
        %parallel_loop3A_332 = arith.subf %parallel_loop3A_331, %parallel_loop3A_329 : vector<16xf32>
        %parallel_loop3A_333 = arith.mulf %parallel_loop3A_324, %parallel_loop3A_332 : vector<16xf32>
        %parallel_loop3A_334 = arith.mulf %parallel_loop3A_293, %parallel_loop3A_333 : vector<16xf32>
        %parallel_loop3A_335 = arith.constant -1.000000e+00 : f32
        %parallel_loop3A_336 = arith.constant 1.000000e+00 : f32
        %parallel_loop3A_337 = vector.broadcast %parallel_loop3A_335 : f32 to vector<16xf32>
        %parallel_loop3A_338 = arith.maximumf %parallel_loop3A_337, %parallel_loop3A_334 : vector<16xf32>
        %parallel_loop3A_339 = vector.broadcast %parallel_loop3A_336 : f32 to vector<16xf32>
        %parallel_loop3A_340 = arith.minimumf %parallel_loop3A_339, %parallel_loop3A_338 : vector<16xf32>
        %parallel_loop3A_341 = math.absf %parallel_loop3A_340 : vector<16xf32>
        %parallel_loop3A_342 = arith.constant 1.000000e+00 : f32
        %parallel_loop3A_343 = vector.broadcast %parallel_loop3A_342 : f32 to vector<16xf32>
        %parallel_loop3A_344 = arith.subf %parallel_loop3A_343, %parallel_loop3A_341 : vector<16xf32>
        %parallel_loop3A_345 = arith.constant 1.000000e-30 : f32
        %parallel_loop3A_346 = vector.broadcast %parallel_loop3A_345 : f32 to vector<16xf32>
        %parallel_loop3A_347 = arith.maximumf %parallel_loop3A_344, %parallel_loop3A_346 : vector<16xf32>
        %parallel_loop3A_348 = vector.bitcast %parallel_loop3A_347 : vector<16xf32> to vector<16xi32>
        %parallel_loop3A_349 = arith.constant 1 : i32
        %parallel_loop3A_350 = vector.broadcast %parallel_loop3A_349 : i32 to vector<16xi32>
        %parallel_loop3A_351 = arith.shrsi %parallel_loop3A_348, %parallel_loop3A_350 : vector<16xi32>
        %parallel_loop3A_352 = arith.constant 1597463007 : i32
        %parallel_loop3A_353 = vector.broadcast %parallel_loop3A_352 : i32 to vector<16xi32>
        %parallel_loop3A_354 = arith.subi %parallel_loop3A_353, %parallel_loop3A_351 : vector<16xi32>
        %parallel_loop3A_355 = vector.bitcast %parallel_loop3A_354 : vector<16xi32> to vector<16xf32>
        %parallel_loop3A_356 = arith.constant 5.000000e-01 : f32
        %parallel_loop3A_357 = vector.broadcast %parallel_loop3A_356 : f32 to vector<16xf32>
        %parallel_loop3A_358 = arith.mulf %parallel_loop3A_357, %parallel_loop3A_347 : vector<16xf32>
        %parallel_loop3A_359 = arith.mulf %parallel_loop3A_358, %parallel_loop3A_355 : vector<16xf32>
        %parallel_loop3A_360 = arith.mulf %parallel_loop3A_359, %parallel_loop3A_355 : vector<16xf32>
        %parallel_loop3A_361 = arith.constant 1.500000e+00 : f32
        %parallel_loop3A_362 = vector.broadcast %parallel_loop3A_361 : f32 to vector<16xf32>
        %parallel_loop3A_363 = arith.subf %parallel_loop3A_362, %parallel_loop3A_360 : vector<16xf32>
        %parallel_loop3A_364 = arith.mulf %parallel_loop3A_355, %parallel_loop3A_363 : vector<16xf32>
        %parallel_loop3A_365 = arith.constant 5.000000e-01 : f32
        %parallel_loop3A_366 = vector.broadcast %parallel_loop3A_365 : f32 to vector<16xf32>
        %parallel_loop3A_367 = arith.mulf %parallel_loop3A_366, %parallel_loop3A_347 : vector<16xf32>
        %parallel_loop3A_368 = arith.mulf %parallel_loop3A_367, %parallel_loop3A_364 : vector<16xf32>
        %parallel_loop3A_369 = arith.mulf %parallel_loop3A_368, %parallel_loop3A_364 : vector<16xf32>
        %parallel_loop3A_370 = arith.constant 1.500000e+00 : f32
        %parallel_loop3A_371 = vector.broadcast %parallel_loop3A_370 : f32 to vector<16xf32>
        %parallel_loop3A_372 = arith.subf %parallel_loop3A_371, %parallel_loop3A_369 : vector<16xf32>
        %parallel_loop3A_373 = arith.mulf %parallel_loop3A_364, %parallel_loop3A_372 : vector<16xf32>
        %parallel_loop3A_374 = arith.mulf %parallel_loop3A_344, %parallel_loop3A_373 : vector<16xf32>
        %parallel_loop3A_375 = arith.constant -1.872930e-02 : f32
        %parallel_loop3A_376 = vector.broadcast %parallel_loop3A_375 : f32 to vector<16xf32>
        %parallel_loop3A_377 = arith.mulf %parallel_loop3A_341, %parallel_loop3A_376 : vector<16xf32>
        %parallel_loop3A_378 = arith.constant 7.426100e-02 : f32
        %parallel_loop3A_379 = vector.broadcast %parallel_loop3A_378 : f32 to vector<16xf32>
        %parallel_loop3A_380 = arith.addf %parallel_loop3A_379, %parallel_loop3A_377 : vector<16xf32>
        %parallel_loop3A_381 = arith.mulf %parallel_loop3A_341, %parallel_loop3A_380 : vector<16xf32>
        %parallel_loop3A_382 = arith.constant -0.212114394 : f32
        %parallel_loop3A_383 = vector.broadcast %parallel_loop3A_382 : f32 to vector<16xf32>
        %parallel_loop3A_384 = arith.addf %parallel_loop3A_383, %parallel_loop3A_381 : vector<16xf32>
        %parallel_loop3A_385 = arith.mulf %parallel_loop3A_341, %parallel_loop3A_384 : vector<16xf32>
        %parallel_loop3A_386 = arith.constant 1.57072878 : f32
        %parallel_loop3A_387 = vector.broadcast %parallel_loop3A_386 : f32 to vector<16xf32>
        %parallel_loop3A_388 = arith.addf %parallel_loop3A_387, %parallel_loop3A_385 : vector<16xf32>
        %parallel_loop3A_389 = arith.mulf %parallel_loop3A_374, %parallel_loop3A_388 : vector<16xf32>
        %parallel_loop3A_390 = arith.constant 0.000000e+00 : f32
        %parallel_loop3A_391 = vector.broadcast %parallel_loop3A_390 : f32 to vector<16xf32>
        %parallel_loop3A_392 = arith.cmpf olt, %parallel_loop3A_340, %parallel_loop3A_391 : vector<16xf32>
        %parallel_loop3A_393 = arith.constant 3.14159274 : f32
        %parallel_loop3A_394 = vector.broadcast %parallel_loop3A_393 : f32 to vector<16xf32>
        %parallel_loop3A_395 = arith.subf %parallel_loop3A_394, %parallel_loop3A_389 : vector<16xf32>
        %parallel_loop3A_396 = arith.select %parallel_loop3A_392, %parallel_loop3A_395, %parallel_loop3A_389 : vector<16xi1>, vector<16xf32>
        %parallel_loop3A_397 = arith.index_cast %parallel_loop3A_140 : i32 to index
        %parallel_loop3A_398 = tpu.vector_load %arg11[%parallel_loop3A_397] {strides = array<i32>} : memref<512xf32, #tpu.memory_space<vmem>>, vector<16xf32>,
        tpu.vector_store %arg11[%parallel_loop3A_397], %parallel_loop3A_396 {strides = array<i32>} : memref<512xf32, #tpu.memory_space<vmem>>, vector<16xf32>,
      } {sc.loop_unroll_factor = 2 : i64, sc.parallel_access}
      %dma_start3A_133 = arith.constant 0 : i32
      %dma_start3A_134 = tpu.memref_slice %arg4[%add3A_103, %dma_start3A_133] : memref<4096x512xf32, #tpu.memory_space<hbm>> -> memref<1x512xf32, #tpu.memory_space<hbm>>
      %dma_start3A_135 = tpu.memref_squeeze %dma_start3A_134 : memref<1x512xf32, #tpu.memory_space<hbm>> -> memref<512xf32, #tpu.memory_space<hbm>>
      %dma_start3A_136 = arith.constant 0 : i32
      %dma_start3A_137 = tpu.memref_slice %arg4[%add3A_103, %dma_start3A_136] : memref<4096x512xf32, #tpu.memory_space<hbm>> -> memref<1x512xf32, #tpu.memory_space<hbm>>
      %dma_start3A_138 = tpu.memref_squeeze %dma_start3A_137 : memref<1x512xf32, #tpu.memory_space<hbm>> -> memref<512xf32, #tpu.memory_space<hbm>>
      tpu.enqueue_dma source(%arg11 : memref<512xf32, #tpu.memory_space<vmem>>) target(%dma_start3A_138 : memref<512xf32, #tpu.memory_space<hbm>>) target_semaphore(%arg15 : memref<!tpu.dma_semaphore, #tpu.memory_space<semaphore_mem>>)
      %scan3A_139 = arith.constant 0 : i32
      scf.yield %scan3A_139 : i32
    }
    %scan3A_42 = arith.constant 64 : i32
    %dma_wait3A_43 = arith.constant 0 : i32
    %dma_wait3A_44 = arith.constant 0 : i32
    %dma_wait3A_45 = tpu.memref_slice %arg2[%dma_wait3A_43, %sub3A_5, %dma_wait3A_44] : memref<9x4096x1024xf32, #tpu.memory_space<hbm>> -> memref<9x1x1024xf32, #tpu.memory_space<hbm>>
    %dma_wait3A_46 = tpu.memref_squeeze %dma_wait3A_45 : memref<9x1x1024xf32, #tpu.memory_space<hbm>> -> memref<9x1024xf32, #tpu.memory_space<hbm>>
    %dma_wait3A_47 = arith.constant 0 : i32
    %dma_wait3A_48 = arith.constant 0 : i32
    %dma_wait3A_49 = tpu.memref_slice %arg2[%dma_wait3A_47, %sub3A_5, %dma_wait3A_48] : memref<9x4096x1024xf32, #tpu.memory_space<hbm>> -> memref<9x1x1024xf32, #tpu.memory_space<hbm>>
    %dma_wait3A_50 = tpu.memref_squeeze %dma_wait3A_49 : memref<9x1x1024xf32, #tpu.memory_space<hbm>> -> memref<9x1024xf32, #tpu.memory_space<hbm>>
    tpu.wait_dma2 semaphore(%arg13 : memref<!tpu.dma_semaphore, #tpu.memory_space<semaphore_mem>>) src(%dma_wait3A_50 : memref<9x1024xf32, #tpu.memory_space<hbm>>) dst(%arg6 : memref<9x1024xf32, #tpu.memory_space<vmem>>)
    %dma_wait3A_51 = arith.constant 0 : i32
    %dma_wait3A_52 = tpu.memref_slice %arg4[%sub3A_5, %dma_wait3A_51] : memref<4096x512xf32, #tpu.memory_space<hbm>> -> memref<1x512xf32, #tpu.memory_space<hbm>>
    %dma_wait3A_53 = tpu.memref_squeeze %dma_wait3A_52 : memref<1x512xf32, #tpu.memory_space<hbm>> -> memref<512xf32, #tpu.memory_space<hbm>>
    %dma_wait3A_54 = arith.constant 0 : i32
    %dma_wait3A_55 = tpu.memref_slice %arg4[%sub3A_5, %dma_wait3A_54] : memref<4096x512xf32, #tpu.memory_space<hbm>> -> memref<1x512xf32, #tpu.memory_space<hbm>>
    %dma_wait3A_56 = tpu.memref_squeeze %dma_wait3A_55 : memref<1x512xf32, #tpu.memory_space<hbm>> -> memref<512xf32, #tpu.memory_space<hbm>>
    tpu.wait_dma2 semaphore(%arg14 : memref<!tpu.dma_semaphore, #tpu.memory_space<semaphore_mem>>) src(%arg10 : memref<512xf32, #tpu.memory_space<vmem>>) dst(%dma_wait3A_56 : memref<512xf32, #tpu.memory_space<hbm>>)
    %dma_wait3A_57 = arith.constant 0 : i32
    %dma_wait3A_58 = tpu.memref_slice %arg4[%sub3A_5, %dma_wait3A_57] : memref<4096x512xf32, #tpu.memory_space<hbm>> -> memref<1x512xf32, #tpu.memory_space<hbm>>
    %dma_wait3A_59 = tpu.memref_squeeze %dma_wait3A_58 : memref<1x512xf32, #tpu.memory_space<hbm>> -> memref<512xf32, #tpu.memory_space<hbm>>
    %dma_wait3A_60 = arith.constant 0 : i32
    %dma_wait3A_61 = tpu.memref_slice %arg4[%sub3A_5, %dma_wait3A_60] : memref<4096x512xf32, #tpu.memory_space<hbm>> -> memref<1x512xf32, #tpu.memory_space<hbm>>
    %dma_wait3A_62 = tpu.memref_squeeze %dma_wait3A_61 : memref<1x512xf32, #tpu.memory_space<hbm>> -> memref<512xf32, #tpu.memory_space<hbm>>
    tpu.wait_dma2 semaphore(%arg15 : memref<!tpu.dma_semaphore, #tpu.memory_space<semaphore_mem>>) src(%arg11 : memref<512xf32, #tpu.memory_space<vmem>>) dst(%dma_wait3A_62 : memref<512xf32, #tpu.memory_space<hbm>>)
    return
  }
}

</mosaic_0001>

<sc_bundles>
// kernel: kernel.3.cloned.1.call-start
scs
__scs_entry_jumppad:
0x0: {  	(pc) =	sbr.rel $0x88, $3  }
0x1: {  	(tag) =	ssettag $0x0;
	lr =	simm.s32 $0x1  }
0x2: {  	[smem:$0x3F9F] =	sst lr;
	_ =	strace $0xD0000000  }
0x3: {  	_ = 	snop  }
0x4: {  	_ = 	snop  }
0x5: {  	_ = 	snop  }
0x6: {  	_ = 	snop  }
0x7: {  	_ = 	snop  }
__scs_overlays_trampoline_lowered:
0x8: {  	[smem:$0x3FAE] =	sst s0  }
0x9: {  	[smem:$0x3FAF] =	sst s1  }
0xa: {  	[smem:$0x3FB0] =	sst s2  }
0xb: {  	[smem:$0x3FB1] =	sst s3  }
0xc: {  	[smem:$0x3FB2] =	sst s4  }
0xd: {  	[smem:$0x3FB3] =	sst s5  }
0xe: {  	[smem:$0x3FB4] =	sst s6  }
0xf: {  	[smem:$0x3FB5] =	sst s7  }
0x10: {  	[smem:$0x3FB6] =	sst s8  }
0x11: {  	[smem:$0x3FB7] =	sst s9;
	s0 =	simm.s32 @!p0 $0x0  }
0x12: {  	s1 =	sld [smem:$0x3F9D];
	s0 =	simm.s32 @p0 $0x1  }
0x13: {  	[smem:$0x3FB8] =	sst s0;
	s0 =	simm.s32 @!p1 $0x0  }
0x14: {  	s2 =	sld [smem:$0x3F9C];
	s0 =	simm.s32 @p1 $0x1  }
0x15: {  	[smem:$0x3FB9] =	sst s0;
	s0 =	simm.s32 @!p2 $0x0  }
0x16: {  	s3 =	sld [smem:$0x3FDB];
	s0 =	simm.s32 @p2 $0x1  }
0x17: {  	s4 =	simm.s32 $0x1BF5;
	[smem:$0x3FBB] =	sst s0  }
0x18: {  	s0 =	sld [smem:$0x3F9E];
	_ =	swait.ge [sflag:s4], $0x0  }
0x19: {  	s7 =	sld [smem:$0x3F9F]  }
0x1a: {  	s8 =	sadd.s32 $0xFFFFE003, lr  }
0x1b: {  	s9 =	sadd.s32 $0xFFFFFEF7, lr;
	s5 =	simm.s32 $0xFFFFFFFF;
	p2 =	slt.u32 s8, $0xFFFFF086  }
0x1c: {  	p1 =	slt.u32 s9, $0xF7A;
	s5 =	simm.s32 @!p2 $0x0  }
0x1d: {  	s5 =	simm.s32 @p1 $0x1;
	p0 =	seq.s32 s7, s2  }
0x1e: {  	s7 =	smul.u32 @!p0 $0xF7A, s2;
	p2 =	seq.s32 @!p0 s5, $0x0  }
0x1f: {  	s9 =	smul.u32 $0xF7A, s1;
	s8 =	simm.s32 @!p0 $0x1BF5;
	p2 =	por !p2, p0  }
0x20: {  	[sflag:s8] =	ssyncset.s32 @!p0 $0xFFFFF086;
	s6 =	sadd.s32 @!p0 s3, s7;
	s7 =	simm.s32 @!p0 $0x108  }
0x21: {  	s3 =	sadd.s32 s3, s9;
	s6 =	sadd.s32 @!p0 $0x88, s6;
	s7 =	simm.s32 @p2 $0x1082  }
0x22: {  	[simem:s7], [sflag:s8] =	dma.local @!p0 [hbm:s6], $0xF7A  }
0x23: {  	s9 =	sor.u32 $0xD0000000, s2;
	s6 =	simm.s32 $0x108;
	_ =	swait.ge @!p0 [sflag:s8], $0x0  }
0x24: {  	s3 =	sadd.s32 $0x88, s3;
	s6 =	simm.s32 @!p1 $0x1082;
	[sflag:s4] =	ssyncset.s32 $0xFFFFF086  }
0x25: {  	[simem:s6], [sflag:s4] =	dma.local [hbm:s3], $0xF7A  }
0x26: {  	[smem:$0x3F9F] =	sst s1;
	(tag) =	ssettag s2;
	_ =	strace s9  }
0x27: {  	s1 =	sld [smem:$0x3FAF]  }
0x28: {  	s2 =	sld [smem:$0x3FB0]  }
0x29: {  	s4 =	sld [smem:$0x3FB2]  }
0x2a: {  	p0 =	seq.s32 s5, $0x0;
	s5 =	sld [smem:$0x3FB3]  }
0x2b: {  	s6 =	sld [smem:$0x3FB4]  }
0x2c: {  	s7 =	sld [smem:$0x3FB5]  }
0x2d: {  	s3 =	simm.s32 $0x108;
	s8 =	sld [smem:$0x3FB6]  }
0x2e: {  	s3 =	simm.s32 @!p0 $0x1082;
	s9 =	sld [smem:$0x3FB7]  }
0x2f: {  	lr =	sadd.s32 s0, s3;
	s0 =	sld [smem:$0x3FAE]  }
0x30: {  	s3 =	sld [smem:$0x3FB1]  }
0x31: {  	[smem:$0x3FBA] =	sst s10  }
0x32: {  	s10 =	sld [smem:$0x3FB8];
	_ =	sdelay $0x3  }
0x33: {  	p0 =	seq.s32 s10, $0x1;
	s10 =	sld [smem:$0x3FBA];
	_ =	sdelay $0x3  }
0x34: {  	[smem:$0x3FBA] =	sst s10  }
0x35: {  	s10 =	sld [smem:$0x3FB9];
	_ =	sdelay $0x3  }
0x36: {  	p1 =	seq.s32 s10, $0x1;
	s10 =	sld [smem:$0x3FBA];
	_ =	sdelay $0x3  }
0x37: {  	[smem:$0x3FBA] =	sst s10  }
0x38: {  	s10 =	sld [smem:$0x3FBB]  }
0x39: {  	_ = 	snop;
	(pc) =	sbr.ind lr, $3  }
0x3a: {  	_ = 	snop  }
0x3b: {  	_ = 	snop  }
0x3c: {  	p2 =	seq.s32 s10, $0x1;
	s10 =	sld [smem:$0x3FBA]  }
0x3d: {  	_ =	shalt  }
0x3e: {  	_ =	shalt  }
0x3f: {  	_ =	shalt  }
0x40: {  	_ =	shalt  }
0x41: {  	_ =	shalt  }
0x42: {  	_ =	shalt  }
0x43: {  	_ =	shalt  }
0x44: {  	_ =	shalt  }
0x45: {  	_ =	shalt  }
0x46: {  	_ =	shalt  }
0x47: {  	_ =	shalt  }
0x48: {  	_ =	shalt  }
0x49: {  	_ =	shalt  }
0x4a: {  	_ =	shalt  }
0x4b: {  	_ =	shalt  }
0x4c: {  	_ =	shalt  }
0x4d: {  	_ =	shalt  }
0x4e: {  	_ =	shalt  }
0x4f: {  	_ =	shalt  }
0x50: {  	_ =	shalt  }
0x51: {  	_ =	shalt  }
0x52: {  	_ =	shalt  }
0x53: {  	_ =	shalt  }
0x54: {  	_ =	shalt  }
0x55: {  	_ =	shalt  }
0x56: {  	_ =	shalt  }
0x57: {  	_ =	shalt  }
0x58: {  	_ =	shalt  }
0x59: {  	_ =	shalt  }
0x5a: {  	_ =	shalt  }
0x5b: {  	_ =	shalt  }
0x5c: {  	_ =	shalt  }
0x5d: {  	_ =	shalt  }
0x5e: {  	_ =	shalt  }
0x5f: {  	_ =	shalt  }
0x60: {  	_ =	shalt  }
0x61: {  	_ =	shalt  }
0x62: {  	_ =	shalt  }
0x63: {  	_ =	shalt  }
0x64: {  	_ =	shalt  }
0x65: {  	_ =	shalt  }
0x66: {  	_ =	shalt  }
0x67: {  	_ =	shalt  }
0x68: {  	_ =	shalt  }
0x69: {  	_ =	shalt  }
0x6a: {  	_ =	shalt  }
0x6b: {  	_ =	shalt  }
0x6c: {  	_ =	shalt  }
0x6d: {  	_ =	shalt  }
0x6e: {  	_ =	shalt  }
0x6f: {  	_ =	shalt  }
0x70: {  	_ =	shalt  }
0x71: {  	_ =	shalt  }
0x72: {  	_ =	shalt  }
0x73: {  	_ =	shalt  }
0x74: {  	_ =	shalt  }
0x75: {  	_ =	shalt  }
0x76: {  	_ =	shalt  }
0x77: {  	_ =	shalt  }
0x78: {  	_ =	shalt  }
0x79: {  	_ =	shalt  }
0x7a: {  	_ =	shalt  }
0x7b: {  	_ =	shalt  }
0x7c: {  	_ =	shalt  }
0x7d: {  	_ =	shalt  }
0x7e: {  	_ =	shalt  }
0x7f: {  	_ =	shalt  }
0x80: {  	_ =	shalt  }
0x81: {  	_ =	shalt  }
0x82: {  	_ =	shalt  }
0x83: {  	_ =	shalt  }
0x84: {  	_ =	shalt  }
0x85: {  	_ =	shalt  }
0x86: {  	_ =	shalt  }
0x87: {  	_ =	shalt  }
.Lfunc_end0:
.L_simem_size_0:
called_computation_lowered:
.L_overlay_start_0:
0x88: {  	s2 =	sld [smem:$0x3FD9]  }
0x89: {  	s3 =	sld [smem:$0x3FFE];
	_ =	sdelay $0x1  }
0x8a: {  	s1 =	srdreg.scid  }
0x8b: {  	s0 =	sand.u32 $0x1, s1  }
0x8c: {  	s18 =	sshll.u32 s0, $0xA;
	s2 =	sadd.s32 s3, s2  }
0x8d: {  	s2 =	sadd.s32 s2, s18  }
0x8e: {  	[smem:$0x3FC6] =	sst s2  }
0x8f: {  	_ = 	snop  }
0x90: {  	s2 =	sld [smem:$0x3FC9]  }
0x91: {  	s19 =	sld [smem:$0x3FC8]  }
0x92: {  	s4 =	sld [smem:$0x3FD0];
	(tm) =	ssettm $0x1  }
0x93: {  	s5 =	sld [smem:$0x3FFB];
	_ =	sdelay $0x3  }
0x94: {  	_ =	strace s5  }
0x95: {  	s5 =	sld [smem:$0x3FFC];
	_ =	sdelay $0x3  }
0x96: {  	_ =	strace s5  }
0x97: {  	s5 =	sld [smem:$0x3FFD];
	_ =	sdelay $0x3  }
0x98: {  	_ =	strace s5  }
0x99: {  	_ =	strace $0x8FFFFFFF  }
0x9a: {  	s20 =	sld [smem:$0x3FDB];
	_ =	sdelay $0x1  }
0x9b: {  	s6 =	simm.s32 $_scs_section_size  }
0x9c: {  	s7 =	simm.s32 $_size__tile_overlayer_lowered;
	s8 =	simm.s32 $_tile_overlayer_lowered  }
0x9d: {  	s23 =	simm.s32 $0x1BFF;
	s22 =	sshll.u32 s8, $0x1;
	s5 =	sadd.s32 s6, s20  }
0x9e: {  	s9 =	simm.s32 $0x0;
	s21 =	sshll.u32 s7, $0x1;
	s7 =	sadd.s32 s22, s5  }
0x9f: {  	[timem:s9], [sflag:s23] =	dma.local [hbm:s7], s21  }
0xa0: {  	_ =	swait.ge [sflag:s23], s21  }
0xa1: {  	s6 =	ssub.s32 $0x0, s21;
	[sflag:s23] =	ssyncset.done $0x0  }
0xa2: {  	[sflag:s23] =	ssyncadd.s32 s6;
	_ =	sdelay $0x1  }
0xa3: {  	s24 =	simm.s32 $0x1B8B  }
0xa4: {  	_ =	swait.ge [sflag:s24], $0x1  }
0xa5: {  	[sflag:s24] =	ssyncset.done $0x0  }
0xa6: {  	s25 =	simm.s32 $0x1B8E;
	[sflag:s24] =	ssyncadd.s32 $0xFFFFFFFF  }
0xa7: {  	s26 =	simm.s32 $execute0_lowered;
	[smem:$0x3FD2] =	sst s25  }
0xa8: {  	s6 =	sshll.u32 s26, $0x1;
	_ =	strace $0x80000046;
	[dreg:$0x1] =	wrdreg $0xFFFFFFFF  }
0xa9: {  	s28 =	simm.s32 $_size_execute0_lowered;
	s5 =	sadd.s32 s5, s6;
	[dreg:$0x0] =	wrdreg $0x0  }
0xaa: {  	s6 =	sshll.u32 s28, $0x1;
	[dreg:$0x2] =	wrdreg s5  }
0xab: {  	[dreg:$0x3] =	wrdreg s6  }
0xac: {  	[dreg:$0x4] =	wrdreg $0xC0  }
0xad: {  	_ =	task [dreg:s9], $0x5FFFF  }
0xae: {  	[dreg:$0x1] =	wrdreg $0xFFFFFFFF  }
0xaf: {  	[dreg:$0x0] =	wrdreg $0x60  }
0xb0: {  	[dreg:$0x2] =	wrdreg s2  }
0xb1: {  	[dreg:$0x3] =	wrdreg s19  }
0xb2: {  	[dreg:$0x4] =	wrdreg s4  }
0xb3: {  	[dreg:$0x5] =	wrdreg $0x9  }
0xb4: {  	_ =	task.clear_ibuf [dreg:s9], $0x6FFFF;
	_ =	strace $0x90000046  }
0xb5: {  	s29 =	simm.s32 $0x9;
	_ =	strace $0x80000048  }
0xb6: {  	_ =	swait.ge [sflag:s29], $0x1  }
0xb7: {  	[sflag:s29] =	ssyncadd.s32 $0xFFFFFFFF  }
0xb8: {  	_ =	strace $0x90000048  }
0xb9: {  	_ =	sfence  }
0xba: {  	s30 =	sld [smem:$0x0];
	_ =	sdelay $0x2  }
0xbb: {  	s31 =	sshll.u32 s1, $0xD;
	s1 =	sshrl.u32 s1, $0x2  }
0xbc: {  	s3 =	sand.u32 $0x4000, s31;
	s1 =	sadd.s32 s1, s30  }
0xbd: {  	s0 =	sor.u32 s3, s0;
	s1 =	sshll.u32 s1, $0x11  }
0xbe: {  	s0 =	sor.u32 s1, s0  }
0xbf: {  	s0 =	sadd.s32 $0x8F2B, s0  }
0xc0: {  	[sflag:s0] =	ssyncadd.remote.s32 $0x1  }
0xc1: {  	_ =	sfence.sel $0xFFFF  }
0xc2: {  	[dreg:$0x0] =	wrdreg $0xFFFFFFFF;
	(pc) =	sbr.abs _section_cstart, $3  }
0xc3: {  	[dreg:$0x1] =	wrdreg $0xFFFFFFFF  }
0xc4: {  	_ =	task.clear_ibuf [dreg:s9], $0x2FFFF;
	_ =	strace $0x9FFFFFFF  }
0xc5: {  	(tm) =	ssettm $0x7FFFFFFF  }
tec
execute0_lowered:
.L_overlay_start_1:
0x0: {  	(tag) =	ssettag $0x1  }
0x1: {  	s3 =	rddreg [dreg:$0x0]  }
0x2: {  	s0 =	srdreg.scid;
	s1 =	stileid.u32  }
0x3: {  	s4 =	simm.s32 $0x0;
	s0 =	sand.u32 $0x1, s0;
	s1 =	sshll.u32 s1, $0x8  }
0x4: {  	[smem:$0x7FF] =	sst s4;
	s2 =	sshll.u32 s0, $0x7;
	s0 =	ssub.s32 $0x2, s0  }
0x5: {  	_ =	strace $0x80000047;
	s5 =	sor.u32 s2, s1;
	s20 =	sshrl.u32 s0, $0x1  }
0x6: {  	s0 =	ssub.s32 s0, s20;
	[dreg:$0x4] =	wrdreg s5;
	s22 =	sor.u32 $0x7F, s5  }
0x7: {  	s2 =	sshll.u32 s5, $0x7;
	[dreg:$0x6] =	wrdreg s22;
	s0 =	smax.u32 s0, $0x1  }
0x8: {  	s21 =	sadd.s32 s3, s2;
	[dreg:$0x8] =	wrdreg s0  }
0x9: {  	s23 =	sadd.s32 $0x10, s21;
	[dreg:$0x5] =	wrdreg s21  }
0xa: {  	s24 =	sadd.s32 $0x80, s21;
	[dreg:$0x7] =	wrdreg s23  }
0xb: {  	s25 =	sadd.s32 $0x100, s21;
	[dreg:$0x9] =	wrdreg s24  }
0xc: {  	s26 =	sadd.s32 $0x180, s21;
	[dreg:$0xa] =	wrdreg s25  }
0xd: {  	s6 =	simm.s32 $0x80;
	s28 =	sadd.s32 $0x200, s21;
	[dreg:$0xb] =	wrdreg s26  }
0xe: {  	s8 =	simm.s32 $0x400;
	s29 =	sadd.s32 $0x280, s21;
	[dreg:$0xc] =	wrdreg s28  }
0xf: {  	s11 =	simm.s32 $0x0;
	s30 =	sadd.s32 $0x300, s21;
	[dreg:$0xd] =	wrdreg s29  }
0x10: {  	s4 =	simm.s32 $0x0;
	s31 =	sadd.s32 $0x380, s21;
	[dreg:$0xe] =	wrdreg s30  }
0x11: {  	s1 =	simm.s32 $0x8800;
	s3 =	simm.s32 $0x9800;
	[dreg:$0xf] =	wrdreg s31  }
.LBB2_1:
0x12: {  	[dreg:$0x10] =	wrdreg s4  }
0x13: {  	s0 =	rddreg [dreg:$0x1]  }
0x14: {  	s5 =	simm.s32 $0x0;
	s2 =	simm.s32 $0x8000;
	s14 =	simm.s32 $0x5  }
0x15: {  	[tilespmem:s2], [sflag:$0x5] =	stream.linear.gather [hbm4b:s0+s5], $0x800, $0x38;
	[tilespmem:$0xAC00] =	vst v63  }
0x16: {  	_ =	swait.ge [sflag:s14], $0x800  }
0x17: {  	[sflag:s14] =	ssyncset.done $0x0  }
0x18: {  	s4 =	simm.s32 $0x400000;
	s15 =	rddreg [dreg:$0x5];
	[sflag:s14] =	ssyncadd.s32 $0xFFFFF800  }
0x19: {  	[tilespmem:s5], [sflag:$0x1] =	stream.strided.gather [hbm4b:s15+s6], $0x400, s4, s6, $0x38;
	[tilespmem:$0xAC00] =	vst v63  }
0x1a: {  	s16 =	rddreg [dreg:$0x9]  }
0x1b: {  	[tilespmem:s8], [sflag:$0x1] =	stream.strided.gather [hbm4b:s16+s6], $0x400, s4, s6, $0x38;
	[tilespmem:$0xAC00] =	vst v63  }
0x1c: {  	s7 =	simm.s32 $0x800;
	s17 =	rddreg [dreg:$0xa]  }
0x1d: {  	[tilespmem:s7], [sflag:$0x1] =	stream.strided.gather [hbm4b:s17+s6], $0x400, s4, s6, $0x38;
	[tilespmem:$0xAC00] =	vst v63  }
0x1e: {  	s19 =	simm.s32 $0xC00;
	s18 =	rddreg [dreg:$0xb]  }
0x1f: {  	[tilespmem:s19], [sflag:$0x1] =	stream.strided.gather [hbm4b:s18+s6], $0x400, s4, s6, $0x38;
	[tilespmem:$0xAC00] =	vst v63  }
0x20: {  	s21 =	simm.s32 $0x1000;
	s20 =	rddreg [dreg:$0xc]  }
0x21: {  	[tilespmem:s21], [sflag:$0x1] =	stream.strided.gather [hbm4b:s20+s6], $0x400, s4, s6, $0x38;
	[tilespmem:$0xAC00] =	vst v63  }
0x22: {  	s23 =	simm.s32 $0x1400;
	s22 =	rddreg [dreg:$0xd]  }
0x23: {  	[tilespmem:s23], [sflag:$0x1] =	stream.strided.gather [hbm4b:s22+s6], $0x400, s4, s6, $0x38;
	[tilespmem:$0xAC00] =	vst v63  }
0x24: {  	s25 =	simm.s32 $0x1800;
	s24 =	rddreg [dreg:$0xe]  }
0x25: {  	[tilespmem:s25], [sflag:$0x1] =	stream.strided.gather [hbm4b:s24+s6], $0x400, s4, s6, $0x38;
	[tilespmem:$0xAC00] =	vst v63  }
0x26: {  	s28 =	simm.s32 $0x1C00;
	s26 =	rddreg [dreg:$0xf]  }
0x27: {  	[tilespmem:s28], [sflag:$0x1] =	stream.strided.gather [hbm4b:s26+s6], $0x400, s4, s6, $0x38;
	[tilespmem:$0xAC00] =	vst v63  }
0x28: {  	s29 =	simm.s32 $0x2000;
	s0 =	sadd.s32 $0x400000, s15  }
0x29: {  	[tilespmem:s29], [sflag:$0x1] =	stream.linear.gather [hbm4b:s0+s5], $0x80, $0x38;
	[tilespmem:$0xAC00] =	vst v63  }
0x2a: {  	s31 =	simm.s32 $0x2400;
	s30 =	sadd.s32 $0x80, s0  }
0x2b: {  	[tilespmem:s31], [sflag:$0x1] =	stream.linear.gather [hbm4b:s30+s5], $0x80, $0x38;
	[tilespmem:$0xAC00] =	vst v63  }
0x2c: {  	s10 =	simm.s32 $0x2800;
	s9 =	sadd.s32 $0x100, s0  }
0x2d: {  	[tilespmem:s10], [sflag:$0x1] =	stream.linear.gather [hbm4b:s9+s5], $0x80, $0x38;
	[tilespmem:$0xAC00] =	vst v63  }
0x2e: {  	s13 =	simm.s32 $0x2C00;
	s12 =	sadd.s32 $0x180, s0  }
0x2f: {  	[tilespmem:s13], [sflag:$0x1] =	stream.linear.gather [hbm4b:s12+s5], $0x80, $0x38;
	[tilespmem:$0xAC00] =	vst v63  }
0x30: {  	s14 =	sadd.s32 $0x200, s0;
	s15 =	simm.s32 $0x3000  }
0x31: {  	[tilespmem:s15], [sflag:$0x1] =	stream.linear.gather [hbm4b:s14+s5], $0x80, $0x38;
	[tilespmem:$0xAC00] =	vst v63  }
0x32: {  	s16 =	sadd.s32 $0x280, s0;
	s17 =	simm.s32 $0x3400  }
0x33: {  	[tilespmem:s17], [sflag:$0x1] =	stream.linear.gather [hbm4b:s16+s5], $0x80, $0x38;
	[tilespmem:$0xAC00] =	vst v63  }
0x34: {  	s18 =	sadd.s32 $0x300, s0;
	s19 =	simm.s32 $0x3800  }
0x35: {  	[tilespmem:s19], [sflag:$0x1] =	stream.linear.gather [hbm4b:s18+s5], $0x80, $0x38;
	[tilespmem:$0xAC00] =	vst v63  }
0x36: {  	s20 =	simm.s32 $0x3C00;
	s0 =	sadd.s32 $0x380, s0  }
0x37: {  	[tilespmem:s20], [sflag:$0x1] =	stream.linear.gather [hbm4b:s0+s5], $0x80, $0x38;
	[tilespmem:$0xAC00] =	vst v63  }
0x38: {  	s21 =	rddreg [dreg:$0x7];
	s22 =	simm.s32 $0x4000  }
0x39: {  	[tilespmem:s22], [sflag:$0x2] =	stream.strided.gather [hbm4b:s21+s6], $0x400, s4, s6, $0x38;
	[tilespmem:$0xAC00] =	vst v63  }
0x3a: {  	s23 =	sadd.s32 $0x80, s21;
	s24 =	simm.s32 $0x4400  }
0x3b: {  	[tilespmem:s24], [sflag:$0x2] =	stream.strided.gather [hbm4b:s23+s6], $0x400, s4, s6, $0x38;
	[tilespmem:$0xAC00] =	vst v63  }
0x3c: {  	s25 =	sadd.s32 $0x100, s21;
	s26 =	simm.s32 $0x4800  }
0x3d: {  	[tilespmem:s26], [sflag:$0x2] =	stream.strided.gather [hbm4b:s25+s6], $0x400, s4, s6, $0x38;
	[tilespmem:$0xAC00] =	vst v63  }
0x3e: {  	s28 =	sadd.s32 $0x180, s21;
	s29 =	simm.s32 $0x4C00  }
0x3f: {  	[tilespmem:s29], [sflag:$0x2] =	stream.strided.gather [hbm4b:s28+s6], $0x400, s4, s6, $0x38;
	[tilespmem:$0xAC00] =	vst v63  }
0x40: {  	s30 =	sadd.s32 $0x200, s21;
	s31 =	simm.s32 $0x5000  }
0x41: {  	[tilespmem:s31], [sflag:$0x2] =	stream.strided.gather [hbm4b:s30+s6], $0x400, s4, s6, $0x38;
	[tilespmem:$0xAC00] =	vst v63  }
0x42: {  	s7 =	sadd.s32 $0x280, s21;
	s9 =	simm.s32 $0x5400  }
0x43: {  	[tilespmem:s9], [sflag:$0x2] =	stream.strided.gather [hbm4b:s7+s6], $0x400, s4, s6, $0x38;
	[tilespmem:$0xAC00] =	vst v63  }
0x44: {  	s10 =	sadd.s32 $0x300, s21;
	s12 =	simm.s32 $0x5800  }
0x45: {  	[tilespmem:s12], [sflag:$0x2] =	stream.strided.gather [hbm4b:s10+s6], $0x400, s4, s6, $0x38;
	[tilespmem:$0xAC00] =	vst v63  }
0x46: {  	s13 =	sadd.s32 $0x380, s21;
	s14 =	simm.s32 $0x5C00  }
0x47: {  	[tilespmem:s14], [sflag:$0x2] =	stream.strided.gather [hbm4b:s13+s6], $0x400, s4, s6, $0x38;
	[tilespmem:$0xAC00] =	vst v63  }
0x48: {  	s15 =	sadd.s32 $0x400000, s21;
	s16 =	simm.s32 $0x6000  }
0x49: {  	[tilespmem:s16], [sflag:$0x2] =	stream.linear.gather [hbm4b:s15+s5], $0x80, $0x38;
	[tilespmem:$0xAC00] =	vst v63  }
0x4a: {  	s17 =	sadd.s32 $0x80, s15;
	s18 =	simm.s32 $0x6400  }
0x4b: {  	[tilespmem:s18], [sflag:$0x2] =	stream.linear.gather [hbm4b:s17+s5], $0x80, $0x38;
	[tilespmem:$0xAC00] =	vst v63  }
0x4c: {  	s19 =	sadd.s32 $0x100, s15;
	s20 =	simm.s32 $0x6800  }
0x4d: {  	[tilespmem:s20], [sflag:$0x2] =	stream.linear.gather [hbm4b:s19+s5], $0x80, $0x38;
	[tilespmem:$0xAC00] =	vst v63  }
0x4e: {  	s21 =	sadd.s32 $0x180, s15;
	s22 =	simm.s32 $0x6C00  }
0x4f: {  	[tilespmem:s22], [sflag:$0x2] =	stream.linear.gather [hbm4b:s21+s5], $0x80, $0x38;
	[tilespmem:$0xAC00] =	vst v63  }
0x50: {  	s23 =	sadd.s32 $0x200, s15;
	s24 =	simm.s32 $0x7000  }
0x51: {  	[tilespmem:s24], [sflag:$0x2] =	stream.linear.gather [hbm4b:s23+s5], $0x80, $0x38;
	[tilespmem:$0xAC00] =	vst v63  }
0x52: {  	s25 =	sadd.s32 $0x280, s15;
	s26 =	simm.s32 $0x7400  }
0x53: {  	[tilespmem:s26], [sflag:$0x2] =	stream.linear.gather [hbm4b:s25+s5], $0x80, $0x38;
	[tilespmem:$0xAC00] =	vst v63  }
0x54: {  	s28 =	sadd.s32 $0x300, s15;
	s29 =	simm.s32 $0x7800  }
0x55: {  	[tilespmem:s29], [sflag:$0x2] =	stream.linear.gather [hbm4b:s28+s5], $0x80, $0x38;
	[tilespmem:$0xAC00] =	vst v63  }
0x56: {  	s0 =	sadd.s32 $0x380, s15;
	s30 =	simm.s32 $0x7C00;
	s31 =	simm.s32 $0x1  }
0x57: {  	[tilespmem:s30], [sflag:$0x2] =	stream.linear.gather [hbm4b:s0+s5], $0x80, $0x38;
	[tilespmem:$0xAC00] =	vst v63  }
0x58: {  	_ =	swait.ge [sflag:s31], $0x2400  }
0x59: {  	[sflag:s31] =	ssyncset.done $0x0  }
0x5a: {  	[sflag:s31] =	ssyncadd.s32 $0xFFFFDC00  }
0x5b: {  	v0 =	vld [tilespmem:s5+$0x70]  }
0x5c: {  	v1 =	vld [tilespmem:s5+$0x1F0]  }
0x5d: {  	v2 =	vld [tilespmem:s5+$0x180]  }
0x5e: {  	v3 =	vld [tilespmem:s5+$0x370]  }
0x5f: {  	v4 =	vld [tilespmem:s5+$0x10]  }
0x60: {  	v5 =	vld [tilespmem:s5+$0x190]  }
0x61: {  	v6 =	vld [tilespmem:s5+$0x20]  }
0x62: {  	v7 =	vld [tilespmem:s5+$0x30]  }
0x63: {  	v8 =	vld [tilespmem:s5+$0x40]  }
0x64: {  	v10 =	vld [tilespmem:s5+$0x1C0]  }
0x65: {  	v12 =	vld [tilespmem:s5+$0x50]  }
0x66: {  	v13 =	vld [tilespmem:s5+$0x1D0]  }
0x67: {  	v14 =	vld [tilespmem:s5+$0x60]  }
0x68: {  	v15 =	vld [tilespmem:s5+$0x0]  }
0x69: {  	v16 =	vld [tilespmem:s5+$0x310]  }
0x6a: {  	v18 =	vld [tilespmem:s5+$0x320];
	v0 =	vadd.f32 v1, v0  }
0x6b: {  	v1 =	vld [tilespmem:s5+$0x1A0]  }
0x6c: {  	v4 =	vadd.f32 v5, v4;
	v5 =	vld [tilespmem:s5+$0x340];
	v0 =	vadd.f32 v3, v0  }
0x6d: {  	s7 =	simm.s32 $0x88C0;
	v19 =	vld [tilespmem:s5+$0x330]  }
0x6e: {  	v3 =	vld [tilespmem:s5+$0x1B0];
	[tilespmem:s7+$0xFFFFFFB0] =	vst v0  }
0x6f: {  	v8 =	vadd.f32 v10, v8;
	v4 =	vadd.f32 v16, v4;
	v0 =	vld [tilespmem:s5+$0xF0]  }
0x70: {  	v9 =	vld [tilespmem:s5+$0x270]  }
0x71: {  	[tilespmem:s7+$0xFFFFFF50] =	vst v4;
	v11 =	vld [tilespmem:s5+$0x3F0];
	v1 =	vadd.f32 v1, v6;
	v5 =	vadd.f32 v5, v8  }
0x72: {  	v53 =	vld [tilespmem:s5+$0x390]  }
0x73: {  	v3 =	vadd.f32 v3, v7;
	v1 =	vadd.f32 v18, v1;
	v7 =	vld [tilespmem:s5+$0x90];
	[tilespmem:s7+$0xFFFFFF80] =	vst v5  }
0x74: {  	v49 =	vld [tilespmem:s5+$0xC0]  }
0x75: {  	[tilespmem:s7+$0xFFFFFF60] =	vst v1;
	v1 =	vadd.f32 v19, v3;
	v3 =	vld [tilespmem:s5+$0x210]  }
0x76: {  	v0 =	vadd.f32 v9, v0;
	v9 =	vld [tilespmem:s5+$0x1E0]  }
0x77: {  	v10 =	vld [tilespmem:s5+$0xA0]  }
0x78: {  	[tilespmem:s7+$0xFFFFFF70] =	vst v1;
	v1 =	vld [tilespmem:s5+$0x220]  }
0x79: {  	v0 =	vadd.f32 v11, v0;
	v11 =	vld [tilespmem:s5+$0x300]  }
0x7a: {  	v8 =	vld [tilespmem:s5+$0xB0]  }
0x7b: {  	v5 =	vld [tilespmem:s5+$0x230]  }
0x7c: {  	v54 =	vld [tilespmem:s5+$0x3B0]  }
0x7d: {  	[tilespmem:s7+$0x30] =	vst v0;
	v3 =	vadd.f32 v3, v7;
	v7 =	vld [tilespmem:s5+$0x3C0]  }
0x7e: {  	v2 =	vadd.f32 v2, v15;
	v0 =	vld [tilespmem:s5+$0x170]  }
0x7f: {  	v17 =	vld [tilespmem:s5+$0x2F0]  }
0x80: {  	v2 =	vadd.f32 v11, v2;
	v11 =	vld [tilespmem:s5+$0x350]  }
0x81: {  	v48 =	vld [tilespmem:s5+$0x2070];
	v5 =	vadd.f32 v5, v8  }
0x82: {  	[tilespmem:s7+$0xFFFFFF40] =	vst v2;
	v2 =	vld [tilespmem:s5+$0x360]  }
0x83: {  	v12 =	vadd.f32 v13, v12;
	v5 =	vadd.f32 v54, v5;
	v6 =	vld [tilespmem:s5+$0x80]  }
0x84: {  	v4 =	vld [tilespmem:s5+$0x200]  }
0x85: {  	v9 =	vadd.f32 v9, v14;
	v51 =	vld [tilespmem:s5+$0x380];
	[tilespmem:s7+$0xFFFFFFF0] =	vst v5;
	v11 =	vadd.f32 v11, v12  }
0x86: {  	v56 =	vld [tilespmem:s5+$0x2B0]  }
0x87: {  	v2 =	vadd.f32 v2, v9;
	[tilespmem:s7+$0xFFFFFF90] =	vst v11;
	v9 =	vld [tilespmem:s5+$0x240]  }
0x88: {  	v11 =	vld [tilespmem:s5+$0xD0]  }
0x89: {  	v4 =	vadd.f32 v4, v6;
	v6 =	vld [tilespmem:s5+$0x3A0]  }
0x8a: {  	v55 =	vld [tilespmem:s5+$0x3D0]  }
0x8b: {  	[tilespmem:s7+$0xFFFFFFA0] =	vst v2;
	v2 =	vld [tilespmem:s5+$0x250]  }
0x8c: {  	v50 =	vld [tilespmem:s5+$0xE0];
	v4 =	vadd.f32 v51, v4  }
0x8d: {  	v52 =	vld [tilespmem:s5+$0x260]  }
0x8e: {  	v1 =	vadd.f32 v1, v10;
	v3 =	vadd.f32 v53, v3;
	v10 =	vld [tilespmem:s5+$0x3E0];
	[tilespmem:s7+$0xFFFFFFC0] =	vst v4  }
0x8f: {  	v4 =	vld [tilespmem:s5+$0x100]  }
0x90: {  	[tilespmem:s7+$0xFFFFFFD0] =	vst v3;
	v3 =	vld [tilespmem:s5+$0x280]  }
0x91: {  	v8 =	vadd.f32 v9, v49;
	v1 =	vadd.f32 v6, v1;
	v6 =	vld [tilespmem:s5+$0x110]  }
0x92: {  	v62 =	vld [tilespmem:s5+$0x2000]  }
0x93: {  	v7 =	vadd.f32 v7, v8;
	v8 =	vld [tilespmem:s5+$0x130]  }
0x94: {  	v2 =	vadd.f32 v2, v11;
	[tilespmem:s7+$0xFFFFFFE0] =	vst v1;
	v1 =	vld [tilespmem:s5+$0x290]  }
0x95: {  	v9 =	vld [tilespmem:s5+$0x120]  }
0x96: {  	v11 =	vadd.f32 v52, v50;
	v5 =	vld [tilespmem:s5+$0x2A0];
	v2 =	vadd.f32 v55, v2;
	[tilespmem:s7+$0x0] =	vst v7  }
0x97: {  	v57 =	vld [tilespmem:s5+$0x140]  }
0x98: {  	v7 =	vadd.f32 v10, v11;
	v11 =	vld [tilespmem:s5+$0x2C0];
	[tilespmem:s7+$0x10] =	vst v2  }
0x99: {  	v58 =	vld [tilespmem:s5+$0x150]  }
0x9a: {  	[tilespmem:s7+$0x20] =	vst v7;
	v59 =	vld [tilespmem:s5+$0x2D0]  }
0x9b: {  	v0 =	vadd.f32 v17, v0;
	v60 =	vld [tilespmem:s5+$0x160]  }
0x9c: {  	v61 =	vld [tilespmem:s5+$0x2E0]  }
0x9d: {  	v0 =	vadd.f32 v48, v0;
	v10 =	vld [tilespmem:s5+$0x2010]  }
0x9e: {  	v63 =	vadd.f32 v3, v4;
	v7 =	vld [tilespmem:s5+$0x2020];
	v3 =	vadd.f32 v56, v8  }
0x9f: {  	v8 =	vld [tilespmem:s5+$0x2030];
	v1 =	vadd.f32 v1, v6;
	v2 =	vadd.f32 v5, v9  }
0xa0: {  	s2 =	simm.s32 $0x88C0;
	v6 =	vld [tilespmem:s5+$0x2040];
	v4 =	vadd.f32 v11, v57;
	v11 =	vadd.f32 v62, v63  }
0xa1: {  	s9 =	simm.s32 $0x0;
	s4 =	simm.s32 $0x0;
	s0 =	simm.s32 $0x400;
	[tilespmem:s7+$0xB0] =	vst v0;
	v9 =	vld [tilespmem:s5+$0x2050];
	v5 =	vadd.f32 v59, v58;
	v0 =	vadd.f32 v61, v60  }
.LBB2_2:
0xa2: {  	v12 =	vld [tilespmem:s0+$0x70];
	v1 =	vadd.f32 v10, v1  }
0xa3: {  	v10 =	vld [tilespmem:s0+$0x1F0];
	[tilespmem:s7+$0x40] =	vst v11;
	v2 =	vadd.f32 v7, v2  }
0xa4: {  	v7 =	vld [tilespmem:s0+$0x180];
	[tilespmem:s7+$0x50] =	vst v1;
	v1 =	vadd.f32 v8, v3  }
0xa5: {  	s4 =	sadd.s32 $0x80, s4;
	v3 =	vld [tilespmem:s0+$0x370];
	[tilespmem:s7+$0x60] =	vst v2;
	v2 =	vadd.f32 v6, v4  }
0xa6: {  	p0 =	slt.u32 s4, $0x380;
	v4 =	vld [tilespmem:s0+$0x10];
	[tilespmem:s7+$0x70] =	vst v1;
	v1 =	vadd.f32 v9, v5  }
0xa7: {  	v5 =	vld [tilespmem:s0+$0x190];
	[tilespmem:s7+$0x80] =	vst v2  }
0xa8: {  	v2 =	vld [tilespmem:s0+$0x20];
	v6 =	vadd.f32 v10, v12;
	[tilespmem:s7+$0x90] =	vst v1  }
0xa9: {  	v1 =	vld [tilespmem:s0+$0x1A0]  }
0xaa: {  	v8 =	vld [tilespmem:s0+$0x30];
	v3 =	vadd.f32 v3, v6  }
0xab: {  	s7 =	sadd.s32 $0x200, s7;
	v6 =	vld [tilespmem:s0+$0x1B0]  }
0xac: {  	v4 =	vadd.f32 v5, v4;
	v5 =	vld [tilespmem:s0+$0x40];
	[tilespmem:s7+$0xFFFFFFB0] =	vst v3  }
0xad: {  	v3 =	vld [tilespmem:s0+$0xF0]  }
0xae: {  	v1 =	vadd.f32 v1, v2;
	v2 =	vld [tilespmem:s0+$0x270]  }
0xaf: {  	v9 =	vld [tilespmem:s0+$0x1C0]  }
0xb0: {  	v6 =	vadd.f32 v6, v8;
	v8 =	vld [tilespmem:s0+$0x3F0]  }
0xb1: {  	v10 =	vld [tilespmem:s0+$0x50]  }
0xb2: {  	v11 =	vld [tilespmem:s0+$0x1D0]  }
0xb3: {  	v12 =	vld [tilespmem:s0+$0x60];
	v2 =	vadd.f32 v2, v3  }
0xb4: {  	v3 =	vadd.f32 v9, v5;
	v5 =	vld [tilespmem:s0+$0x1E0]  }
0xb5: {  	v9 =	vld [tilespmem:s0+$0x0];
	v2 =	vadd.f32 v8, v2  }
0xb6: {  	v8 =	vld [tilespmem:s0+$0x300]  }
0xb7: {  	v13 =	vld [tilespmem:s0+$0x310];
	v10 =	vadd.f32 v11, v10;
	[tilespmem:s7+$0x30] =	vst v2  }
0xb8: {  	v2 =	vld [tilespmem:s0+$0x170]  }
0xb9: {  	v5 =	vadd.f32 v5, v12;
	v11 =	vld [tilespmem:s0+$0x2F0]  }
0xba: {  	v7 =	vadd.f32 v7, v9;
	v9 =	vld [tilespmem:s0+$0x320]  }
0xbb: {  	v12 =	vld [tilespmem:s0+$0x2070]  }
0xbc: {  	v7 =	vadd.f32 v8, v7;
	v4 =	vadd.f32 v13, v4;
	v8 =	vld [tilespmem:s0+$0x330]  }
0xbd: {  	v13 =	vld [tilespmem:s0+$0x340]  }
0xbe: {  	[tilespmem:s7+$0xFFFFFF40] =	vst v7;
	v7 =	vld [tilespmem:s0+$0x350];
	v2 =	vadd.f32 v11, v2  }
0xbf: {  	[tilespmem:s7+$0xFFFFFF50] =	vst v4;
	v1 =	vadd.f32 v9, v1;
	v4 =	vld [tilespmem:s0+$0x360]  }
0xc0: {  	v9 =	vld [tilespmem:s0+$0x80];
	v2 =	vadd.f32 v12, v2  }
0xc1: {  	v11 =	vld [tilespmem:s0+$0x200];
	[tilespmem:s7+$0xFFFFFF60] =	vst v1;
	v1 =	vadd.f32 v8, v6  }
0xc2: {  	v6 =	vld [tilespmem:s0+$0x90];
	v3 =	vadd.f32 v13, v3;
	[tilespmem:s7+$0xB0] =	vst v2  }
0xc3: {  	v2 =	vld [tilespmem:s0+$0x210];
	[tilespmem:s7+$0xFFFFFF70] =	vst v1;
	v1 =	vadd.f32 v7, v10  }
0xc4: {  	v7 =	vld [tilespmem:s0+$0xA0];
	[tilespmem:s7+$0xFFFFFF80] =	vst v3;
	v3 =	vadd.f32 v4, v5  }
0xc5: {  	v4 =	vld [tilespmem:s0+$0x220];
	[tilespmem:s7+$0xFFFFFF90] =	vst v1  }
0xc6: {  	v1 =	vadd.f32 v11, v9;
	v5 =	vld [tilespmem:s0+$0xB0];
	[tilespmem:s7+$0xFFFFFFA0] =	vst v3  }
0xc7: {  	v3 =	vld [tilespmem:s0+$0x230]  }
0xc8: {  	v2 =	vadd.f32 v2, v6;
	v6 =	vld [tilespmem:s0+$0xC0]  }
0xc9: {  	v8 =	vld [tilespmem:s0+$0x240]  }
0xca: {  	v4 =	vadd.f32 v4, v7;
	v7 =	vld [tilespmem:s0+$0xD0]  }
0xcb: {  	v9 =	vld [tilespmem:s0+$0x250]  }
0xcc: {  	v3 =	vadd.f32 v3, v5;
	v5 =	vld [tilespmem:s0+$0xE0]  }
0xcd: {  	v10 =	vld [tilespmem:s0+$0x260]  }
0xce: {  	v11 =	vld [tilespmem:s0+$0x380];
	v6 =	vadd.f32 v8, v6  }
0xcf: {  	v8 =	vld [tilespmem:s0+$0x390]  }
0xd0: {  	v12 =	vld [tilespmem:s0+$0x3A0];
	v7 =	vadd.f32 v9, v7  }
0xd1: {  	v9 =	vld [tilespmem:s0+$0x3B0]  }
0xd2: {  	v13 =	vld [tilespmem:s0+$0x3C0];
	v5 =	vadd.f32 v10, v5  }
0xd3: {  	v1 =	vadd.f32 v11, v1;
	v10 =	vld [tilespmem:s0+$0x3D0]  }
0xd4: {  	v2 =	vadd.f32 v8, v2;
	v8 =	vld [tilespmem:s0+$0x3E0]  }
0xd5: {  	[tilespmem:s7+$0xFFFFFFC0] =	vst v1;
	v1 =	vadd.f32 v12, v4;
	v4 =	vld [tilespmem:s9+$0x2060];
	s9 =	smov.u32 s0  }
0xd6: {  	v11 =	vld [tilespmem:s0+$0x100];
	[tilespmem:s7+$0xFFFFFFD0] =	vst v2;
	v2 =	vadd.f32 v9, v3  }
0xd7: {  	v3 =	vld [tilespmem:s0+$0x280];
	[tilespmem:s7+$0xFFFFFFE0] =	vst v1;
	v1 =	vadd.f32 v13, v6  }
0xd8: {  	v6 =	vld [tilespmem:s0+$0x110];
	[tilespmem:s7+$0xFFFFFFF0] =	vst v2;
	v2 =	vadd.f32 v10, v7  }
0xd9: {  	v7 =	vld [tilespmem:s0+$0x290];
	[tilespmem:s7+$0x0] =	vst v1;
	v1 =	vadd.f32 v8, v5  }
0xda: {  	v5 =	vld [tilespmem:s0+$0x120];
	[tilespmem:s7+$0x10] =	vst v2;
	v0 =	vadd.f32 v4, v0  }
0xdb: {  	v2 =	vld [tilespmem:s0+$0x2A0];
	[tilespmem:s7+$0x20] =	vst v1  }
0xdc: {  	v9 =	vadd.f32 v3, v11;
	v3 =	vld [tilespmem:s0+$0x130];
	[tilespmem:s2+$0xA0] =	vst v0;
	s2 =	smov.u32 s7  }
0xdd: {  	v0 =	vld [tilespmem:s0+$0x2B0]  }
0xde: {  	v1 =	vadd.f32 v7, v6;
	v4 =	vld [tilespmem:s0+$0x140]  }
0xdf: {  	v6 =	vld [tilespmem:s0+$0x2C0]  }
0xe0: {  	v2 =	vadd.f32 v2, v5;
	v5 =	vld [tilespmem:s0+$0x150]  }
0xe1: {  	v8 =	vld [tilespmem:s0+$0x2D0]  }
0xe2: {  	v3 =	vadd.f32 v0, v3;
	v0 =	vld [tilespmem:s0+$0x160]  }
0xe3: {  	v11 =	vld [tilespmem:s0+$0x2E0]  }
0xe4: {  	v12 =	vld [tilespmem:s0+$0x2000];
	v4 =	vadd.f32 v6, v4  }
.Ltmp0:
0xe5: {  	v10 =	vld [tilespmem:s0+$0x2010];
	(pc) =	sbr.rel @p0 .LBB2_2-.Ltmp0, $4  }
0xe6: {  	v7 =	vld [tilespmem:s0+$0x2020];
	v5 =	vadd.f32 v8, v5  }
0xe7: {  	v8 =	vld [tilespmem:s0+$0x2030]  }
0xe8: {  	v6 =	vld [tilespmem:s0+$0x2040];
	v0 =	vadd.f32 v11, v0  }
0xe9: {  	s0 =	sadd.s32 $0x400, s0;
	v11 =	vadd.f32 v12, v9;
	v9 =	vld [tilespmem:s9+$0x2050]  }
0xea: {  	v1 =	vadd.f32 v10, v1;
	v60 =	vld [tilespmem:s9+$0x2060]  }
0xeb: {  	[tilespmem:s7+$0x40] =	vst v11;
	v2 =	vadd.f32 v7, v2  }
0xec: {  	[tilespmem:s7+$0x50] =	vst v1;
	v61 =	vadd.f32 v8, v3  }
0xed: {  	[tilespmem:s7+$0x60] =	vst v2;
	v62 =	vadd.f32 v6, v4  }
0xee: {  	[tilespmem:s7+$0x70] =	vst v61;
	v63 =	vadd.f32 v9, v5  }
0xef: {  	[tilespmem:s7+$0x80] =	vst v62;
	v0 =	vadd.f32 v60, v0  }
0xf0: {  	[tilespmem:s7+$0x90] =	vst v63  }
0xf1: {  	s9 =	simm.s32 $0x0;
	[tilespmem:s2+$0xA0] =	vst v0  }
.LBB2_4:
0xf2: {  	s2 =	sshll.u32 s9, $0x1;
	s0 =	rddreg [dreg:$0x4]  }
0xf3: {  	s15 =	rddreg [dreg:$0x6];
	s0 =	sor.u32 s0, s2  }
0xf4: {  	[dreg:$0x13] =	wrdreg s0;
	s0 =	sadd.s32 $0x2, s0  }
0xf5: {  	s0 =	smin.u32 s0, s15  }
0xf6: {  	[dreg:$0x12] =	wrdreg s2;
	s2 =	sshll.u32 s0, $0x4  }
0xf7: {  	s4 =	rddreg [dreg:$0x0];
	s0 =	sshll.u32 s0, $0x7;
	s2 =	sand.u32 $0x70, s2  }
0xf8: {  	s0 =	sand.u32 $0x7FC00, s0;
	s2 =	sadd.s32 s4, s2  }
0xf9: {  	s5 =	simm.s32 $0x400000;
	s4 =	simm.s32 $0x0;
	s0 =	sadd.s32 s0, s2  }
0xfa: {  	[tilespmem:s4], [sflag:$0x1] =	stream.strided.gather [hbm4b:s0+s6], $0x400, s5, s6, $0x38;
	[tilespmem:$0xAC00] =	vst v63  }
0xfb: {  	s2 =	sadd.s32 $0x80, s0  }
0xfc: {  	[tilespmem:s8], [sflag:$0x1] =	stream.strided.gather [hbm4b:s2+s6], $0x400, s5, s6, $0x38;
	[tilespmem:$0xAC00] =	vst v63  }
0xfd: {  	s7 =	simm.s32 $0x800;
	s16 =	sadd.s32 $0x100, s0  }
0xfe: {  	[tilespmem:s7], [sflag:$0x1] =	stream.strided.gather [hbm4b:s16+s6], $0x400, s5, s6, $0x38;
	[tilespmem:$0xAC00] =	vst v63  }
0xff: {  	s18 =	simm.s32 $0xC00;
	s17 =	sadd.s32 $0x180, s0  }
0x100: {  	[tilespmem:s18], [sflag:$0x1] =	stream.strided.gather [hbm4b:s17+s6], $0x400, s5, s6, $0x38;
	[tilespmem:$0xAC00] =	vst v63  }
0x101: {  	s20 =	simm.s32 $0x1000;
	s19 =	sadd.s32 $0x200, s0  }
0x102: {  	[tilespmem:s20], [sflag:$0x1] =	stream.strided.gather [hbm4b:s19+s6], $0x400, s5, s6, $0x38;
	[tilespmem:$0xAC00] =	vst v63  }
0x103: {  	s22 =	simm.s32 $0x1400;
	s21 =	sadd.s32 $0x280, s0  }
0x104: {  	[tilespmem:s22], [sflag:$0x1] =	stream.strided.gather [hbm4b:s21+s6], $0x400, s5, s6, $0x38;
	[tilespmem:$0xAC00] =	vst v63  }
0x105: {  	s24 =	simm.s32 $0x1800;
	s23 =	sadd.s32 $0x300, s0  }
0x106: {  	[tilespmem:s24], [sflag:$0x1] =	stream.strided.gather [hbm4b:s23+s6], $0x400, s5, s6, $0x38;
	[tilespmem:$0xAC00] =	vst v63  }
0x107: {  	s26 =	simm.s32 $0x1C00;
	s25 =	sadd.s32 $0x380, s0  }
0x108: {  	[tilespmem:s26], [sflag:$0x1] =	stream.strided.gather [hbm4b:s25+s6], $0x400, s5, s6, $0x38;
	[tilespmem:$0xAC00] =	vst v63  }
0x109: {  	s29 =	simm.s32 $0x2000;
	s0 =	sadd.s32 $0x400000, s0  }
0x10a: {  	[tilespmem:s29], [sflag:$0x1] =	stream.linear.gather [hbm4b:s0+s4], $0x80, $0x38;
	[tilespmem:$0xAC00] =	vst v63  }
0x10b: {  	s31 =	simm.s32 $0x2400;
	s30 =	sadd.s32 $0x80, s0  }
0x10c: {  	[tilespmem:s31], [sflag:$0x1] =	stream.linear.gather [hbm4b:s30+s4], $0x80, $0x38;
	[tilespmem:$0xAC00] =	vst v63  }
0x10d: {  	s5 =	sadd.s32 $0x100, s0;
	s6 =	simm.s32 $0x2800  }
0x10e: {  	[tilespmem:s6], [sflag:$0x1] =	stream.linear.gather [hbm4b:s5+s4], $0x80, $0x38;
	[tilespmem:$0xAC00] =	vst v63  }
0x10f: {  	s8 =	simm.s32 $0x2C00;
	s7 =	sadd.s32 $0x180, s0  }
0x110: {  	[tilespmem:s8], [sflag:$0x1] =	stream.linear.gather [hbm4b:s7+s4], $0x80, $0x38;
	[tilespmem:$0xAC00] =	vst v63  }
0x111: {  	s12 =	simm.s32 $0x3000;
	s10 =	sadd.s32 $0x200, s0  }
0x112: {  	[tilespmem:s12], [sflag:$0x1] =	stream.linear.gather [hbm4b:s10+s4], $0x80, $0x38;
	[tilespmem:$0xAC00] =	vst v63  }
0x113: {  	s14 =	simm.s32 $0x3400;
	s13 =	sadd.s32 $0x280, s0  }
0x114: {  	[tilespmem:s14], [sflag:$0x1] =	stream.linear.gather [hbm4b:s13+s4], $0x80, $0x38;
	[tilespmem:$0xAC00] =	vst v63  }
0x115: {  	s15 =	sadd.s32 $0x300, s0;
	s16 =	simm.s32 $0x3800  }
0x116: {  	[tilespmem:s16], [sflag:$0x1] =	stream.linear.gather [hbm4b:s15+s4], $0x80, $0x38;
	[tilespmem:$0xAC00] =	vst v63  }
0x117: {  	s17 =	simm.s32 $0x3C00;
	s18 =	simm.s32 $0x2;
	s0 =	sadd.s32 $0x380, s0  }
0x118: {  	[tilespmem:s17], [sflag:$0x1] =	stream.linear.gather [hbm4b:s0+s4], $0x80, $0x38;
	[tilespmem:$0xAC00] =	vst v63  }
0x119: {  	_ =	swait.ge [sflag:s18], $0x2400  }
0x11a: {  	p0 =	seq.s32 s9, $0x0;
	s19 =	simm.s32 $0x0;
	[sflag:s18] =	ssyncset.done $0x0  }
0x11b: {  	s0 =	simm.s32 @!p0 $0x3;
	[dreg:$0x11] =	wrdreg s9;
	[sflag:s18] =	ssyncadd.s32 $0xFFFFDC00  }
0x11c: {  	s20 =	simm.s32 $0x20;
	s2 =	sand.u32 $0x3FFFFC00, s19;
	_ =	swait.ge @!p0 [sflag:s0], $0x200  }
0x11d: {  	s21 =	sadd.s32 $0x4000, s2;
	s4 =	sand.u32 $0x60, s20;
	[sflag:s0] =	ssyncset.done @!p0 $0x0  }
0x11e: {  	s22 =	sor.u32 s4, s21;
	[sflag:s0] =	ssyncadd.s32 @!p0 $0xFFFFFE00  }
0x11f: {  	v0 =	vld [tilespmem:s22+$0x0]  }
0x120: {  	v1 =	vld [tilespmem:s22+$0x180];
	_ =	sdelay $0x1  }
0x121: {  	v2 =	vld [tilespmem:s22+$0x300];
	_ =	sdelay $0x1  }
0x122: {  	s23 =	simm.s32 $0x0  }
0x123: {  	s25 =	simm.s32 $0x0;
	s6 =	sand.u32 $0x40, s23;
	v0 =	vadd.f32 v1, v0  }
0x124: {  	s24 =	sor.u32 s6, s21;
	s8 =	sand.u32 $0x3FFFFE00, s25  }
0x125: {  	s8 =	sadd.s32 $0x9800, s8;
	v3 =	vld [tilespmem:s24+$0x180];
	v0 =	vadd.f32 v2, v0  }
0x126: {  	s26 =	sor.u32 s4, s8;
	v1 =	vld [tilespmem:s24+$0x0]  }
0x127: {  	v2 =	vld [tilespmem:s24+$0x300];
	[tilespmem:s26+$0x0] =	vst v0  }
0x128: {  	v0 =	vld [tilespmem:s22+$0x80]  }
0x129: {  	v4 =	vld [tilespmem:s22+$0x200];
	_ =	sdelay $0x1  }
0x12a: {  	v1 =	vadd.f32 v3, v1;
	v3 =	vld [tilespmem:s22+$0x380];
	_ =	sdelay $0x1  }
0x12b: {  	v1 =	vadd.f32 v2, v1  }
0x12c: {  	s12 =	sor.u32 s6, s8;
	v0 =	vadd.f32 v4, v0  }
0x12d: {  	[tilespmem:s12+$0x0] =	vst v1  }
0x12e: {  	v1 =	vld [tilespmem:s24+$0x80];
	v0 =	vadd.f32 v3, v0  }
0x12f: {  	v2 =	vld [tilespmem:s24+$0x200]  }
0x130: {  	v3 =	vld [tilespmem:s24+$0x380];
	[tilespmem:s26+$0x80] =	vst v0  }
0x131: {  	v0 =	vld [tilespmem:s22+$0x100]  }
0x132: {  	s2 =	sadd.s32 $0x6000, s2;
	v4 =	vld [tilespmem:s22+$0x280]  }
0x133: {  	s29 =	sor.u32 s4, s2  }
0x134: {  	v1 =	vadd.f32 v2, v1;
	v2 =	vld [tilespmem:s29+$0x0];
	_ =	sdelay $0x1  }
0x135: {  	v1 =	vadd.f32 v3, v1  }
0x136: {  	v0 =	vadd.f32 v4, v0  }
0x137: {  	[tilespmem:s12+$0x80] =	vst v1  }
0x138: {  	v1 =	vld [tilespmem:s24+$0x100];
	v0 =	vadd.f32 v2, v0  }
0x139: {  	s30 =	sor.u32 s6, s2;
	s31 =	sor.u32 $0x10, s4;
	v3 =	vld [tilespmem:s24+$0x280]  }
0x13a: {  	s9 =	sor.u32 s31, s21;
	v2 =	vld [tilespmem:s30+$0x0];
	[tilespmem:s26+$0x100] =	vst v0  }
0x13b: {  	v0 =	vld [tilespmem:s9+$0x0]  }
0x13c: {  	v4 =	vld [tilespmem:s9+$0x180];
	_ =	sdelay $0x1  }
0x13d: {  	v1 =	vadd.f32 v3, v1;
	v3 =	vld [tilespmem:s9+$0x300];
	_ =	sdelay $0x1  }
0x13e: {  	v1 =	vadd.f32 v2, v1  }
0x13f: {  	s10 =	sor.u32 $0x10, s6;
	v0 =	vadd.f32 v4, v0  }
0x140: {  	s16 =	sor.u32 s10, s21;
	[tilespmem:s12+$0x100] =	vst v1  }
0x141: {  	v1 =	vld [tilespmem:s16+$0x0];
	v0 =	vadd.f32 v3, v0  }
0x142: {  	s15 =	sor.u32 s31, s8;
	v2 =	vld [tilespmem:s16+$0x180]  }
0x143: {  	[tilespmem:s15+$0x0] =	vst v0  }
0x144: {  	v0 =	vld [tilespmem:s9+$0x80]  }
0x145: {  	v4 =	vld [tilespmem:s9+$0x200]  }
0x146: {  	v3 =	vld [tilespmem:s16+$0x300]  }
0x147: {  	s18 =	simm.s32 $0x200;
	v1 =	vadd.f32 v2, v1;
	v2 =	vld [tilespmem:s9+$0x380]  }
0x148: {  	s20 =	simm.s32 $0x40;
	s17 =	sand.u32 $0x3FFFFC00, s18  }
0x149: {  	s19 =	simm.s32 $0x60;
	s4 =	sadd.s32 $0x4000, s17;
	s22 =	sand.u32 $0x40, s20  }
0x14a: {  	s6 =	sand.u32 $0x60, s19;
	s24 =	sor.u32 s22, s4;
	v0 =	vadd.f32 v4, v0  }
0x14b: {  	s13 =	sor.u32 s6, s4;
	v8 =	vld [tilespmem:s24+$0x0]  }
0x14c: {  	v1 =	vadd.f32 v3, v1;
	v3 =	vld [tilespmem:s13+$0x0];
	v0 =	vadd.f32 v2, v0  }
0x14d: {  	v2 =	vld [tilespmem:s13+$0x180]  }
0x14e: {  	v4 =	vld [tilespmem:s13+$0x300];
	[tilespmem:s15+$0x80] =	vst v0  }
0x14f: {  	s5 =	sor.u32 s10, s8;
	v0 =	vld [tilespmem:s9+$0x100]  }
0x150: {  	[tilespmem:s5+$0x0] =	vst v1;
	v5 =	vld [tilespmem:s9+$0x280]  }
0x151: {  	s21 =	sor.u32 s31, s2;
	v1 =	vld [tilespmem:s16+$0x80]  }
0x152: {  	s23 =	simm.s32 $0x100;
	v2 =	vadd.f32 v2, v3;
	v3 =	vld [tilespmem:s21+$0x0]  }
0x153: {  	s0 =	sand.u32 $0x3FFFFE00, s23;
	v6 =	vld [tilespmem:s16+$0x200]  }
0x154: {  	s0 =	sadd.s32 $0x9800, s0;
	v7 =	vld [tilespmem:s16+$0x380];
	v2 =	vadd.f32 v4, v2  }
0x155: {  	s25 =	sor.u32 s6, s0;
	v4 =	vld [tilespmem:s24+$0x180];
	v0 =	vadd.f32 v5, v0  }
0x156: {  	v5 =	vld [tilespmem:s24+$0x300];
	[tilespmem:s25+$0x0] =	vst v2  }
0x157: {  	s14 =	sand.u32 $0x600, s11;
	s18 =	simm.s32 $0x10;
	v0 =	vadd.f32 v3, v0;
	v2 =	vld [tilespmem:s13+$0x80]  }
0x158: {  	s14 =	sor.u32 $0x8000, s14;
	s18 =	sand.u32 $0x70, s18;
	v1 =	vadd.f32 v6, v1;
	v3 =	vld [tilespmem:s13+$0x200]  }
0x159: {  	s18 =	sor.u32 s18, s14;
	v6 =	vld [tilespmem:s13+$0x380];
	[tilespmem:s15+$0x100] =	vst v0  }
0x15a: {  	v0 =	vadd.f32 v7, v1;
	v1 =	vld [tilespmem:s18+$0x0]  }
0x15b: {  	v4 =	vadd.f32 v4, v8;
	v7 =	vld [tilespmem:s18+$0x80]  }
0x15c: {  	[tilespmem:s5+$0x80] =	vst v0;
	v0 =	vld [tilespmem:s18+$0x180]  }
0x15d: {  	v4 =	vadd.f32 v5, v4;
	v8 =	vld [tilespmem:s16+$0x100];
	v2 =	vadd.f32 v3, v2  }
0x15e: {  	s26 =	sor.u32 s22, s0;
	v3 =	vld [tilespmem:s18+$0x100]  }
0x15f: {  	v5 =	vld [tilespmem:s16+$0x280];
	[tilespmem:s26+$0x0] =	vst v4;
	v2 =	vadd.f32 v6, v2  }
0x160: {  	v4 =	vld [tilespmem:s24+$0x80];
	v6 =	vand.u32 $0x7F, v1;
	v9 =	vand.u32 $0x7F, v7;
	v1 =	vshll.u32 v1, $0x2  }
0x161: {  	v10 =	vld [tilespmem:s24+$0x200];
	v7 =	vshll.u32 v7, $0x2;
	v11 =	vand.u32 $0x7F, v0;
	v1 =	vand.u32 $0xFFFFFE00, v1  }
0x162: {  	s9 =	sor.u32 s10, s2;
	s2 =	sadd.s32 $0x6000, s17;
	v12 =	vld [tilespmem:s24+$0x380];
	v0 =	vshll.u32 v0, $0x2;
	v7 =	vand.u32 $0xFFFFFE00, v7;
	v1 =	vor.u32 v6, v1  }
0x163: {  	s29 =	sor.u32 s6, s2;
	[tilespmem:s25+$0x80] =	vst v2;
	v6 =	vld [tilespmem:s9+$0x0];
	v2 =	vor.u32 v9, v7;
	v0 =	vand.u32 $0xFFFFFE00, v0  }
0x164: {  	v13 =	vshll.u32 v3, $0x2;
	v9 =	vld [tilespmem:s29+$0x0];
	v0 =	vor.u32 v11, v0  }
0x165: {  	v3 =	vand.u32 $0x7F, v3;
	v7 =	vand.u32 $0xFFFFFE00, v13;
	v11 =	vld [tilespmem:s13+$0x100];
	v13 =	vor.u32 $0x100, v1  }
0x166: {  	v3 =	vor.u32 v3, v7;
	v7 =	vld [tilespmem:s13+$0x280];
	v4 =	vadd.f32 v10, v4  }
0x167: {  	v14 =	vld.idx.msk [tilespmem:v1+s1+$0x0], $0xffff;
	v1 =	vor.u32 $0x80, v1  }
0x168: {  	v15 =	vor.u32 $0x100, v2;
	v4 =	vadd.f32 v12, v4;
	v16 =	vld.idx.msk [tilespmem:v2+s1+$0x0], $0xffff;
	v2 =	vor.u32 $0x80, v2  }
0x169: {  	v17 =	vld.idx.msk [tilespmem:v0+s1+$0x0], $0xffff  }
0x16a: {  	v13 =	vld.idx.msk [tilespmem:v13+s1+$0x0], $0xffff;
	[tilespmem:s26+$0x80] =	vst v4  }
0x16b: {  	v4 =	vld [tilespmem:s24+$0x100]  }
0x16c: {  	v12 =	vor.u32 $0x80, v0;
	v18 =	vld.idx.msk [tilespmem:v1+s1+$0x0], $0xffff  }
0x16d: {  	v1 =	vor.u32 $0x80, v3;
	v19 =	vld.idx.msk [tilespmem:v2+s1+$0x0], $0xffff  }
0x16e: {  	v2 =	vadd.f32 v5, v8;
	v5 =	vld [tilespmem:s24+$0x280]  }
0x16f: {  	s31 =	sor.u32 s22, s2;
	v10 =	vld.idx.msk [tilespmem:v3+s1+$0x0], $0xffff  }
0x170: {  	s30 =	simm.s32 $0x0;
	v0 =	vor.u32 $0x100, v0;
	v8 =	vld [tilespmem:s31+$0x0];
	v2 =	vadd.f32 v6, v2  }
0x171: {  	s9 =	sand.u32 $0x60, s30;
	v7 =	vadd.f32 v7, v11;
	v6 =	vld.idx.msk [tilespmem:v12+s1+$0x0], $0xffff  }
0x172: {  	s10 =	sor.u32 s9, s14;
	[tilespmem:s5+$0x100] =	vst v2;
	v11 =	vld.idx.msk [tilespmem:v1+s1+$0x0], $0xffff  }
0x173: {  	v1 =	vadd.f32 v9, v7;
	v2 =	vld [tilespmem:s10+$0x0];
	v4 =	vadd.f32 v5, v4  }
0x174: {  	s13 =	sor.u32 $0x10, s6;
	v7 =	vld [tilespmem:s10+$0x80]  }
0x175: {  	s14 =	sor.u32 s13, s4;
	v5 =	vor.u32 $0x100, v3;
	[tilespmem:s25+$0x100] =	vst v1;
	v3 =	vadd.f32 v8, v4;
	v8 =	vld.idx.msk [tilespmem:v0+s1+$0x0], $0xffff  }
0x176: {  	v1 =	vld [tilespmem:s14+$0x0]  }
0x177: {  	s16 =	sor.u32 $0x10, s22;
	v4 =	vld [tilespmem:s14+$0x180]  }
0x178: {  	s31 =	sor.u32 s16, s4;
	v9 =	vld [tilespmem:s14+$0x300];
	[tilespmem:s26+$0x100] =	vst v3  }
0x179: {  	v0 =	vshll.u32 v2, $0x2;
	v12 =	vld [tilespmem:s31+$0x0]  }
0x17a: {  	s12 =	simm.s32 $0x400;
	v2 =	vand.u32 $0x7F, v2;
	v20 =	vld [tilespmem:s31+$0x180];
	v0 =	vand.u32 $0xFFFFFE00, v0  }
0x17b: {  	s19 =	simm.s32 $0xA0;
	s15 =	sand.u32 $0x3FFFFC00, s12;
	s8 =	sor.u32 s16, s0;
	v15 =	vld.idx.msk [tilespmem:v15+s1+$0x0], $0xffff;
	v3 =	vor.u32 v2, v0  }
0x17c: {  	s6 =	sand.u32 $0x60, s19;
	s5 =	sor.u32 s13, s0;
	s0 =	sadd.s32 $0x4000, s15;
	v0 =	vshll.u32 v7, $0x2;
	v2 =	vand.u32 $0x7F, v7;
	v7 =	vld [tilespmem:s31+$0x300];
	v1 =	vadd.f32 v4, v1  }
0x17d: {  	v21 =	vld [tilespmem:s10+$0x100];
	s20 =	sor.u32 s6, s0;
	v0 =	vand.u32 $0xFFFFFE00, v0  }
0x17e: {  	v10 =	vsub.f32 v17, v10;
	v17 =	vld [tilespmem:s20+$0x300];
	v4 =	vor.u32 v2, v0;
	v0 =	vadd.f32 v9, v1  }
0x17f: {  	v5 =	vld.idx.msk [tilespmem:v5+s1+$0x0], $0xffff;
	v1 =	vadd.f32 v20, v12  }
0x180: {  	v9 =	vld [tilespmem:s10+$0x180];
	[tilespmem:s5+$0x0] =	vst v0  }
0x181: {  	v7 =	vadd.f32 v7, v1;
	v2 =	vld [tilespmem:s14+$0x80]  }
0x182: {  	v12 =	vld [tilespmem:s14+$0x200]  }
0x183: {  	[tilespmem:s8+$0x0] =	vst v7;
	v7 =	vld [tilespmem:s14+$0x380]  }
0x184: {  	v20 =	vor.u32 $0x80, v3;
	v22 =	vld [tilespmem:s31+$0x80]  }
0x185: {  	v23 =	vld [tilespmem:s31+$0x200]  }
0x186: {  	v0 =	vld.idx.msk [tilespmem:v3+s1+$0x0], $0xffff  }
0x187: {  	v24 =	vld [tilespmem:s31+$0x380];
	v12 =	vadd.f32 v12, v2  }
0x188: {  	v11 =	vsub.f32 v6, v11;
	v1 =	vld.idx.msk [tilespmem:v4+s1+$0x0], $0xffff  }
0x189: {  	s21 =	simm.s32 $0x80;
	v2 =	vld.idx.msk [tilespmem:v20+s1+$0x0], $0xffff;
	v7 =	vadd.f32 v7, v12;
	v12 =	vsub.f32 v14, v16  }
0x18a: {  	s7 =	sand.u32 $0x40, s21;
	v20 =	vld [tilespmem:s20+$0x0];
	v14 =	vsub.f32 v18, v19;
	v19 =	vadd.f32 v23, v22  }
0x18b: {  	v13 =	vsub.f32 v13, v15;
	v15 =	vmul.f32 v10, v10;
	s22 =	sor.u32 s7, s0;
	v16 =	vld [tilespmem:s20+$0x180]  }
0x18c: {  	v23 =	vsub.f32 v8, v5;
	v5 =	vmul.f32 v11, v11;
	[tilespmem:s5+$0x80] =	vst v7;
	v19 =	vadd.f32 v24, v19;
	v24 =	vld [tilespmem:s22+$0x180]  }
0x18d: {  	v6 =	vmul.f32 v12, v12;
	v7 =	vmul.f32 v14, v14;
	v18 =	vld [tilespmem:s14+$0x100]  }
0x18e: {  	v22 =	vld [tilespmem:s14+$0x280]  }
0x18f: {  	s23 =	sor.u32 s13, s2;
	v5 =	vadd.f32 v5, v15;
	v15 =	vmul.f32 v23, v23;
	v6 =	vadd.f32 v7, v6;
	v7 =	vld [tilespmem:s22+$0x0]  }
0x190: {  	s24 =	simm.s32 $0x200;
	v8 =	vmul.f32 v13, v13;
	[tilespmem:s8+$0x80] =	vst v19;
	v16 =	vadd.f32 v16, v20;
	v20 =	vld [tilespmem:s23+$0x0]  }
0x191: {  	s2 =	sor.u32 s16, s2;
	s25 =	sand.u32 $0x3FFFFE00, s24;
	v5 =	vadd.f32 v15, v5;
	v15 =	vld [tilespmem:s31+$0x100]  }
0x192: {  	s4 =	sadd.s32 $0x9800, s25;
	v30 =	vld [tilespmem:s2+$0x0];
	v6 =	vadd.f32 v8, v6;
	v16 =	vadd.f32 v17, v16  }
0x193: {  	s26 =	sor.u32 s6, s4;
	v8 =	vld [tilespmem:s22+$0x300];
	v17 =	vadd.f32 v22, v18  }
0x194: {  	s29 =	simm.s32 $0x80;
	v5 =	vmul.f32 v5, v6;
	[tilespmem:s26+$0x0] =	vst v16;
	v16 =	vld [tilespmem:s31+$0x280]  }
0x195: {  	s30 =	simm.s32 $0x30;
	s13 =	sand.u32 $0x600, s29;
	v6 =	vld [tilespmem:s20+$0x380];
	v17 =	vadd.f32 v20, v17  }
0x196: {  	s10 =	sand.u32 $0x70, s30;
	v19 =	vshll.u32 v21, $0x2;
	s31 =	sor.u32 $0x8000, s13;
	v7 =	vadd.f32 v24, v7;
	v18 =	vld [tilespmem:s20+$0x80];
	v5 =	vmax.f32 v5, $1.000000000e-30  }
0x197: {  	v21 =	vand.u32 $0x7F, v21;
	v20 =	vld [tilespmem:s20+$0x200];
	s13 =	sor.u32 s10, s31;
	v22 =	vshra.s32 v5, $0x1;
	v24 =	vmul.f32 $5.000000000e-01, v5;
	[tilespmem:s5+$0x100] =	vst v17  }
0x198: {  	v7 =	vadd.f32 v8, v7;
	v17 =	vshll.u32 v9, $0x2;
	v22 =	vsub.s32 $0x5F3759DF, v22;
	v5 =	vld [tilespmem:s13+$0x0]  }
0x199: {  	v8 =	vand.u32 $0x7F, v9;
	v25 =	vld [tilespmem:s13+$0x80];
	v9 =	vand.u32 $0xFFFFFE00, v17;
	v17 =	vmul.f32 v22, v24  }
0x19a: {  	s18 =	sor.u32 s7, s4;
	v19 =	vand.u32 $0xFFFFFE00, v19;
	v26 =	vld [tilespmem:s13+$0x180];
	v27 =	vor.u32 v8, v9;
	v8 =	vor.u32 $0x80, v4  }
0x19b: {  	v19 =	vor.u32 v21, v19;
	[tilespmem:s18+$0x0] =	vst v7;
	v28 =	vld [tilespmem:s13+$0x100];
	v7 =	vor.u32 $0x80, v27;
	v9 =	vmul.f32 v22, v17  }
0x19c: {  	v21 =	vor.u32 $0x80, v19;
	v29 =	vld [tilespmem:s22+$0x200]  }
0x19d: {  	v17 =	vld [tilespmem:s22+$0x80];
	v9 =	vsub.f32 $1.500000000e+00, v9  }
0x19e: {  	v18 =	vadd.f32 v20, v18;
	v20 =	vld [tilespmem:s22+$0x380]  }
0x19f: {  	v31 =	vand.u32 $0x7F, v25;
	v22 =	vmul.f32 v22, v9;
	v8 =	vld.idx.msk [tilespmem:v8+s1+$0x0], $0xffff  }
0x1a0: {  	v9 =	vadd.f32 v6, v18;
	v18 =	vand.u32 $0x7F, v5;
	v6 =	vshll.u32 v5, $0x2;
	v5 =	vld.idx.msk [tilespmem:v7+s1+$0x0], $0xffff  }
0x1a1: {  	v32 =	vand.u32 $0x7F, v26;
	v7 =	vshll.u32 v25, $0x2;
	v25 =	vand.u32 $0xFFFFFE00, v6;
	v6 =	vld.idx.msk [tilespmem:v21+s1+$0x0], $0xffff  }
0x1a2: {  	s2 =	sadd.s32 $0x6000, s15;
	v21 =	vshll.u32 v26, $0x2;
	v26 =	vand.u32 $0xFFFFFE00, v7;
	v18 =	vor.u32 v18, v25;
	v7 =	vld.idx.msk [tilespmem:v27+s1+$0x0], $0xffff  }
0x1a3: {  	v10 =	vmul.f32 v10, v12;
	s19 =	sor.u32 s6, s2;
	[tilespmem:s26+$0x80] =	vst v9;
	v9 =	vld.idx.msk [tilespmem:v19+s1+$0x0], $0xffff;
	v19 =	vor.u32 $0x100, v19  }
0x1a4: {  	v11 =	vmul.f32 v11, v14;
	v21 =	vand.u32 $0xFFFFFE00, v21;
	v26 =	vor.u32 v31, v26;
	v31 =	vld [tilespmem:s19+$0x0]  }
0x1a5: {  	v25 =	vshll.u32 v28, $0x2;
	v28 =	vand.u32 $0x7F, v28;
	v21 =	vor.u32 v32, v21;
	v39 =	vld [tilespmem:s20+$0x100]  }
0x1a6: {  	v24 =	vmul.f32 v22, v24;
	v25 =	vand.u32 $0xFFFFFE00, v25;
	v12 =	vld [tilespmem:s20+$0x280];
	v14 =	vor.u32 $0x100, v18  }
0x1a7: {  	v25 =	vor.u32 v28, v25;
	v28 =	vld.idx.msk [tilespmem:v18+s1+$0x0], $0xffff  }
0x1a8: {  	v24 =	vmul.f32 v24, v22;
	v33 =	vor.u32 $0x100, v26;
	v19 =	vld.idx.msk [tilespmem:v19+s1+$0x0], $0xffff  }
0x1a9: {  	v13 =	vmul.f32 v23, v13;
	v10 =	vadd.f32 v11, v10;
	v23 =	vor.u32 $0x80, v26;
	v34 =	vld.idx.msk [tilespmem:v26+s1+$0x0], $0xffff  }
0x1aa: {  	v11 =	vor.u32 $0x80, v18;
	v35 =	vor.u32 $0x80, v21;
	v18 =	vsub.f32 $1.500000000e+00, v24;
	v24 =	vld.idx.msk [tilespmem:v21+s1+$0x0], $0xffff  }
0x1ab: {  	v14 =	vld.idx.msk [tilespmem:v14+s1+$0x0], $0xffff  }
0x1ac: {  	v10 =	vadd.f32 v13, v10;
	v21 =	vor.u32 $0x100, v21;
	v26 =	vld.idx.msk [tilespmem:v25+s1+$0x0], $0xffff;
	v13 =	vmul.f32 v18, v22  }
0x1ad: {  	v18 =	vor.u32 $0x80, v25;
	v22 =	vld.idx.msk [tilespmem:v33+s1+$0x0], $0xffff  }
0x1ae: {  	v25 =	vor.u32 $0x100, v25;
	v23 =	vld.idx.msk [tilespmem:v23+s1+$0x0], $0xffff;
	v10 =	vmul.f32 v13, v10  }
0x1af: {  	v17 =	vadd.f32 v29, v17;
	v29 =	vld.idx.msk [tilespmem:v35+s1+$0x0], $0xffff  }
0x1b0: {  	v13 =	vld.idx.msk [tilespmem:v11+s1+$0x0], $0xffff;
	v10 =	vmax.f32 v10, $-1.000000000e+00  }
0x1b1: {  	v15 =	vadd.f32 v16, v15;
	v16 =	vld.idx.msk [tilespmem:v21+s1+$0x0], $0xffff;
	v11 =	vmin.f32 v10, $1.000000000e+00;
	v10 =	vadd.f32 v20, v17  }
0x1b2: {  	v3 =	vor.u32 $0x100, v3;
	v7 =	vsub.f32 v7, v9;
	v17 =	vld.idx.msk [tilespmem:v18+s1+$0x0], $0xffff  }
0x1b3: {  	v12 =	vadd.f32 v12, v39;
	v28 =	vsub.f32 v28, v34;
	v21 =	vld.idx.msk [tilespmem:v25+s1+$0x0], $0xffff;
	v18 =	vand.u32 $0x7FFFFFFF, v11;
	[tilespmem:s18+$0x80] =	vst v10  }
0x1b4: {  	v27 =	vor.u32 $0x100, v27;
	s20 =	simm.s32 $0x20;
	v20 =	vsub.f32 $1.000000000e+00, v18;
	v10 =	vadd.f32 v30, v15;
	v15 =	vld [tilespmem:s22+$0x100]  }
0x1b5: {  	s21 =	sor.u32 s7, s2;
	s5 =	sand.u32 $0x60, s20;
	v25 =	vor.u32 $0x100, v4;
	v24 =	vsub.f32 v24, v26;
	v22 =	vsub.f32 v14, v22;
	v30 =	vld [tilespmem:s22+$0x280]  }
0x1b6: {  	v14 =	vmul.f32 v28, v28;
	v23 =	vsub.f32 v13, v23;
	s22 =	sor.u32 s5, s31;
	v41 =	vld [tilespmem:s21+$0x0];
	v4 =	vmax.f32 v20, $1.000000000e-30;
	[tilespmem:s8+$0x100] =	vst v10  }
0x1b7: {  	v40 =	vshra.s32 v4, $0x1;
	v42 =	vmul.f32 $5.000000000e-01, v4;
	v4 =	vadd.f32 v31, v12;
	v12 =	vld [tilespmem:s22+$0x0]  }
0x1b8: {  	v43 =	vmul.f32 v22, v22;
	v26 =	vld [tilespmem:s22+$0x80];
	v17 =	vsub.f32 v29, v17;
	v31 =	vsub.s32 $0x5F3759DF, v40  }
0x1b9: {  	vm0 =	vlt.f32 v11, $0.0e+00;
	v10 =	vld [tilespmem:s22+$0x100];
	v29 =	vmul.f32 v24, v24;
	v32 =	vmul.f32 v31, v42  }
0x1ba: {  	s23 =	sor.u32 $0x10, s6;
	v13 =	vld [tilespmem:s22+$0x180];
	v16 =	vsub.f32 v16, v21;
	[tilespmem:s26+$0x100] =	vst v4;
	v4 =	vmul.f32 v23, v23;
	v21 =	vmul.f32 v17, v17  }
0x1bb: {  	s24 =	sor.u32 s23, s0;
	v9 =	vmul.f32 v24, v28;
	v25 =	vld.idx.msk [tilespmem:v25+s1+$0x0], $0xffff;
	v17 =	vmul.f32 v17, v23;
	v15 =	vadd.f32 v30, v15  }
0x1bc: {  	v30 =	vld [tilespmem:s24+$0x0];
	v32 =	vmul.f32 v31, v32;
	v4 =	vadd.f32 v4, v14;
	v14 =	vadd.f32 v21, v29  }
0x1bd: {  	v44 =	vld [tilespmem:s24+$0x180];
	v21 =	vmul.f32 v16, v16;
	v9 =	vadd.f32 v17, v9;
	v15 =	vadd.f32 v41, v15  }
0x1be: {  	s7 =	sor.u32 $0x10, s7;
	s26 =	simm.s32 $0x600;
	v29 =	vld.idx.msk [tilespmem:v3+s1+$0x0], $0xffff;
	v16 =	vmul.f32 v16, v22;
	v45 =	vand.u32 $0x7F, v12;
	v3 =	vsub.f32 $1.500000000e+00, v32  }
0x1bf: {  	s30 =	simm.s32 $0xE0;
	s25 =	sor.u32 s7, s0;
	s29 =	sand.u32 $0x3FFFFC00, s26;
	v12 =	vshll.u32 v12, $0x2;
	v34 =	vadd.f32 v43, v4;
	v14 =	vadd.f32 v21, v14;
	[tilespmem:s18+$0x100] =	vst v15;
	v15 =	vld [tilespmem:s24+$0x300]  }
0x1c0: {  	s16 =	sand.u32 $0x60, s30;
	v47 =	vmul.f32 $1.872929930e-02, v18;
	s9 =	sadd.s32 $0x4000, s29;
	v11 =	vshll.u32 v10, $0x2;
	v4 =	vand.u32 $0xFFFFFE00, v12;
	v12 =	vld [tilespmem:s25+$0x0]  }
0x1c1: {  	s31 =	sor.u32 s16, s9;
	v9 =	vadd.f32 v16, v9;
	v21 =	vmul.f32 v31, v3;
	v31 =	vld [tilespmem:s25+$0x180];
	v14 =	vmul.f32 v14, v34  }
0x1c2: {  	v54 =	vld [tilespmem:s31+$0x0];
	v4 =	vor.u32 v45, v4;
	v3 =	vshll.u32 v26, $0x2;
	v30 =	vadd.f32 v44, v30  }
0x1c3: {  	s6 =	simm.s32 $0xC0;
	v46 =	vld [tilespmem:s25+$0x300];
	v26 =	vand.u32 $0x7F, v26;
	v3 =	vand.u32 $0xFFFFFE00, v3;
	v14 =	vmax.f32 v14, $1.000000000e-30  }
0x1c4: {  	s0 =	sand.u32 $0x40, s6;
	v23 =	vld [tilespmem:s31+$0x180];
	v48 =	vmul.f32 $5.000000000e-01, v14;
	v15 =	vadd.f32 v15, v30;
	v30 =	vshra.s32 v14, $0x1  }
0x1c5: {  	s17 =	sor.u32 s23, s4;
	s10 =	sor.u32 s0, s9;
	v3 =	vor.u32 v26, v3;
	v26 =	vld.idx.msk [tilespmem:v27+s1+$0x0], $0xffff;
	v27 =	vmul.f32 v21, v42;
	v30 =	vsub.s32 $0x5F3759DF, v30  }
0x1c6: {  	v16 =	vld [tilespmem:s10+$0x0];
	v14 =	vsub.f32 $7.426100220e-02, v47;
	v31 =	vadd.f32 v31, v12;
	[tilespmem:s17+$0x0] =	vst v15;
	v15 =	vmul.f32 v30, v48  }
0x1c7: {  	v10 =	vand.u32 $0x7F, v10;
	v11 =	vand.u32 $0xFFFFFE00, v11;
	v27 =	vmul.f32 v27, v21;
	v49 =	vld [tilespmem:s24+$0x80]  }
0x1c8: {  	v50 =	vmul.f32 v14, v18;
	v31 =	vadd.f32 v46, v31;
	v51 =	vld [tilespmem:s24+$0x200];
	v15 =	vmul.f32 v30, v15  }
0x1c9: {  	s12 =	sor.u32 s7, s4;
	v10 =	vor.u32 v10, v11;
	v11 =	vor.u32 $0x80, v3;
	v12 =	vld.idx.msk [tilespmem:v4+s1+$0x0], $0xffff;
	v27 =	vsub.f32 $1.500000000e+00, v27  }
0x1ca: {  	v35 =	vadd.f32 $-2.121143940e-01, v50;
	[tilespmem:s12+$0x0] =	vst v31;
	v31 =	vld [tilespmem:s24+$0x380];
	v15 =	vsub.f32 $1.500000000e+00, v15  }
0x1cb: {  	v0 =	vsub.f32 v0, v1;
	v36 =	vor.u32 $0x80, v4;
	v14 =	vld.idx.msk [tilespmem:v3+s1+$0x0], $0xffff;
	v1 =	vmul.f32 v27, v21  }
0x1cc: {  	v2 =	vsub.f32 v2, v8;
	v37 =	vld [tilespmem:s25+$0x80];
	v18 =	vmul.f32 v35, v18;
	v8 =	vmul.f32 v30, v15  }
0x1cd: {  	v21 =	vld [tilespmem:s25+$0x200];
	v27 =	vadd.f32 v51, v49  }
0x1ce: {  	v11 =	vld.idx.msk [tilespmem:v11+s1+$0x0], $0xffff;
	v20 =	vmul.f32 v1, v20;
	v18 =	vadd.f32 $1.570728780e+00, v18;
	v53 =	vmul.f32 v8, v48  }
0x1cf: {  	v5 =	vsub.f32 v5, v6;
	v15 =	vld [tilespmem:s25+$0x380];
	v27 =	vadd.f32 v31, v27  }
0x1d0: {  	v1 =	vld.idx.msk [tilespmem:v36+s1+$0x0], $0xffff;
	v6 =	vmul.f32 v20, v18;
	v18 =	vmul.f32 v53, v8  }
0x1d1: {  	v52 =	vmul.f32 v2, v2;
	v28 =	vmul.f32 v5, v5;
	v20 =	vld [tilespmem:s31+$0x300];
	[tilespmem:s17+$0x80] =	vst v27  }
0x1d2: {  	v22 =	vmul.f32 v7, v7;
	v21 =	vadd.f32 v21, v37;
	v17 =	vld [tilespmem:s24+$0x100];
	v18 =	vsub.f32 $1.500000000e+00, v18  }
0x1d3: {  	v7 =	vmul.f32 v7, v0;
	v30 =	vmul.f32 v0, v0;
	v27 =	vld [tilespmem:s24+$0x280]  }
0x1d4: {  	s15 =	sor.u32 s23, s2;
	s19 =	simm.s32 $0x300;
	v0 =	vld [tilespmem:s10+$0x180];
	v15 =	vadd.f32 v15, v21;
	v8 =	vmul.f32 v18, v8;
	v18 =	vadd.f32 v23, v54  }
0x1d5: {  	s20 =	sand.u32 $0x3FFFFE00, s19;
	v5 =	vmul.f32 v5, v2;
	v22 =	vadd.f32 v28, v22;
	v19 =	vsub.f32 v26, v19;
	v21 =	vld [tilespmem:s15+$0x0]  }
0x1d6: {  	s4 =	sadd.s32 $0x9800, s20;
	v14 =	vsub.f32 v12, v14;
	[tilespmem:s12+$0x80] =	vst v15;
	v2 =	vmul.f32 v8, v9;
	v8 =	vld [tilespmem:s10+$0x300];
	v9 =	vadd.f32 v20, v18  }
0x1d7: {  	s21 =	sor.u32 s16, s4;
	v24 =	vadd.f32 v52, v30;
	v18 =	vld [tilespmem:s25+$0x100];
	v20 =	vsub.f32 v29, v25  }
0x1d8: {  	s2 =	sor.u32 s7, s2;
	v15 =	vshll.u32 v13, $0x2;
	v13 =	vand.u32 $0x7F, v13;
	v17 =	vadd.f32 v27, v17;
	[tilespmem:s21+$0x0] =	vst v9;
	v9 =	vld [tilespmem:s25+$0x280]  }
0x1d9: {  	s22 =	simm.s32 $0x100;
	v2 =	vmax.f32 v2, $-1.000000000e+00;
	v26 =	vmul.f32 v20, v20;
	v12 =	vmul.f32 v19, v20;
	v20 =	vld [tilespmem:s2+$0x0]  }
0x1da: {  	s23 =	simm.s32 $0x50;
	s5 =	sand.u32 $0x600, s22;
	v15 =	vand.u32 $0xFFFFFE00, v15;
	v17 =	vadd.f32 v21, v17;
	v2 =	vmin.f32 v2, $1.000000000e+00;
	v25 =	vld [tilespmem:s31+$0x80]  }
0x1db: {  	s24 =	sor.u32 $0x8000, s5;
	v0 =	vadd.f32 v0, v16;
	v13 =	vor.u32 v13, v15;
	s25 =	sand.u32 $0x70, s23;
	v16 =	vld [tilespmem:s31+$0x200];
	v21 =	vand.u32 $0x7FFFFFFF, v2  }
0x1dc: {  	v15 =	vmul.f32 v19, v19;
	v31 =	vor.u32 $0x80, v13;
	v23 =	vld [tilespmem:s31+$0x380];
	s5 =	sor.u32 s25, s24;
	[tilespmem:s17+$0x100] =	vst v17;
	v27 =	vsub.f32 $1.000000000e+00, v21  }
0x1dd: {  	v30 =	vsub.f32 $3.141592740e+00, v6;
	v17 =	vld [tilespmem:s5+$0x0];
	v0 =	vadd.f32 v8, v0  }
0x1de: {  	s26 =	sor.u32 s0, s4;
	v15 =	vadd.f32 v15, v22;
	v24 =	vadd.f32 v26, v24;
	v8 =	vld [tilespmem:s5+$0x80];
	v26 =	vmax.f32 v27, $1.000000000e-30  }
0x1df: {  	v28 =	vld [tilespmem:s5+$0x180];
	[tilespmem:s26+$0x0] =	vst v0;
	v0 =	vsel vm0, v30, v6;
	v22 =	vshra.s32 v26, $0x1;
	v26 =	vmul.f32 $5.000000000e-01, v26  }
0x1e0: {  	v29 =	vld [tilespmem:s5+$0x100];
	v6 =	vor.u32 $0x80, v10;
	v16 =	vadd.f32 v16, v25;
	v22 =	vsub.s32 $0x5F3759DF, v22  }
0x1e1: {  	v5 =	vadd.f32 v5, v7;
	v31 =	vld.idx.msk [tilespmem:v31+s1+$0x0], $0xffff;
	v15 =	vmul.f32 v15, v24;
	v24 =	vmul.f32 v22, v26  }
0x1e2: {  	v55 =	vld [tilespmem:s10+$0x80];
	v16 =	vadd.f32 v23, v16;
	v23 =	vand.u32 $0x7F, v17;
	v17 =	vshll.u32 v17, $0x2  }
0x1e3: {  	v5 =	vadd.f32 v12, v5;
	v57 =	vmul.f32 $1.872929930e-02, v21;
	v7 =	vld [tilespmem:s10+$0x200];
	v17 =	vand.u32 $0xFFFFFE00, v17  }
0x1e4: {  	v15 =	vmax.f32 v15, $1.000000000e-30;
	v25 =	vld [tilespmem:s10+$0x380];
	v24 =	vmul.f32 v22, v24;
	v17 =	vor.u32 v23, v17  }
0x1e5: {  	s7 =	sadd.s32 $0x6000, s29;
	v19 =	vshra.s32 v15, $0x1;
	v30 =	vand.u32 $0x7F, v8;
	v8 =	vshll.u32 v8, $0x2;
	v6 =	vld.idx.msk [tilespmem:v6+s1+$0x0], $0xffff  }
0x1e6: {  	s29 =	sor.u32 s16, s7;
	v15 =	vmul.f32 $5.000000000e-01, v15;
	v8 =	vand.u32 $0xFFFFFE00, v8;
	v23 =	vld.idx.msk [tilespmem:v13+s1+$0x0], $0xffff;
	[tilespmem:s21+$0x80] =	vst v16;
	v24 =	vsub.f32 $1.500000000e+00, v24  }
0x1e7: {  	v56 =	vand.u32 $0x7F, v28;
	v8 =	vor.u32 v30, v8;
	v30 =	vld [tilespmem:s29+$0x0];
	v59 =	vor.u32 $0x100, v17  }
0x1e8: {  	v19 =	vsub.s32 $0x5F3759DF, v19;
	v58 =	vld [tilespmem:s31+$0x100];
	v22 =	vmul.f32 v22, v24;
	v24 =	vshll.u32 v28, $0x2  }
0x1e9: {  	v28 =	vshll.u32 v29, $0x2;
	v16 =	vand.u32 $0xFFFFFE00, v24;
	v61 =	vld.idx.msk [tilespmem:v17+s1+$0x0], $0xffff;
	v17 =	vor.u32 $0x80, v17  }
0x1ea: {  	v29 =	vand.u32 $0x7F, v29;
	v24 =	vld.idx.msk [tilespmem:v10+s1+$0x0], $0xffff;
	v28 =	vand.u32 $0xFFFFFE00, v28;
	v16 =	vor.u32 v56, v16  }
0x1eb: {  	v60 =	vmul.f32 v19, v15;
	v28 =	vor.u32 v29, v28;
	v26 =	vmul.f32 v22, v26;
	v29 =	vld [tilespmem:s31+$0x280]  }
0x1ec: {  	v33 =	vsub.f32 $7.426100220e-02, v57;
	v9 =	vadd.f32 v9, v18;
	v38 =	vor.u32 $0x100, v8;
	v62 =	vld.idx.msk [tilespmem:v59+s1+$0x0], $0xffff  }
0x1ed: {  	v36 =	vmul.f32 v19, v60;
	v40 =	vor.u32 $0x80, v16;
	v12 =	vmul.f32 v26, v22;
	v26 =	vld.idx.msk [tilespmem:v8+s1+$0x0], $0xffff  }
0x1ee: {  	v33 =	vmul.f32 v33, v21;
	v9 =	vadd.f32 v20, v9;
	v8 =	vor.u32 $0x80, v8;
	v17 =	vld.idx.msk [tilespmem:v17+s1+$0x0], $0xffff  }
0x1ef: {  	v36 =	vsub.f32 $1.500000000e+00, v36;
	v63 =	vor.u32 $0x80, v28;
	v12 =	vsub.f32 $1.500000000e+00, v12;
	v39 =	vld.idx.msk [tilespmem:v16+s1+$0x0], $0xffff  }
0x1f0: {  	v33 =	vadd.f32 $-2.121143940e-01, v33;
	v7 =	vadd.f32 v7, v55;
	v18 =	vld.idx.msk [tilespmem:v28+s1+$0x0], $0xffff  }
0x1f1: {  	v19 =	vmul.f32 v19, v36;
	v16 =	vor.u32 $0x100, v16;
	v12 =	vmul.f32 v12, v22;
	v22 =	vld.idx.msk [tilespmem:v38+s1+$0x0], $0xffff  }
0x1f2: {  	v21 =	vmul.f32 v33, v21;
	v7 =	vadd.f32 v25, v7;
	v28 =	vor.u32 $0x100, v28;
	v20 =	vld.idx.msk [tilespmem:v40+s1+$0x0], $0xffff  }
0x1f3: {  	v1 =	vsub.f32 v1, v11;
	v6 =	vsub.f32 v31, v6;
	v15 =	vmul.f32 v19, v15;
	v8 =	vld.idx.msk [tilespmem:v8+s1+$0x0], $0xffff  }
0x1f4: {  	[tilespmem:s26+$0x80] =	vst v7;
	v11 =	vmul.f32 v12, v27;
	v12 =	vadd.f32 $1.570728780e+00, v21;
	v21 =	vsub.f32 v23, v24;
	v23 =	vld.idx.msk [tilespmem:v63+s1+$0x0], $0xffff  }
0x1f5: {  	v25 =	vmul.f32 v6, v6;
	v15 =	vmul.f32 v15, v19;
	v27 =	vadd.f32 v29, v58;
	v29 =	vld [tilespmem:s10+$0x100]  }
0x1f6: {  	v4 =	vor.u32 $0x100, v4;
	v24 =	vmul.f32 v11, v12;
	v16 =	vld.idx.msk [tilespmem:v16+s1+$0x0], $0xffff;
	v12 =	vmul.f32 v21, v21  }
0x1f7: {  	s30 =	simm.s32 $0x40;
	v3 =	vor.u32 $0x100, v3;
	vm0 =	vlt.f32 v2, $0.0e+00;
	v15 =	vsub.f32 $1.500000000e+00, v15;
	v28 =	vld.idx.msk [tilespmem:v28+s1+$0x0], $0xffff  }
0x1f8: {  	s2 =	sand.u32 $0x60, s30;
	v7 =	vmul.f32 v1, v1;
	s31 =	sor.u32 s0, s7;
	v26 =	vsub.f32 v61, v26;
	v12 =	vadd.f32 v25, v12;
	v25 =	vld [tilespmem:s10+$0x280]  }
0x1f9: {  	s2 =	sor.u32 s2, s24;
	[tilespmem:s12+$0x100] =	vst v9;
	v10 =	vor.u32 $0x100, v10;
	v9 =	vld [tilespmem:s31+$0x0];
	v27 =	vadd.f32 v30, v27;
	v18 =	vsub.f32 v39, v18  }
0x1fa: {  	v38 =	vmul.f32 v14, v14;
	v40 =	vld [tilespmem:s2+$0x100];
	v17 =	vsub.f32 v17, v8;
	v20 =	vsub.f32 v20, v23  }
0x1fb: {  	v30 =	vld [tilespmem:s2+$0x0];
	v22 =	vsub.f32 v62, v22;
	v31 =	vmul.f32 v18, v18;
	s10 =	sor.u32 $0x10, s16;
	v23 =	vmul.f32 v26, v26  }
0x1fc: {  	v8 =	vld [tilespmem:s2+$0x80];
	[tilespmem:s21+$0x100] =	vst v27;
	s12 =	sor.u32 s10, s9;
	v28 =	vsub.f32 v16, v28;
	v16 =	vmul.f32 v17, v17;
	v41 =	vmul.f32 v20, v20  }
0x1fd: {  	v14 =	vmul.f32 v21, v14;
	v21 =	vld [tilespmem:s12+$0x180];
	v2 =	vadd.f32 v25, v29;
	v29 =	vmul.f32 v22, v22  }
0x1fe: {  	v25 =	vld [tilespmem:s2+$0x180];
	v16 =	vadd.f32 v16, v23;
	v23 =	vadd.f32 v41, v31;
	v27 =	vmul.f32 v28, v28  }
0x1ff: {  	v11 =	vadd.f32 v7, v38;
	v7 =	vsub.f32 $3.141592740e+00, v24;
	s21 =	simm.s32 $0x800;
	v31 =	vld [tilespmem:s12+$0x0]  }
0x200: {  	s28 =	simm.s32 $0x120;
	s15 =	sor.u32 $0x10, s0;
	v1 =	vmul.f32 v6, v1;
	s22 =	sand.u32 $0x3FFFFC00, s21;
	v6 =	vadd.f32 v29, v16;
	v16 =	vadd.f32 v27, v23;
	v23 =	vld.idx.msk [tilespmem:v4+s1+$0x0], $0xffff  }
0x201: {  	s19 =	sor.u32 s15, s9;
	s9 =	sand.u32 $0x60, s28;
	s2 =	sadd.s32 $0x4000, s22;
	v9 =	vadd.f32 v9, v2;
	v2 =	vsel vm0, v7, v24;
	v29 =	vld.idx.msk [tilespmem:v3+s1+$0x0], $0xffff  }
0x202: {  	s13 =	sor.u32 s9, s2;
	v4 =	vmul.f32 v15, v19;
	v7 =	vshll.u32 v30, $0x2;
	v15 =	vand.u32 $0x7F, v30;
	v30 =	vld.idx.msk [tilespmem:v10+s1+$0x0], $0xffff  }
0x203: {  	v18 =	vmul.f32 v18, v26;
	v26 =	vld [tilespmem:s13+$0x0]  }
0x204: {  	v13 =	vor.u32 $0x100, v13;
	v17 =	vmul.f32 v20, v17;
	v7 =	vand.u32 $0xFFFFFE00, v7;
	[tilespmem:s26+$0x100] =	vst v9;
	v9 =	vld [tilespmem:s12+$0x300]  }
0x205: {  	s24 =	simm.s32 $0x100;
	v6 =	vmul.f32 v16, v6;
	v4 =	vmul.f32 v4, v5;
	v5 =	vshll.u32 v8, $0x2;
	v16 =	vld [tilespmem:s19+$0x0]  }
0x206: {  	s16 =	sand.u32 $0x40, s24;
	v24 =	vor.u32 v15, v7;
	v8 =	vand.u32 $0x7F, v8;
	v19 =	vld [tilespmem:s19+$0x180];
	v5 =	vand.u32 $0xFFFFFE00, v5  }
0x207: {  	v17 =	vadd.f32 v17, v18;
	v18 =	vmul.f32 v28, v22;
	s0 =	sor.u32 s16, s2;
	v22 =	vld [tilespmem:s13+$0x300];
	v3 =	vor.u32 v8, v5  }
0x208: {  	v51 =	vld [tilespmem:s0+$0x0];
	v15 =	vadd.f32 v21, v31;
	v6 =	vmax.f32 v6, $1.000000000e-30  }
0x209: {  	v7 =	vld [tilespmem:s19+$0x300];
	v21 =	vshra.s32 v6, $0x1;
	v27 =	vmul.f32 $5.000000000e-01, v6  }
0x20a: {  	v5 =	vsub.s32 $0x5F3759DF, v21;
	v21 =	vld.idx.msk [tilespmem:v13+s1+$0x0], $0xffff;
	v13 =	vadd.f32 v1, v14;
	v6 =	vadd.f32 v9, v15  }
0x20b: {  	s20 =	sor.u32 s10, s4;
	v1 =	vmax.f32 v4, $-1.000000000e+00;
	v4 =	vmul.f32 v5, v27;
	v8 =	vadd.f32 v19, v16;
	v19 =	vld.idx.msk [tilespmem:v24+s1+$0x0], $0xffff  }
0x20c: {  	v43 =	vor.u32 $0x80, v24;
	v14 =	vand.u32 $0x7F, v40;
	[tilespmem:s20+$0x0] =	vst v6;
	v44 =	vld.idx.msk [tilespmem:v3+s1+$0x0], $0xffff  }
0x20d: {  	v31 =	vmin.f32 v1, $1.000000000e+00;
	v1 =	vshll.u32 v40, $0x2;
	v4 =	vmul.f32 v5, v4;
	v42 =	vld [tilespmem:s12+$0x80]  }
0x20e: {  	v9 =	vand.u32 $0x7F, v25;
	v16 =	vor.u32 $0x80, v3;
	v6 =	vshll.u32 v25, $0x2;
	v25 =	vld [tilespmem:s12+$0x200]  }
0x20f: {  	v6 =	vand.u32 $0xFFFFFE00, v6;
	v8 =	vadd.f32 v7, v8;
	v45 =	vld [tilespmem:s12+$0x380];
	v4 =	vsub.f32 $1.500000000e+00, v4  }
0x210: {  	s4 =	sor.u32 s15, s4;
	v1 =	vand.u32 $0xFFFFFE00, v1;
	v10 =	vor.u32 v9, v6;
	v21 =	vsub.f32 v21, v30;
	v30 =	vld [tilespmem:s13+$0x180]  }
0x211: {  	v9 =	vor.u32 v14, v1;
	[tilespmem:s4+$0x0] =	vst v8;
	v15 =	vor.u32 $0x80, v10;
	v8 =	vld.idx.msk [tilespmem:v43+s1+$0x0], $0xffff;
	v46 =	vmul.f32 v5, v4  }
0x212: {  	v17 =	vadd.f32 v18, v17;
	v23 =	vsub.f32 v23, v29;
	v14 =	vor.u32 $0x80, v9;
	v47 =	vld [tilespmem:s19+$0x80]  }
0x213: {  	v6 =	vor.u32 $0x100, v24;
	v24 =	vld [tilespmem:s19+$0x200];
	v5 =	vmul.f32 v46, v27;
	v25 =	vadd.f32 v25, v42  }
0x214: {  	vm0 =	vlt.f32 v31, $0.0e+00;
	v7 =	vand.u32 $0x7FFFFFFF, v31;
	v1 =	vor.u32 $0x100, v3;
	v16 =	vld.idx.msk [tilespmem:v16+s1+$0x0], $0xffff  }
0x215: {  	v48 =	vmul.f32 v21, v21;
	v27 =	vld [tilespmem:s19+$0x380];
	v20 =	vmul.f32 v5, v46;
	v25 =	vadd.f32 v45, v25  }
0x216: {  	v29 =	vmul.f32 $1.872929930e-02, v7;
	v3 =	vor.u32 $0x100, v10;
	v5 =	vsub.f32 $1.000000000e+00, v7;
	v15 =	vld.idx.msk [tilespmem:v15+s1+$0x0], $0xffff  }
0x217: {  	v4 =	vor.u32 $0x100, v9;
	v12 =	vadd.f32 v48, v12;
	v14 =	vld.idx.msk [tilespmem:v14+s1+$0x0], $0xffff;
	v20 =	vsub.f32 $1.500000000e+00, v20;
	[tilespmem:s20+$0x80] =	vst v25  }
0x218: {  	v24 =	vadd.f32 v24, v47;
	v25 =	vmul.f32 v23, v23;
	v28 =	vmax.f32 v5, $1.000000000e-30;
	v49 =	vld [tilespmem:s12+$0x100]  }
0x219: {  	v8 =	vsub.f32 v8, v16;
	v50 =	vshra.s32 v28, $0x1;
	v18 =	vmul.f32 v20, v46;
	v20 =	vld [tilespmem:s12+$0x280]  }
0x21a: {  	s25 =	sor.u32 s10, s7;
	v25 =	vadd.f32 v25, v11;
	v11 =	vsub.f32 v19, v44;
	v19 =	vmul.f32 v21, v23;
	v21 =	vld [tilespmem:s0+$0x180]  }
0x21b: {  	v24 =	vadd.f32 v27, v24;
	v17 =	vmul.f32 v18, v17;
	v18 =	vadd.f32 v30, v26;
	v26 =	vld [tilespmem:s25+$0x0]  }
0x21c: {  	v27 =	vmul.f32 $5.000000000e-01, v28;
	v15 =	vsub.f32 v15, v14;
	v14 =	vmul.f32 v8, v8  }
0x21d: {  	s26 =	simm.s32 $0x400;
	v10 =	vld.idx.msk [tilespmem:v10+s1+$0x0], $0xffff;
	v23 =	vmul.f32 v12, v25;
	v12 =	vmax.f32 v17, $-1.000000000e+00;
	v18 =	vadd.f32 v22, v18  }
0x21e: {  	s29 =	sand.u32 $0x3FFFFE00, s26;
	v17 =	vld [tilespmem:s0+$0x300];
	v22 =	vsub.s32 $0x5F3759DF, v50;
	v12 =	vmin.f32 v12, $1.000000000e+00;
	v20 =	vadd.f32 v20, v49  }
0x21f: {  	s23 =	sadd.s32 $0x9800, s29;
	v9 =	vld.idx.msk [tilespmem:v9+s1+$0x0], $0xffff;
	[tilespmem:s4+$0x80] =	vst v24;
	v23 =	vmax.f32 v23, $1.000000000e-30;
	v21 =	vadd.f32 v21, v51;
	v30 =	vand.u32 $0x7FFFFFFF, v12  }
0x220: {  	s8 =	sor.u32 s9, s23;
	s12 =	simm.s32 $0x180;
	v24 =	vld [tilespmem:s19+$0x100];
	v28 =	vmul.f32 v22, v27;
	v52 =	vsub.f32 $1.000000000e+00, v30;
	v20 =	vadd.f32 v26, v20  }
0x221: {  	s31 =	simm.s32 $0x70;
	s30 =	sand.u32 $0x600, s12;
	[tilespmem:s8+$0x0] =	vst v18;
	v18 =	vld [tilespmem:s19+$0x280];
	v26 =	vsub.f32 $7.426100220e-02, v29;
	v29 =	vshra.s32 v23, $0x1;
	v23 =	vmul.f32 $5.000000000e-01, v23  }
0x222: {  	s10 =	sor.u32 $0x8000, s30;
	v19 =	vadd.f32 v19, v13;
	s19 =	sand.u32 $0x70, s31;
	v54 =	vld [tilespmem:s13+$0x80];
	v28 =	vmul.f32 v22, v28;
	v29 =	vsub.s32 $0x5F3759DF, v29  }
0x223: {  	v56 =	vld [tilespmem:s13+$0x200];
	v55 =	vmax.f32 v52, $1.000000000e-30;
	[tilespmem:s20+$0x100] =	vst v20;
	s20 =	sor.u32 s19, s10;
	v20 =	vmul.f32 v29, v23;
	v17 =	vadd.f32 v17, v21  }
0x224: {  	v13 =	vmul.f32 v26, v7;
	v57 =	vshra.s32 v55, $0x1;
	v32 =	vmul.f32 $5.000000000e-01, v55;
	v58 =	vld [tilespmem:s20+$0x0]  }
0x225: {  	v53 =	vld [tilespmem:s13+$0x380];
	v26 =	vsub.f32 $1.500000000e+00, v28;
	v21 =	vsub.s32 $0x5F3759DF, v57;
	v20 =	vmul.f32 v29, v20  }
0x226: {  	v9 =	vsub.f32 v10, v9;
	v25 =	vmul.f32 v11, v11;
	v59 =	vld [tilespmem:s20+$0x80];
	v31 =	vmul.f32 v21, v32  }
0x227: {  	v43 =	vmul.f32 $1.872929930e-02, v30;
	v22 =	vmul.f32 v22, v26;
	v20 =	vsub.f32 $1.500000000e+00, v20  }
0x228: {  	s21 =	sor.u32 s16, s23;
	v60 =	vld [tilespmem:s20+$0x180];
	v18 =	vadd.f32 v18, v24;
	v13 =	vadd.f32 $-2.121143940e-01, v13;
	v28 =	vmul.f32 v21, v31  }
0x229: {  	[tilespmem:s21+$0x0] =	vst v17;
	v17 =	vld [tilespmem:s20+$0x100];
	v35 =	vadd.f32 v56, v54;
	v20 =	vmul.f32 v29, v20;
	v38 =	vshll.u32 v58, $0x2  }
0x22a: {  	v24 =	vld [tilespmem:s0+$0x200];
	v61 =	vand.u32 $0x7F, v58;
	v26 =	vsub.f32 $1.500000000e+00, v28;
	v42 =	vand.u32 $0xFFFFFE00, v38  }
0x22b: {  	v31 =	vld [tilespmem:s0+$0x80];
	v29 =	vadd.f32 v53, v35;
	v62 =	vand.u32 $0x7F, v59;
	v34 =	vor.u32 v61, v42  }
0x22c: {  	s24 =	sor.u32 s15, s7;
	v21 =	vmul.f32 v21, v26;
	v26 =	vshll.u32 v59, $0x2;
	v49 =	vor.u32 $0x100, v34  }
0x22d: {  	s22 =	sadd.s32 $0x6000, s22;
	v63 =	vld [tilespmem:s24+$0x0];
	v44 =	vand.u32 $0x7F, v60;
	v39 =	vshll.u32 v60, $0x2;
	v26 =	vand.u32 $0xFFFFFE00, v26  }
0x22e: {  	s25 =	sor.u32 s9, s22;
	v28 =	vld [tilespmem:s0+$0x380];
	v45 =	vand.u32 $0x7F, v17;
	[tilespmem:s8+$0x80] =	vst v29;
	v32 =	vmul.f32 v21, v32;
	v26 =	vor.u32 v62, v26  }
0x22f: {  	v38 =	vsub.f32 $7.426100220e-02, v43;
	v17 =	vshll.u32 v17, $0x2;
	v46 =	vand.u32 $0xFFFFFE00, v39;
	v47 =	vld [tilespmem:s25+$0x0]  }
0x230: {  	v24 =	vadd.f32 v24, v31;
	v31 =	vld [tilespmem:s13+$0x280];
	v50 =	vor.u32 $0x100, v26;
	v29 =	vmul.f32 v32, v21  }
0x231: {  	v7 =	vmul.f32 v13, v7;
	v17 =	vand.u32 $0xFFFFFE00, v17;
	v32 =	vor.u32 v44, v46;
	v10 =	vld.idx.msk [tilespmem:v49+s1+$0x0], $0xffff  }
0x232: {  	v38 =	vmul.f32 v38, v30;
	v17 =	vor.u32 v45, v17;
	v13 =	vsub.f32 $1.500000000e+00, v29;
	v29 =	vld [tilespmem:s13+$0x100]  }
0x233: {  	v8 =	vmul.f32 v15, v8;
	v27 =	vmul.f32 v22, v27;
	v16 =	vor.u32 $0x80, v32;
	v51 =	vld.idx.msk [tilespmem:v26+s1+$0x0], $0xffff  }
0x234: {  	v53 =	vor.u32 $0x80, v17;
	v48 =	vadd.f32 $-2.121143940e-01, v38;
	v13 =	vmul.f32 v13, v21;
	v21 =	vld.idx.msk [tilespmem:v34+s1+$0x0], $0xffff  }
0x235: {  	v27 =	vmul.f32 v27, v22;
	v23 =	vmul.f32 v20, v23;
	v26 =	vor.u32 $0x80, v26;
	v36 =	vld.idx.msk [tilespmem:v50+s1+$0x0], $0xffff  }
0x236: {  	v24 =	vadd.f32 v28, v24;
	v30 =	vmul.f32 v48, v30;
	v34 =	vor.u32 $0x80, v34;
	v28 =	vld.idx.msk [tilespmem:v32+s1+$0x0], $0xffff  }
0x237: {  	v23 =	vmul.f32 v23, v20;
	v32 =	vor.u32 $0x100, v32;
	v13 =	vmul.f32 v13, v52;
	v52 =	vld.idx.msk [tilespmem:v17+s1+$0x0], $0xffff  }
0x238: {  	v14 =	vadd.f32 v14, v25;
	v25 =	vmul.f32 v15, v15;
	v30 =	vadd.f32 $1.570728780e+00, v30;
	v54 =	vld.idx.msk [tilespmem:v16+s1+$0x0], $0xffff  }
0x239: {  	v17 =	vor.u32 $0x100, v17;
	v16 =	vsub.f32 $1.500000000e+00, v23;
	v23 =	vsub.f32 $1.500000000e+00, v27;
	v27 =	vld.idx.msk [tilespmem:v53+s1+$0x0], $0xffff  }
0x23a: {  	v30 =	vmul.f32 v13, v30;
	v13 =	vmul.f32 v9, v9;
	v26 =	vld.idx.msk [tilespmem:v26+s1+$0x0], $0xffff  }
0x23b: {  	vm1 =	vlt.f32 v12, $0.0e+00;
	v18 =	vadd.f32 v63, v18;
	[tilespmem:s21+$0x80] =	vst v24;
	v12 =	vmul.f32 v23, v22;
	v34 =	vld.idx.msk [tilespmem:v34+s1+$0x0], $0xffff  }
0x23c: {  	v9 =	vmul.f32 v9, v11;
	v15 =	vmul.f32 v16, v20;
	v13 =	vadd.f32 v25, v13;
	v25 =	vld.idx.msk [tilespmem:v32+s1+$0x0], $0xffff  }
0x23d: {  	s18 =	simm.s32 $0x60;
	[tilespmem:s4+$0x100] =	vst v18;
	v20 =	vadd.f32 v31, v29;
	v11 =	vsub.f32 $3.141592740e+00, v30;
	v16 =	vmul.f32 v12, v5;
	v5 =	vld [tilespmem:s0+$0x280]  }
0x23e: {  	s26 =	sand.u32 $0x60, s18;
	v18 =	vsub.f32 v21, v51;
	v9 =	vadd.f32 v8, v9;
	v8 =	vmul.f32 v15, v19;
	v23 =	vld.idx.msk [tilespmem:v17+s1+$0x0], $0xffff  }
0x23f: {  	s30 =	sor.u32 s26, s10;
	v15 =	vadd.f32 $1.570728780e+00, v7;
	v7 =	vadd.f32 v47, v20;
	v29 =	vsel vm1, v11, v30;
	v11 =	vld [tilespmem:s0+$0x100]  }
0x240: {  	s29 =	sor.u32 s16, s22;
	vm0 =	vmmov vm0;
	v24 =	vld [tilespmem:s30+$0x0];
	v21 =	vsub.f32 v28, v52;
	v22 =	vsub.f32 v54, v27  }
0x241: {  	v12 =	vld [tilespmem:s29+$0x0];
	v17 =	vsub.f32 v10, v36;
	v8 =	vmax.f32 v8, $-1.000000000e+00;
	v20 =	vsub.f32 v34, v26  }
0x242: {  	v10 =	vmul.f32 v18, v18;
	v8 =	vmin.f32 v8, $1.000000000e+00;
	v27 =	vmul.f32 v21, v21;
	v26 =	vld [tilespmem:s30+$0x80]  }
0x243: {  	v28 =	vld [tilespmem:s30+$0x100];
	v19 =	vsub.f32 v25, v23;
	v23 =	vmul.f32 v20, v20;
	v25 =	vmul.f32 v22, v22  }
0x244: {  	s4 =	sor.u32 $0x10, s9;
	v30 =	vld [tilespmem:s30+$0x180];
	v31 =	vmul.f32 v17, v17;
	v11 =	vadd.f32 v5, v11;
	v5 =	vand.u32 $0x7FFFFFFF, v8  }
0x245: {  	[tilespmem:s8+$0x100] =	vst v7;
	s0 =	sor.u32 s4, s2;
	v7 =	vadd.f32 v23, v10;
	v10 =	vadd.f32 v25, v27;
	v23 =	vmul.f32 v19, v19  }
0x246: {  	v25 =	vand.u32 $0x7F, v24;
	v24 =	vshll.u32 v24, $0x2;
	v27 =	vld [tilespmem:s0+$0x180];
	v11 =	vadd.f32 v12, v11  }
0x247: {  	s19 =	simm.s32 $0x20;
	v12 =	vld [tilespmem:s0+$0x0];
	v55 =	vshll.u32 v26, $0x2;
	v7 =	vadd.f32 v31, v7;
	v10 =	vadd.f32 v23, v10  }
0x248: {  	s31 =	sor.u32 $0x10, s16;
	[tilespmem:s19+$0xA810] =	vst v2;
	v56 =	vld.idx.msk [tilespmem:v6+s1+$0x0], $0xffff;
	v2 =	vsub.f32 $1.000000000e+00, v5;
	v23 =	vand.u32 $0xFFFFFE00, v24;
	v24 =	vand.u32 $0xFFFFFE00, v55  }
0x249: {  	s20 =	sor.u32 s31, s2;
	v6 =	vld [tilespmem:s0+$0x300];
	v31 =	vshll.u32 v28, $0x2;
	[tilespmem:s21+$0x100] =	vst v11;
	v11 =	vshll.u32 v30, $0x2;
	v7 =	vmul.f32 v10, v7  }
0x24a: {  	v57 =	vand.u32 $0xFFFFFE00, v31;
	v30 =	vand.u32 $0x7F, v30;
	v23 =	vor.u32 v25, v23;
	v58 =	vld [tilespmem:s20+$0x0]  }
0x24b: {  	v25 =	vand.u32 $0x7F, v28;
	v10 =	vand.u32 $0x7F, v26;
	v59 =	vld [tilespmem:s20+$0x180];
	v7 =	vmax.f32 v7, $1.000000000e-30  }
0x24c: {  	v61 =	vld.idx.msk [tilespmem:v1+s1+$0x0], $0xffff;
	v12 =	vadd.f32 v27, v12;
	v27 =	vshra.s32 v7, $0x1;
	v26 =	vmul.f32 $5.000000000e-01, v7  }
0x24d: {  	v11 =	vand.u32 $0xFFFFFE00, v11;
	v28 =	vld [tilespmem:s20+$0x300];
	v60 =	vor.u32 v10, v24;
	v31 =	vsub.s32 $0x5F3759DF, v27  }
0x24e: {  	v7 =	vor.u32 v30, v11;
	v30 =	vld.idx.msk [tilespmem:v4+s1+$0x0], $0xffff;
	v1 =	vadd.f32 v6, v12;
	v62 =	vmul.f32 v31, v26  }
0x24f: {  	s6 =	sor.u32 s4, s23;
	v24 =	vor.u32 $0x80, v23;
	v4 =	vor.u32 $0x100, v23;
	v6 =	vor.u32 v25, v57;
	v27 =	vld.idx.msk [tilespmem:v3+s1+$0x0], $0xffff  }
0x250: {  	v12 =	vor.u32 $0x80, v60;
	v25 =	vld.idx.msk [tilespmem:v23+s1+$0x0], $0xffff;
	v33 =	vadd.f32 v59, v58;
	[tilespmem:s6+$0x0] =	vst v1;
	v63 =	vmul.f32 v31, v62  }
0x251: {  	s25 =	simm.s32 $0x40;
	v10 =	vor.u32 $0x80, v7;
	v3 =	vor.u32 $0x100, v60;
	v23 =	vmul.f32 $1.872929930e-02, v5;
	v32 =	vld [tilespmem:s0+$0x80]  }
0x252: {  	s26 =	simm.s32 $0x80;
	s7 =	sor.u32 s31, s23;
	[tilespmem:s25+$0xA810] =	vst v29;
	s21 =	simm.s32 $0x0;
	v11 =	vor.u32 $0x80, v6;
	v34 =	vadd.f32 v28, v33;
	v33 =	vld [tilespmem:s0+$0x200];
	v35 =	vsub.f32 $1.500000000e+00, v63  }
0x253: {  	s24 =	sor.u32 s31, s22;
	s9 =	sand.u32 $0x60, s26;
	s23 =	simm.s32 $0x180;
	[tilespmem:s21+$0xA810] =	vst v0;
	v0 =	vor.u32 $0x100, v6;
	v1 =	vor.u32 $0x100, v7;
	v29 =	vld.idx.msk [tilespmem:v60+s1+$0x0], $0xffff;
	v28 =	vsub.f32 v56, v61  }
.LBB2_5:
0x254: {  	[tilespmem:s7+$0x0] =	vst v34;
	v34 =	vld [tilespmem:s0+$0x380];
	v31 =	vmul.f32 v31, v35;
	vm1 =	vlt.f32 v8, $0.0e+00;
	v35 =	vmul.f32 v16, v15;
	s8 =	smov.u32 s26;
	s26 =	sadd.s32 $0x20, s26  }
0x255: {  	v27 =	vsub.f32 v27, v30;
	s2 =	sshll.u32 s26, $0x4;
	s5 =	sand.u32 $0x60, s26;
	p1 =	slt.u32 s26, $0x1E0;
	v8 =	vld [tilespmem:s20+$0x80];
	v15 =	vmul.f32 v28, v28;
	v16 =	vmax.f32 v2, $1.000000000e-30  }
0x256: {  	s28 =	sadd.s32 $0x40, s28;
	s17 =	sand.u32 $0x3FFFFC00, s2;
	v30 =	vld [tilespmem:s20+$0x200];
	v26 =	vmul.f32 v31, v26;
	v36 =	vshra.s32 v16, $0x1;
	v37 =	vmul.f32 $5.000000000e-01, v16  }
0x257: {  	v18 =	vmul.f32 v21, v18;
	s30 =	sand.u32 $0x60, s28;
	s2 =	sadd.s32 $0xFFFFFFE0, s28;
	v21 =	vmul.f32 v27, v27;
	s29 =	sadd.s32 $0x4000, s17;
	v38 =	vld [tilespmem:s20+$0x380];
	v32 =	vadd.f32 v33, v32  }
0x258: {  	v20 =	vmul.f32 v22, v20;
	s14 =	sand.u32 $0x40, s2;
	s15 =	sor.u32 s30, s29;
	v16 =	vld.idx.msk [tilespmem:v24+s1+$0x0], $0xffff;
	v22 =	vmul.f32 v26, v31;
	v24 =	vadd.f32 v15, v14  }
0x259: {  	s16 =	sor.u32 s14, s29;
	s13 =	sor.u32 $0x10, s14;
	v15 =	vsub.f32 v25, v29;
	v25 =	vmul.f32 v27, v28;
	v26 =	vld [tilespmem:s15+$0x0];
	v14 =	vadd.f32 v34, v32  }
0x25a: {  	v17 =	vmul.f32 v19, v17;
	v18 =	vadd.f32 v20, v18;
	s10 =	sor.u32 s13, s29;
	v27 =	vld [tilespmem:s15+$0x180];
	v19 =	vsub.f32 $1.500000000e+00, v22  }
0x25b: {  	v13 =	vadd.f32 v21, v13;
	v20 =	vld [tilespmem:s15+$0x300];
	v22 =	vadd.f32 v30, v8;
	[tilespmem:s6+$0x80] =	vst v14;
	v14 =	vmul.f32 v15, v15  }
0x25c: {  	v17 =	vadd.f32 v17, v18;
	v8 =	vadd.f32 v25, v9;
	v21 =	vld [tilespmem:s0+$0x100];
	v18 =	vmul.f32 v19, v31  }
0x25d: {  	v13 =	vmul.f32 v13, v24;
	v9 =	vadd.f32 v38, v22;
	v19 =	vld [tilespmem:s0+$0x280];
	v22 =	vsub.s32 $0x5F3759DF, v36  }
0x25e: {  	v23 =	vsub.f32 $7.426100220e-02, v23;
	s0 =	sor.u32 s4, s22;
	v24 =	vld [tilespmem:s16+$0x0];
	v17 =	vmul.f32 v18, v17;
	v18 =	vmul.f32 v22, v37  }
0x25f: {  	s2 =	sshll.u32 s26, $0x3;
	v25 =	vadd.f32 v27, v26;
	[tilespmem:s7+$0x80] =	vst v9;
	v26 =	vld [tilespmem:s0+$0x0];
	v9 =	vmax.f32 v13, $1.000000000e-30;
	v13 =	vsub.f32 $3.141592740e+00, v35  }
0x260: {  	s0 =	sand.u32 $0x3FFFFE00, s2;
	v27 =	vld [tilespmem:s16+$0x180];
	v17 =	vmax.f32 v17, $-1.000000000e+00;
	v28 =	vshra.s32 v9, $0x1;
	v29 =	vmul.f32 $5.000000000e-01, v9  }
0x261: {  	s2 =	sadd.s32 $0x9800, s0;
	v30 =	vld [tilespmem:s16+$0x300];
	v20 =	vadd.f32 v20, v25;
	v9 =	vmin.f32 v17, $1.000000000e+00;
	v25 =	vsub.s32 $0x5F3759DF, v28  }
0x262: {  	s31 =	sor.u32 s14, s2;
	s4 =	sor.u32 s13, s2;
	s0 =	sor.u32 s30, s2;
	v28 =	vld [tilespmem:s20+$0x100];
	v17 =	vadd.f32 v19, v21;
	v19 =	vand.u32 $0x7FFFFFFF, v9;
	v21 =	vmul.f32 v25, v29  }
0x263: {  	s12 =	sadd.s32 $0x80, s12;
	v23 =	vmul.f32 v23, v5;
	v18 =	vmul.f32 v22, v18;
	[tilespmem:s0+$0x0] =	vst v20;
	v20 =	vld [tilespmem:s20+$0x280];
	v31 =	vsub.f32 $1.000000000e+00, v19;
	s20 =	smov.u32 s10  }
0x264: {  	s22 =	sadd.s32 $0x30, s18;
	s18 =	smov.u32 s8;
	v13 =	vsel vm0, v13, v35;
	s10 =	sand.u32 $0x600, s12;
	v32 =	vld [tilespmem:s15+$0x380];
	v17 =	vadd.f32 v26, v17;
	v21 =	vmul.f32 v25, v21  }
0x265: {  	s22 =	sand.u32 $0x70, s22;
	v18 =	vsub.f32 $1.500000000e+00, v18;
	s10 =	sor.u32 $0x8000, s10;
	v24 =	vadd.f32 v27, v24;
	v26 =	vld [tilespmem:s15+$0x80];
	v27 =	vmax.f32 v31, $1.000000000e-30  }
0x266: {  	s8 =	sor.u32 s9, s10;
	s9 =	smov.u32 s5;
	v33 =	vld [tilespmem:s15+$0x200];
	[tilespmem:s6+$0x100] =	vst v17;
	s6 =	sor.u32 s22, s10;
	v17 =	vshra.s32 v27, $0x1;
	v27 =	vmul.f32 $5.000000000e-01, v27;
	v21 =	vsub.f32 $1.500000000e+00, v21  }
0x267: {  	v24 =	vadd.f32 v30, v24;
	v30 =	vld [tilespmem:s6+$0x0];
	v34 =	vsub.s32 $0x5F3759DF, v17;
	v17 =	vmul.f32 v22, v18;
	[tilespmem:s21+$0xA800] =	vst v13;
	s21 =	smov.u32 s19;
	s19 =	smov.u32 s25  }
0x268: {  	v13 =	vadd.f32 v20, v28;
	v20 =	vld [tilespmem:s6+$0x80];
	v22 =	vmul.f32 v34, v27;
	v18 =	vmul.f32 v25, v21  }
0x269: {  	v23 =	vadd.f32 $-2.121143940e-01, v23;
	vm0 =	vmmov vm1;
	[tilespmem:s31+$0x0] =	vst v24;
	v21 =	vld [tilespmem:s6+$0x180];
	v24 =	vmul.f32 v17, v37  }
0x26a: {  	v25 =	vld [tilespmem:s6+$0x100];
	v22 =	vmul.f32 v34, v22;
	v28 =	vmul.f32 v18, v29  }
0x26b: {  	v5 =	vmul.f32 v23, v5;
	v29 =	vld [tilespmem:s16+$0x80];
	v26 =	vadd.f32 v33, v26;
	v24 =	vmul.f32 v24, v17  }
0x26c: {  	v23 =	vld [tilespmem:s16+$0x200];
	v22 =	vsub.f32 $1.500000000e+00, v22;
	v28 =	vmul.f32 v28, v18  }
0x26d: {  	v33 =	vld [tilespmem:s16+$0x380];
	v26 =	vadd.f32 v32, v26;
	v32 =	vand.u32 $0x7F, v30;
	v35 =	vand.u32 $0x7F, v20  }
0x26e: {  	v36 =	vld [tilespmem:s24+$0x0];
	v37 =	vand.u32 $0x7F, v21;
	v22 =	vmul.f32 v34, v22;
	v34 =	vmul.f32 $1.872929930e-02, v19  }
0x26f: {  	v30 =	vshll.u32 v30, $0x2;
	v20 =	vshll.u32 v20, $0x2;
	v38 =	vand.u32 $0x7F, v25;
	v12 =	vld.idx.msk [tilespmem:v12+s1+$0x0], $0xffff  }
0x270: {  	v21 =	vshll.u32 v21, $0x2;
	v10 =	vld.idx.msk [tilespmem:v10+s1+$0x0], $0xffff;
	v27 =	vmul.f32 v22, v27;
	v34 =	vsub.f32 $7.426100220e-02, v34  }
0x271: {  	v30 =	vand.u32 $0xFFFFFE00, v30;
	v20 =	vand.u32 $0xFFFFFE00, v20;
	v25 =	vshll.u32 v25, $0x2;
	v11 =	vld.idx.msk [tilespmem:v11+s1+$0x0], $0xffff  }
0x272: {  	s22 =	sadd.s32 $0x6000, s17;
	v30 =	vor.u32 v32, v30;
	v7 =	vld.idx.msk [tilespmem:v7+s1+$0x0], $0xffff;
	v27 =	vmul.f32 v27, v22;
	v32 =	vmul.f32 v34, v19  }
0x273: {  	s5 =	sor.u32 s14, s22;
	s6 =	sor.u32 s30, s22;
	s24 =	sor.u32 s13, s22;
	v20 =	vor.u32 v35, v20;
	v21 =	vand.u32 $0xFFFFFE00, v21;
	v25 =	vand.u32 $0xFFFFFE00, v25;
	[tilespmem:s0+$0x80] =	vst v26;
	v6 =	vld.idx.msk [tilespmem:v6+s1+$0x0], $0xffff  }
0x274: {  	v21 =	vor.u32 v37, v21;
	v26 =	vld [tilespmem:s6+$0x0];
	v27 =	vsub.f32 $1.500000000e+00, v27;
	v32 =	vadd.f32 $-2.121143940e-01, v32  }
0x275: {  	v23 =	vadd.f32 v23, v29;
	v25 =	vor.u32 v38, v25;
	v13 =	vadd.f32 v36, v13;
	v29 =	vld [tilespmem:s15+$0x100]  }
0x276: {  	v35 =	vor.u32 $0x100, v30;
	v34 =	vld [tilespmem:s15+$0x280];
	v22 =	vmul.f32 v27, v22;
	v19 =	vmul.f32 v32, v19  }
0x277: {  	v23 =	vadd.f32 v33, v23;
	v12 =	vsub.f32 v16, v12;
	[tilespmem:s7+$0x100] =	vst v13;
	v27 =	vld.idx.msk [tilespmem:v30+s1+$0x0], $0xffff;
	v13 =	vor.u32 $0x100, v20;
	s7 =	smov.u32 s4  }
0x278: {  	v16 =	vor.u32 $0x80, v30;
	v32 =	vld.idx.msk [tilespmem:v20+s1+$0x0], $0xffff;
	v22 =	vmul.f32 v22, v31;
	v19 =	vadd.f32 $1.570728780e+00, v19  }
0x279: {  	v20 =	vor.u32 $0x80, v20;
	v6 =	vsub.f32 v7, v6;
	v7 =	vsub.f32 v10, v11;
	[tilespmem:s31+$0x80] =	vst v23;
	v23 =	vld.idx.msk [tilespmem:v21+s1+$0x0], $0xffff  }
0x27a: {  	v30 =	vmul.f32 v12, v12;
	v11 =	vor.u32 $0x80, v21;
	v10 =	vld.idx.msk [tilespmem:v25+s1+$0x0], $0xffff;
	v19 =	vmul.f32 v22, v19  }
0x27b: {  	v22 =	vor.u32 $0x80, v25;
	v33 =	vmul.f32 v6, v6;
	v31 =	vld.idx.msk [tilespmem:v35+s1+$0x0], $0xffff;
	v35 =	vmul.f32 v7, v7  }
0x27c: {  	v21 =	vor.u32 $0x100, v21;
	v14 =	vadd.f32 v30, v14;
	v36 =	vld.idx.msk [tilespmem:v13+s1+$0x0], $0xffff;
	v30 =	vsub.f32 $3.141592740e+00, v19  }
0x27d: {  	vm1 =	vlt.f32 v9, $0.0e+00;
	v37 =	vld.idx.msk [tilespmem:v16+s1+$0x0], $0xffff;
	v16 =	vor.u32 $0x100, v25;
	v13 =	vadd.f32 v35, v33  }
0x27e: {  	s25 =	sshra.s32 s23, $0x2;
	s23 =	smov.u32 s12;
	v6 =	vmul.f32 v6, v15;
	v7 =	vmul.f32 v7, v12;
	v20 =	vld.idx.msk [tilespmem:v20+s1+$0x0], $0xffff;
	v9 =	vsel vm1, v30, v19  }
0x27f: {  	v12 =	vsub.f32 $1.500000000e+00, v28;
	v19 =	vsub.f32 $1.500000000e+00, v24;
	v11 =	vld.idx.msk [tilespmem:v11+s1+$0x0], $0xffff;
	[tilespmem:s25+$0xA810] =	vst v9  }
0x280: {  	v15 =	vadd.f32 $1.570728780e+00, v5;
	v9 =	vadd.f32 v7, v6;
	v22 =	vld.idx.msk [tilespmem:v22+s1+$0x0], $0xffff  }
0x281: {  	v6 =	vmul.f32 v12, v18;
	v7 =	vmul.f32 v19, v17;
	v5 =	vld.idx.msk [tilespmem:v21+s1+$0x0], $0xffff  }
0x282: {  	v12 =	vadd.f32 v34, v29;
	v19 =	vld.idx.msk [tilespmem:v16+s1+$0x0], $0xffff  }
0x283: {  	v6 =	vmul.f32 v6, v8;
	v16 =	vmul.f32 v7, v2;
	v24 =	vld [tilespmem:s16+$0x100]  }
0x284: {  	v7 =	vadd.f32 v26, v12;
	v2 =	vld [tilespmem:s16+$0x280]  }
0x285: {  	v18 =	vsub.f32 v27, v32;
	v21 =	vsub.f32 v23, v10;
	v6 =	vmax.f32 v6, $-1.000000000e+00;
	v12 =	vld [tilespmem:s5+$0x0]  }
0x286: {  	v20 =	vsub.f32 v37, v20;
	v8 =	vmin.f32 v6, $1.000000000e+00;
	v22 =	vsub.f32 v11, v22;
	v10 =	vld [tilespmem:s8+$0x0]  }
0x287: {  	v17 =	vsub.f32 v31, v36;
	v23 =	vmul.f32 v21, v21;
	v11 =	vmul.f32 v18, v18;
	v6 =	vld [tilespmem:s8+$0x80]  }
0x288: {  	v26 =	vmul.f32 v20, v20;
	v19 =	vsub.f32 v5, v19;
	v27 =	vmul.f32 v22, v22;
	v25 =	vld [tilespmem:s8+$0x100]  }
0x289: {  	s4 =	sor.u32 $0x10, s30;
	v28 =	vmul.f32 v17, v17;
	v5 =	vand.u32 $0x7FFFFFFF, v8;
	v2 =	vadd.f32 v2, v24;
	v24 =	vld [tilespmem:s8+$0x180]  }
0x28a: {  	[tilespmem:s0+$0x100] =	vst v7;
	s0 =	sor.u32 s4, s29;
	v7 =	vadd.f32 v26, v11;
	v11 =	vadd.f32 v27, v23;
	v23 =	vmul.f32 v19, v19  }
0x28b: {  	v2 =	vadd.f32 v12, v2;
	v12 =	vld [tilespmem:s0+$0x0];
	v26 =	vand.u32 $0x7F, v10;
	v10 =	vshll.u32 v10, $0x2  }
0x28c: {  	v27 =	vld [tilespmem:s0+$0x180];
	v29 =	vshll.u32 v6, $0x2;
	v7 =	vadd.f32 v28, v7;
	v11 =	vadd.f32 v23, v11  }
0x28d: {  	[tilespmem:s31+$0x100] =	vst v2;
	v2 =	vand.u32 $0xFFFFFE00, v10;
	v10 =	vand.u32 $0xFFFFFE00, v29;
	v23 =	vshll.u32 v25, $0x2;
	v28 =	vld.idx.msk [tilespmem:v4+s1+$0x0], $0xffff  }
0x28e: {  	v4 =	vld [tilespmem:s0+$0x300];
	v29 =	vshll.u32 v24, $0x2;
	v23 =	vand.u32 $0xFFFFFE00, v23;
	v7 =	vmul.f32 v11, v7  }
0x28f: {  	v6 =	vand.u32 $0x7F, v6;
	v24 =	vand.u32 $0x7F, v24;
	v11 =	vld [tilespmem:s20+$0x0];
	v29 =	vand.u32 $0xFFFFFE00, v29  }
0x290: {  	v25 =	vand.u32 $0x7F, v25;
	v2 =	vor.u32 v26, v2;
	v32 =	vld [tilespmem:s20+$0x180];
	v7 =	vmax.f32 v7, $1.000000000e-30  }
0x291: {  	v33 =	vld [tilespmem:s20+$0x300];
	v12 =	vadd.f32 v27, v12;
	v27 =	vshra.s32 v7, $0x1;
	v26 =	vmul.f32 $5.000000000e-01, v7  }
0x292: {  	v36 =	vor.u32 v6, v10;
	v7 =	vor.u32 v24, v29;
	v31 =	vsub.s32 $0x5F3759DF, v27;
	v37 =	vld.idx.msk [tilespmem:v3+s1+$0x0], $0xffff  }
0x293: {  	v6 =	vor.u32 v25, v23;
	v3 =	vadd.f32 v4, v12;
	v4 =	vmul.f32 v31, v26;
	v27 =	vld.idx.msk [tilespmem:v1+s1+$0x0], $0xffff  }
.Ltmp1:
0x294: {  	s6 =	sor.u32 s4, s2;
	v24 =	vor.u32 $0x80, v2;
	v10 =	vor.u32 $0x80, v7;
	v12 =	vor.u32 $0x80, v36;
	v30 =	vld.idx.msk [tilespmem:v0+s1+$0x0], $0xffff;
	(pc) =	sbr.rel @p1 .LBB2_5-.Ltmp1, $4  }
0x295: {  	v0 =	vadd.f32 v32, v11;
	[tilespmem:s6+$0x0] =	vst v3;
	v25 =	vld.idx.msk [tilespmem:v2+s1+$0x0], $0xffff;
	v11 =	vor.u32 $0x80, v6;
	v23 =	vmul.f32 v31, v4  }
0x296: {  	v1 =	vor.u32 $0x100, v7;
	v4 =	vor.u32 $0x100, v2;
	v3 =	vor.u32 $0x100, v36;
	v32 =	vld [tilespmem:s0+$0x80]  }
0x297: {  	v34 =	vadd.f32 v33, v0;
	v33 =	vld [tilespmem:s0+$0x200];
	v0 =	vor.u32 $0x100, v6;
	v35 =	vsub.f32 $1.500000000e+00, v23  }
0x298: {  	v2 =	vsub.f32 $1.000000000e+00, v5;
	v28 =	vsub.f32 v28, v37;
	v23 =	vmul.f32 $1.872929930e-02, v5;
	v29 =	vld.idx.msk [tilespmem:v36+s1+$0x0], $0xffff  }
0x299: {  	v36 =	vld [tilespmem:s0+$0x380];
	_ =	sdelay $0x2  }
0x29a: {  	v32 =	vadd.f32 v33, v32;
	_ =	sdelay $0x1  }
0x29b: {  	v32 =	vadd.f32 v36, v32  }
0x29c: {  	v31 =	vmul.f32 v31, v35  }
0x29d: {  	[tilespmem:s6+$0x80] =	vst v32  }
0x29e: {  	v26 =	vmul.f32 v31, v26;
	v32 =	vld [tilespmem:s0+$0x100]  }
0x29f: {  	v18 =	vmul.f32 v21, v18;
	v21 =	vld [tilespmem:s0+$0x280]  }
0x2a0: {  	v20 =	vmul.f32 v22, v20;
	s16 =	sor.u32 s4, s22;
	v24 =	vld.idx.msk [tilespmem:v24+s1+$0x0], $0xffff;
	v22 =	vmul.f32 v26, v31  }
0x2a1: {  	v26 =	vld [tilespmem:s16+$0x0]  }
0x2a2: {  	v17 =	vmul.f32 v19, v17;
	v12 =	vld.idx.msk [tilespmem:v12+s1+$0x0], $0xffff;
	v18 =	vadd.f32 v20, v18;
	v19 =	vsub.f32 $1.500000000e+00, v22  }
0x2a3: {  	[tilespmem:s7+$0x0] =	vst v34;
	v10 =	vld.idx.msk [tilespmem:v10+s1+$0x0], $0xffff;
	v23 =	vsub.f32 $7.426100220e-02, v23  }
0x2a4: {  	v11 =	vld.idx.msk [tilespmem:v11+s1+$0x0], $0xffff;
	v17 =	vadd.f32 v17, v18;
	v18 =	vmul.f32 v19, v31;
	v19 =	vadd.f32 v21, v32  }
0x2a5: {  	s12 =	sadd.s32 $0x80, s12;
	v16 =	vmul.f32 v16, v15;
	v20 =	vld [tilespmem:s20+$0x80]  }
0x2a6: {  	s2 =	sadd.s32 $0x30, s18;
	s17 =	sand.u32 $0x600, s12;
	v23 =	vmul.f32 v23, v5;
	v17 =	vmul.f32 v18, v17;
	v21 =	vld [tilespmem:s20+$0x200];
	v18 =	vadd.f32 v26, v19  }
0x2a7: {  	s2 =	sand.u32 $0x70, s2;
	v33 =	vsub.f32 $3.141592740e+00, v16;
	s0 =	sor.u32 $0x8000, s17  }
0x2a8: {  	v23 =	vadd.f32 $-2.121143940e-01, v23;
	v12 =	vsub.f32 v24, v12;
	s2 =	sor.u32 s2, s0;
	v17 =	vmax.f32 v17, $-1.000000000e+00;
	v26 =	vld [tilespmem:s20+$0x380];
	[tilespmem:s6+$0x100] =	vst v18  }
0x2a9: {  	v10 =	vsub.f32 v10, v11;
	v15 =	vmin.f32 v17, $1.000000000e+00;
	v19 =	vsub.f32 v27, v30;
	v27 =	vld [tilespmem:s2+$0x0]  }
0x2aa: {  	v22 =	vmul.f32 v28, v28;
	v5 =	vmul.f32 v23, v5;
	v31 =	vand.u32 $0x7FFFFFFF, v15;
	v47 =	vld [tilespmem:s2+$0x80]  }
0x2ab: {  	v11 =	vmul.f32 v12, v12;
	v17 =	vsub.f32 $1.000000000e+00, v31;
	v20 =	vadd.f32 v21, v20;
	v21 =	vld [tilespmem:s2+$0x180]  }
0x2ac: {  	v22 =	vadd.f32 v22, v14;
	v14 =	vsub.f32 v25, v29;
	v30 =	vmul.f32 v19, v19  }
0x2ad: {  	v18 =	vmax.f32 v2, $1.000000000e-30;
	v19 =	vmul.f32 v19, v28;
	v25 =	vmax.f32 v17, $1.000000000e-30  }
0x2ae: {  	v7 =	vld.idx.msk [tilespmem:v7+s1+$0x0], $0xffff;
	v48 =	vshra.s32 v18, $0x1;
	v13 =	vadd.f32 v30, v13;
	v20 =	vadd.f32 v26, v20  }
0x2af: {  	v6 =	vld.idx.msk [tilespmem:v6+s1+$0x0], $0xffff;
	v28 =	vand.u32 $0x7F, v27;
	v29 =	vand.u32 $0x7F, v47;
	v27 =	vshll.u32 v27, $0x2  }
0x2b0: {  	v26 =	vld [tilespmem:s2+$0x100];
	v30 =	vand.u32 $0x7F, v21;
	v32 =	vshll.u32 v47, $0x2;
	v27 =	vand.u32 $0xFFFFFE00, v27  }
0x2b1: {  	v4 =	vld.idx.msk [tilespmem:v4+s1+$0x0], $0xffff;
	v21 =	vshll.u32 v21, $0x2;
	v32 =	vand.u32 $0xFFFFFE00, v32;
	v27 =	vor.u32 v28, v27  }
0x2b2: {  	v3 =	vld.idx.msk [tilespmem:v3+s1+$0x0], $0xffff;
	v18 =	vmul.f32 $5.000000000e-01, v18;
	[tilespmem:s7+$0x80] =	vst v20;
	v21 =	vand.u32 $0xFFFFFE00, v21;
	v28 =	vor.u32 v29, v32  }
0x2b3: {  	v13 =	vmul.f32 v13, v22;
	v22 =	vshra.s32 v25, $0x1;
	v49 =	vld [tilespmem:s20+$0x280];
	v21 =	vor.u32 v30, v21  }
0x2b4: {  	v25 =	vmul.f32 $5.000000000e-01, v25;
	v22 =	vsub.s32 $0x5F3759DF, v22;
	v50 =	vld [tilespmem:s24+$0x0];
	v51 =	vor.u32 $0x100, v27  }
0x2b5: {  	v20 =	vshll.u32 v26, $0x2;
	v29 =	vld [tilespmem:s20+$0x100];
	v26 =	vand.u32 $0x7F, v26;
	v38 =	vor.u32 $0x80, v28  }
0x2b6: {  	v30 =	vsub.s32 $0x5F3759DF, v48;
	v20 =	vand.u32 $0xFFFFFE00, v20;
	v42 =	vor.u32 $0x80, v21;
	v53 =	vld.idx.msk [tilespmem:v27+s1+$0x0], $0xffff  }
0x2b7: {  	v13 =	vmax.f32 v13, $1.000000000e-30;
	v39 =	vmul.f32 v30, v18;
	v20 =	vor.u32 v26, v20;
	v37 =	vld.idx.msk [tilespmem:v28+s1+$0x0], $0xffff  }
0x2b8: {  	v52 =	vshra.s32 v13, $0x1;
	v26 =	vmul.f32 v22, v25;
	v43 =	vor.u32 $0x80, v20;
	v41 =	vld.idx.msk [tilespmem:v21+s1+$0x0], $0xffff  }
0x2b9: {  	v13 =	vmul.f32 $5.000000000e-01, v13;
	v39 =	vmul.f32 v30, v39;
	v27 =	vor.u32 $0x80, v27;
	v34 =	vld.idx.msk [tilespmem:v51+s1+$0x0], $0xffff  }
0x2ba: {  	v35 =	vsub.s32 $0x5F3759DF, v52;
	v26 =	vmul.f32 v22, v26;
	v28 =	vor.u32 $0x100, v28;
	v38 =	vld.idx.msk [tilespmem:v38+s1+$0x0], $0xffff  }
0x2bb: {  	v40 =	vmul.f32 v35, v13;
	v29 =	vadd.f32 v49, v29;
	v39 =	vsub.f32 $1.500000000e+00, v39;
	v42 =	vld.idx.msk [tilespmem:v42+s1+$0x0], $0xffff  }
0x2bc: {  	v12 =	vmul.f32 v10, v12;
	v9 =	vadd.f32 v19, v9;
	v26 =	vsub.f32 $1.500000000e+00, v26;
	v54 =	vld.idx.msk [tilespmem:v20+s1+$0x0], $0xffff  }
0x2bd: {  	v40 =	vmul.f32 v35, v40;
	v19 =	vmul.f32 v30, v39;
	v29 =	vadd.f32 v50, v29;
	v55 =	vld.idx.msk [tilespmem:v43+s1+$0x0], $0xffff  }
0x2be: {  	v6 =	vsub.f32 v7, v6;
	v30 =	vmul.f32 $1.872929930e-02, v31;
	v22 =	vmul.f32 v22, v26;
	v26 =	vld.idx.msk [tilespmem:v27+s1+$0x0], $0xffff  }
0x2bf: {  	v10 =	vmul.f32 v10, v10;
	s0 =	sor.u32 s9, s0;
	v21 =	vor.u32 $0x100, v21;
	v40 =	vsub.f32 $1.500000000e+00, v40;
	[tilespmem:s7+$0x100] =	vst v29;
	v28 =	vld.idx.msk [tilespmem:v28+s1+$0x0], $0xffff  }
0x2c0: {  	v20 =	vor.u32 $0x100, v20;
	v30 =	vsub.f32 $7.426100220e-02, v30;
	v25 =	vmul.f32 v22, v25;
	v56 =	vld [tilespmem:s0+$0x0]  }
0x2c1: {  	v3 =	vsub.f32 v4, v3;
	v35 =	vmul.f32 v35, v40;
	v18 =	vmul.f32 v19, v18;
	v57 =	vld [tilespmem:s0+$0x80]  }
0x2c2: {  	v60 =	vld [tilespmem:s0+$0x100];
	v29 =	vmul.f32 v30, v31;
	v30 =	vsub.f32 v53, v37;
	v25 =	vmul.f32 v25, v22  }
0x2c3: {  	v13 =	vmul.f32 v35, v13;
	v27 =	vmul.f32 v14, v14;
	v32 =	vsub.f32 v41, v54  }
0x2c4: {  	v21 =	vld.idx.msk [tilespmem:v21+s1+$0x0], $0xffff;
	v29 =	vadd.f32 $-2.121143940e-01, v29;
	v58 =	vmul.f32 v30, v30;
	v25 =	vsub.f32 $1.500000000e+00, v25  }
0x2c5: {  	v20 =	vld.idx.msk [tilespmem:v20+s1+$0x0], $0xffff;
	v59 =	vmul.f32 v32, v32;
	v23 =	vsub.f32 v26, v38;
	v26 =	vsub.f32 v42, v55  }
0x2c6: {  	v28 =	vsub.f32 v34, v28;
	v46 =	vshll.u32 v56, $0x2;
	v47 =	vshll.u32 v57, $0x2  }
0x2c7: {  	v36 =	vand.u32 $0x7F, v56;
	v48 =	vshll.u32 v60, $0x2;
	v37 =	vand.u32 $0x7F, v57  }
0x2c8: {  	v34 =	vand.u32 $0x7F, v60;
	v22 =	vmul.f32 v25, v22;
	v25 =	vmul.f32 v29, v31  }
0x2c9: {  	v40 =	vand.u32 $0xFFFFFE00, v46;
	v41 =	vand.u32 $0xFFFFFE00, v47;
	v42 =	vand.u32 $0xFFFFFE00, v48  }
0x2ca: {  	v61 =	vmul.f32 v23, v23;
	v20 =	vsub.f32 v21, v20;
	v21 =	vld [tilespmem:s0+$0x180];
	v36 =	vor.u32 v36, v40  }
0x2cb: {  	v62 =	vmul.f32 v26, v26;
	v29 =	vmul.f32 v28, v28;
	v37 =	vor.u32 v37, v41  }
0x2cc: {  	v51 =	vld.idx.msk [tilespmem:v1+s1+$0x0], $0xffff;
	v34 =	vor.u32 v34, v42;
	v50 =	vor.u32 $0x80, v36;
	v1 =	vor.u32 $0x80, v37  }
0x2cd: {  	v31 =	vadd.f32 v61, v58;
	v63 =	vadd.f32 v62, v59;
	v45 =	vmul.f32 v20, v20  }
0x2ce: {  	v53 =	vld.idx.msk [tilespmem:v0+s1+$0x0], $0xffff;
	v54 =	vor.u32 $0x80, v34;
	v24 =	vadd.f32 $1.570728780e+00, v25;
	v25 =	vor.u32 $0x100, v36  }
0x2cf: {  	v0 =	vadd.f32 v29, v31;
	v29 =	vadd.f32 v45, v63;
	v49 =	vshll.u32 v21, $0x2;
	v31 =	vld.idx.msk [tilespmem:v36+s1+$0x0], $0xffff  }
0x2d0: {  	v17 =	vmul.f32 v22, v17;
	v21 =	vand.u32 $0x7F, v21;
	v22 =	vld.idx.msk [tilespmem:v37+s1+$0x0], $0xffff;
	v40 =	vand.u32 $0xFFFFFE00, v49  }
0x2d1: {  	v18 =	vmul.f32 v18, v19;
	v0 =	vmul.f32 v29, v0;
	v7 =	vld.idx.msk [tilespmem:v50+s1+$0x0], $0xffff;
	v21 =	vor.u32 v21, v40  }
0x2d2: {  	v13 =	vmul.f32 v13, v35;
	v58 =	vmul.f32 v6, v6;
	v29 =	vld.idx.msk [tilespmem:v1+s1+$0x0], $0xffff;
	v52 =	vor.u32 $0x80, v21  }
0x2d3: {  	v1 =	vmul.f32 v17, v24;
	v17 =	vor.u32 $0x100, v37;
	v38 =	vld.idx.msk [tilespmem:v54+s1+$0x0], $0xffff;
	v0 =	vmax.f32 v0, $1.000000000e-30  }
0x2d4: {  	v25 =	vld.idx.msk [tilespmem:v25+s1+$0x0], $0xffff;
	v57 =	vor.u32 $0x100, v21;
	v55 =	vshra.s32 v0, $0x1;
	v56 =	vmul.f32 $5.000000000e-01, v0  }
0x2d5: {  	v59 =	vor.u32 $0x100, v34;
	v0 =	vsel vm0, v33, v16;
	v16 =	vld.idx.msk [tilespmem:v34+s1+$0x0], $0xffff;
	v36 =	vsub.s32 $0x5F3759DF, v55  }
0x2d6: {  	v5 =	vadd.f32 $1.570728780e+00, v5;
	v6 =	vmul.f32 v6, v14;
	v14 =	vmul.f32 v36, v56;
	v21 =	vld.idx.msk [tilespmem:v21+s1+$0x0], $0xffff  }
0x2d7: {  	v11 =	vadd.f32 v11, v27;
	v10 =	vadd.f32 v10, v58;
	vm0 =	vlt.f32 v8, $0.0e+00;
	v24 =	vld.idx.msk [tilespmem:v52+s1+$0x0], $0xffff  }
0x2d8: {  	v8 =	vsub.f32 $1.500000000e+00, v13;
	v7 =	vsub.f32 v7, v29;
	v13 =	vmul.f32 v36, v14;
	v14 =	vld.idx.msk [tilespmem:v17+s1+$0x0], $0xffff  }
0x2d9: {  	v30 =	vmul.f32 v32, v30;
	v6 =	vadd.f32 v12, v6;
	v17 =	vsub.f32 $1.500000000e+00, v18;
	v18 =	vld.idx.msk [tilespmem:v57+s1+$0x0], $0xffff  }
0x2da: {  	v8 =	vmul.f32 v8, v35;
	v27 =	vmul.f32 v7, v7;
	v12 =	vsub.f32 $1.500000000e+00, v13;
	v13 =	vld.idx.msk [tilespmem:v59+s1+$0x0], $0xffff  }
0x2db: {  	v4 =	vsub.f32 v31, v22;
	v17 =	vmul.f32 v17, v19;
	v19 =	vmul.f32 v3, v3  }
0x2dc: {  	v8 =	vmul.f32 v8, v9;
	v12 =	vmul.f32 v36, v12;
	v16 =	vsub.f32 v21, v16  }
0x2dd: {  	v21 =	vmul.f32 v4, v4;
	v11 =	vadd.f32 v19, v11;
	v22 =	vsub.f32 v24, v38  }
0x2de: {  	v19 =	vmul.f32 v26, v23;
	v24 =	vsub.f32 v51, v53;
	v14 =	vsub.f32 v25, v14  }
0x2df: {  	v29 =	vmul.f32 v16, v16;
	v31 =	vmul.f32 v22, v22;
	v13 =	vsub.f32 v18, v13  }
0x2e0: {  	v2 =	vmul.f32 v17, v2;
	v21 =	vadd.f32 v27, v21;
	v25 =	vmul.f32 v24, v24  }
0x2e1: {  	v27 =	vadd.f32 v31, v29;
	v29 =	vmul.f32 v14, v14;
	v31 =	vmul.f32 v13, v13  }
0x2e2: {  	v9 =	vadd.f32 v19, v30;
	v18 =	vmul.f32 v12, v56;
	v10 =	vadd.f32 v25, v10  }
0x2e3: {  	v19 =	vmul.f32 v20, v28;
	v21 =	vadd.f32 v29, v21;
	v23 =	vadd.f32 v31, v27  }
0x2e4: {  	vm1 =	vlt.f32 v15, $0.0e+00;
	v18 =	vmul.f32 v18, v12;
	v10 =	vmul.f32 v10, v11  }
0x2e5: {  	v8 =	vmax.f32 v8, $-1.000000000e+00;
	v2 =	vmul.f32 v2, v5;
	v11 =	vmul.f32 v23, v21  }
0x2e6: {  	v4 =	vmul.f32 v16, v4;
	v18 =	vsub.f32 $1.500000000e+00, v18;
	v10 =	vmax.f32 v10, $1.000000000e-30  }
0x2e7: {  	v20 =	vshra.s32 v10, $0x1;
	v10 =	vmul.f32 $5.000000000e-01, v10;
	v11 =	vmax.f32 v11, $1.000000000e-30  }
0x2e8: {  	v20 =	vsub.s32 $0x5F3759DF, v20;
	v21 =	vshra.s32 v11, $0x1;
	v11 =	vmul.f32 $5.000000000e-01, v11  }
0x2e9: {  	v7 =	vmul.f32 v22, v7;
	v23 =	vmul.f32 v20, v10;
	v21 =	vsub.s32 $0x5F3759DF, v21  }
0x2ea: {  	v9 =	vadd.f32 v19, v9;
	v12 =	vmul.f32 v18, v12;
	v18 =	vmul.f32 v21, v11  }
0x2eb: {  	v4 =	vadd.f32 v7, v4;
	v7 =	vmul.f32 v13, v14;
	v17 =	vmul.f32 v20, v23  }
0x2ec: {  	v8 =	vmin.f32 v8, $1.000000000e+00;
	v9 =	vmul.f32 v12, v9;
	v12 =	vmul.f32 v21, v18  }
0x2ed: {  	v3 =	vmul.f32 v24, v3;
	v4 =	vadd.f32 v7, v4;
	v17 =	vsub.f32 $1.500000000e+00, v17  }
0x2ee: {  	v7 =	vsub.f32 $3.141592740e+00, v1;
	v5 =	vmax.f32 v9, $-1.000000000e+00;
	v9 =	vsub.f32 $1.500000000e+00, v12  }
0x2ef: {  	v19 =	vand.u32 $0x7FFFFFFF, v8;
	v3 =	vadd.f32 v3, v6;
	v17 =	vmul.f32 v20, v17  }
0x2f0: {  	v1 =	vsel vm1, v7, v1;
	v18 =	vsub.f32 $1.000000000e+00, v19;
	v9 =	vmul.f32 v21, v9  }
0x2f1: {  	v23 =	vmul.f32 $1.872929930e-02, v19;
	v5 =	vmin.f32 v5, $1.000000000e+00;
	v10 =	vmul.f32 v17, v10  }
0x2f2: {  	v12 =	vmax.f32 v18, $1.000000000e-30;
	v20 =	vand.u32 $0x7FFFFFFF, v5;
	v6 =	vmul.f32 v9, v11  }
0x2f3: {  	v24 =	vsub.f32 $1.000000000e+00, v20;
	v15 =	vmul.f32 $1.872929930e-02, v20;
	v10 =	vmul.f32 v10, v17  }
0x2f4: {  	v21 =	vshra.s32 v12, $0x1;
	v12 =	vmul.f32 $5.000000000e-01, v12;
	v6 =	vmul.f32 v6, v9  }
0x2f5: {  	v15 =	vsub.f32 $7.426100220e-02, v15;
	v11 =	vmax.f32 v24, $1.000000000e-30;
	v10 =	vsub.f32 $1.500000000e+00, v10  }
0x2f6: {  	v16 =	vshra.s32 v11, $0x1;
	v11 =	vmul.f32 $5.000000000e-01, v11;
	v6 =	vsub.f32 $1.500000000e+00, v6  }
0x2f7: {  	v7 =	vmul.f32 v15, v20;
	v16 =	vsub.s32 $0x5F3759DF, v16;
	v10 =	vmul.f32 v10, v17  }
0x2f8: {  	v13 =	vsub.s32 $0x5F3759DF, v21;
	v14 =	vmul.f32 v16, v11;
	v6 =	vmul.f32 v6, v9  }
0x2f9: {  	vm1 =	vlt.f32 v8, $0.0e+00;
	v17 =	vmul.f32 v13, v12;
	v3 =	vmul.f32 v10, v3  }
0x2fa: {  	v7 =	vadd.f32 $-2.121143940e-01, v7;
	v9 =	vmul.f32 v16, v14;
	v4 =	vmul.f32 v6, v4  }
0x2fb: {  	v10 =	vmul.f32 v13, v17;
	v6 =	vsub.f32 $7.426100220e-02, v23;
	v3 =	vmax.f32 v3, $-1.000000000e+00  }
0x2fc: {  	v9 =	vsub.f32 $1.500000000e+00, v9;
	v3 =	vmin.f32 v3, $1.000000000e+00;
	v4 =	vmax.f32 v4, $-1.000000000e+00  }
0x2fd: {  	v10 =	vsub.f32 $1.500000000e+00, v10;
	v14 =	vand.u32 $0x7FFFFFFF, v3;
	v4 =	vmin.f32 v4, $1.000000000e+00  }
0x2fe: {  	v9 =	vmul.f32 v16, v9;
	v16 =	vsub.f32 $1.000000000e+00, v14;
	v17 =	vand.u32 $0x7FFFFFFF, v4  }
0x2ff: {  	v6 =	vmul.f32 v6, v19;
	v10 =	vmul.f32 v13, v10;
	v13 =	vsub.f32 $1.000000000e+00, v17  }
0x300: {  	v8 =	vmul.f32 $1.872929930e-02, v14;
	v11 =	vmul.f32 v9, v11;
	v21 =	vmax.f32 v16, $1.000000000e-30  }
0x301: {  	v22 =	vshra.s32 v21, $0x1;
	v21 =	vmul.f32 $5.000000000e-01, v21;
	v23 =	vmax.f32 v13, $1.000000000e-30  }
0x302: {  	v22 =	vsub.s32 $0x5F3759DF, v22;
	v25 =	vshra.s32 v23, $0x1;
	v23 =	vmul.f32 $5.000000000e-01, v23  }
0x303: {  	v12 =	vmul.f32 v10, v12;
	v26 =	vmul.f32 v22, v21;
	v25 =	vsub.s32 $0x5F3759DF, v25  }
0x304: {  	v6 =	vadd.f32 $-2.121143940e-01, v6;
	v11 =	vmul.f32 v11, v9;
	v15 =	vmul.f32 v25, v23  }
0x305: {  	v8 =	vsub.f32 $7.426100220e-02, v8;
	v12 =	vmul.f32 v12, v10;
	v26 =	vmul.f32 v22, v26  }
0x306: {  	v6 =	vmul.f32 v6, v19;
	v11 =	vsub.f32 $1.500000000e+00, v11;
	v15 =	vmul.f32 v25, v15  }
0x307: {  	v8 =	vmul.f32 v8, v14;
	v12 =	vsub.f32 $1.500000000e+00, v12;
	v19 =	vsub.f32 $1.500000000e+00, v26  }
0x308: {  	v7 =	vmul.f32 v7, v20;
	v9 =	vmul.f32 v11, v9;
	v11 =	vsub.f32 $1.500000000e+00, v15  }
0x309: {  	v8 =	vadd.f32 $-2.121143940e-01, v8;
	v10 =	vmul.f32 v12, v10;
	v15 =	vmul.f32 v22, v19  }
0x30a: {  	v19 =	vmul.f32 $1.872929930e-02, v17;
	v11 =	vmul.f32 v25, v11  }
0x30b: {  	v8 =	vmul.f32 v8, v14;
	v20 =	vmul.f32 v15, v21  }
0x30c: {  	v9 =	vmul.f32 v9, v24;
	v12 =	vsub.f32 $7.426100220e-02, v19;
	v19 =	vmul.f32 v11, v23  }
0x30d: {  	v7 =	vadd.f32 $1.570728780e+00, v7;
	v10 =	vmul.f32 v10, v18;
	v20 =	vmul.f32 v20, v15  }
0x30e: {  	v6 =	vadd.f32 $1.570728780e+00, v6;
	v12 =	vmul.f32 v12, v17;
	v19 =	vmul.f32 v19, v11  }
0x30f: {  	v8 =	vadd.f32 $1.570728780e+00, v8;
	v7 =	vmul.f32 v9, v7;
	v9 =	vsub.f32 $1.500000000e+00, v20  }
0x310: {  	vm0 =	vmmov vm0;
	v12 =	vadd.f32 $-2.121143940e-01, v12;
	v18 =	vsub.f32 $1.500000000e+00, v19  }
0x311: {  	v6 =	vmul.f32 v10, v6;
	v21 =	vsub.f32 $3.141592740e+00, v2;
	v9 =	vmul.f32 v9, v15  }
0x312: {  	v10 =	vsub.f32 $3.141592740e+00, v7;
	v12 =	vmul.f32 v12, v17;
	v11 =	vmul.f32 v18, v11  }
0x313: {  	s18 =	sshra.s32 s23, $0x2;
	[tilespmem:s21+$0xA800] =	vst v0;
	v0 =	vsub.f32 $3.141592740e+00, v6;
	v2 =	vsel vm0, v21, v2;
	v9 =	vmul.f32 v9, v16  }
0x314: {  	[tilespmem:s18+$0xA810] =	vst v1;
	vm0 =	vlt.f32 v5, $0.0e+00;
	v12 =	vadd.f32 $1.570728780e+00, v12;
	v11 =	vmul.f32 v11, v13  }
0x315: {  	s20 =	sshra.s32 s12, $0x2;
	vm1 =	vmmov vm1;
	v1 =	vsel vm0, v10, v7;
	[tilespmem:s19+$0xA800] =	vst v2;
	v5 =	vmul.f32 v9, v8  }
0x316: {  	v0 =	vsel vm1, v0, v6;
	[tilespmem:s20+$0xA810] =	vst v1;
	v7 =	vmul.f32 v11, v12  }
0x317: {  	vm0 =	vlt.f32 v3, $0.0e+00;
	s21 =	rddreg [dreg:$0x11];
	[tilespmem:s25+$0xA800] =	vst v0;
	v2 =	vsub.f32 $3.141592740e+00, v5  }
0x318: {  	vm1 =	vlt.f32 v4, $0.0e+00;
	vm0 =	vmmov vm0;
	s4 =	sshll.u32 s21, $0x5;
	s5 =	rddreg [dreg:$0x13];
	v1 =	vsub.f32 $3.141592740e+00, v7  }
0x319: {  	s23 =	rddreg [dreg:$0x2];
	s5 =	sshll.u32 s5, $0x6;
	s4 =	sand.u32 $0x60, s4;
	v0 =	vsel vm0, v2, v5;
	vm0 =	vmmov vm1  }
0x31a: {  	s26 =	simm.s32 $0xA800;
	s22 =	sand.u32 $0x3FE00, s5;
	s4 =	sadd.s32 s23, s4;
	[tilespmem:s18+$0xA800] =	vst v0;
	v0 =	vsel vm0, v1, v7  }
0x31b: {  	s24 =	simm.s32 $0x80;
	s25 =	simm.s32 $0x400;
	s0 =	sadd.s32 s22, s4;
	[tilespmem:s20+$0xA800] =	vst v0  }
0x31c: {  	[hbm4b:s0+s24] =	stream.strided.scatter [tilespmem:s26], [sflag:$0x3], $0x200, s25, s24, $0x38;
	[tilespmem:$0xAC00] =	vst v63  }
0x31d: {  	s29 =	rddreg [dreg:$0x12]  }
0x31e: {  	s31 =	rddreg [dreg:$0x4];
	s30 =	sor.u32 $0x1, s29  }
0x31f: {  	s4 =	rddreg [dreg:$0x6];
	s0 =	sor.u32 s31, s30  }
0x320: {  	[dreg:$0x14] =	wrdreg s0;
	s0 =	sadd.s32 $0x2, s0  }
0x321: {  	s0 =	smin.u32 s0, s4  }
0x322: {  	s2 =	sshll.u32 s0, $0x4  }
0x323: {  	s6 =	rddreg [dreg:$0x0];
	s0 =	sshll.u32 s0, $0x7;
	s2 =	sand.u32 $0x70, s2  }
0x324: {  	s0 =	sand.u32 $0x7FC00, s0;
	s2 =	sadd.s32 s6, s2  }
0x325: {  	s8 =	simm.s32 $0x4000;
	s7 =	simm.s32 $0x400000;
	s0 =	sadd.s32 s0, s2  }
0x326: {  	[tilespmem:s8], [sflag:$0x2] =	stream.strided.gather [hbm4b:s0+s24], $0x400, s7, s24, $0x38;
	[tilespmem:$0xAC00] =	vst v63  }
0x327: {  	s10 =	simm.s32 $0x4400;
	s9 =	sadd.s32 $0x80, s0  }
0x328: {  	[tilespmem:s10], [sflag:$0x2] =	stream.strided.gather [hbm4b:s9+s24], $0x400, s7, s24, $0x38;
	[tilespmem:$0xAC00] =	vst v63  }
0x329: {  	s13 =	simm.s32 $0x4800;
	s12 =	sadd.s32 $0x100, s0  }
0x32a: {  	[tilespmem:s13], [sflag:$0x2] =	stream.strided.gather [hbm4b:s12+s24], $0x400, s7, s24, $0x38;
	[tilespmem:$0xAC00] =	vst v63  }
0x32b: {  	s15 =	simm.s32 $0x4C00;
	s14 =	sadd.s32 $0x180, s0  }
0x32c: {  	[tilespmem:s15], [sflag:$0x2] =	stream.strided.gather [hbm4b:s14+s24], $0x400, s7, s24, $0x38;
	[tilespmem:$0xAC00] =	vst v63  }
0x32d: {  	s17 =	simm.s32 $0x5000;
	s16 =	sadd.s32 $0x200, s0  }
0x32e: {  	[tilespmem:s17], [sflag:$0x2] =	stream.strided.gather [hbm4b:s16+s24], $0x400, s7, s24, $0x38;
	[tilespmem:$0xAC00] =	vst v63  }
0x32f: {  	s19 =	simm.s32 $0x5400;
	s18 =	sadd.s32 $0x280, s0  }
0x330: {  	[tilespmem:s19], [sflag:$0x2] =	stream.strided.gather [hbm4b:s18+s24], $0x400, s7, s24, $0x38;
	[tilespmem:$0xAC00] =	vst v63  }
0x331: {  	s21 =	simm.s32 $0x5800;
	s20 =	sadd.s32 $0x300, s0  }
0x332: {  	[tilespmem:s21], [sflag:$0x2] =	stream.strided.gather [hbm4b:s20+s24], $0x400, s7, s24, $0x38;
	[tilespmem:$0xAC00] =	vst v63  }
0x333: {  	s23 =	simm.s32 $0x5C00;
	s22 =	sadd.s32 $0x380, s0  }
0x334: {  	[tilespmem:s23], [sflag:$0x2] =	stream.strided.gather [hbm4b:s22+s24], $0x400, s7, s24, $0x38;
	[tilespmem:$0xAC00] =	vst v63  }
0x335: {  	s25 =	simm.s32 $0x6000;
	s0 =	sadd.s32 $0x400000, s0;
	s24 =	simm.s32 $0x0  }
0x336: {  	[tilespmem:s25], [sflag:$0x2] =	stream.linear.gather [hbm4b:s0+s24], $0x80, $0x38;
	[tilespmem:$0xAC00] =	vst v63  }
0x337: {  	s29 =	simm.s32 $0x6400;
	s26 =	sadd.s32 $0x80, s0  }
0x338: {  	[tilespmem:s29], [sflag:$0x2] =	stream.linear.gather [hbm4b:s26+s24], $0x80, $0x38;
	[tilespmem:$0xAC00] =	vst v63  }
0x339: {  	[dreg:$0x15] =	wrdreg s30;
	s31 =	simm.s32 $0x6800;
	s30 =	sadd.s32 $0x100, s0  }
0x33a: {  	[tilespmem:s31], [sflag:$0x2] =	stream.linear.gather [hbm4b:s30+s24], $0x80, $0x38;
	[tilespmem:$0xAC00] =	vst v63  }
0x33b: {  	s6 =	simm.s32 $0x6C00;
	s5 =	sadd.s32 $0x180, s0  }
0x33c: {  	[tilespmem:s6], [sflag:$0x2] =	stream.linear.gather [hbm4b:s5+s24], $0x80, $0x38;
	[tilespmem:$0xAC00] =	vst v63  }
0x33d: {  	s8 =	simm.s32 $0x7000;
	s7 =	sadd.s32 $0x200, s0  }
0x33e: {  	[tilespmem:s8], [sflag:$0x2] =	stream.linear.gather [hbm4b:s7+s24], $0x80, $0x38;
	[tilespmem:$0xAC00] =	vst v63  }
0x33f: {  	s9 =	sadd.s32 $0x280, s0;
	s10 =	simm.s32 $0x7400  }
0x340: {  	[tilespmem:s10], [sflag:$0x2] =	stream.linear.gather [hbm4b:s9+s24], $0x80, $0x38;
	[tilespmem:$0xAC00] =	vst v63  }
0x341: {  	s12 =	sadd.s32 $0x300, s0;
	s13 =	simm.s32 $0x7800  }
0x342: {  	[tilespmem:s13], [sflag:$0x2] =	stream.linear.gather [hbm4b:s12+s24], $0x80, $0x38;
	[tilespmem:$0xAC00] =	vst v63  }
0x343: {  	s14 =	simm.s32 $0x7C00;
	s15 =	simm.s32 $0x1;
	s0 =	sadd.s32 $0x380, s0  }
0x344: {  	[tilespmem:s14], [sflag:$0x2] =	stream.linear.gather [hbm4b:s0+s24], $0x80, $0x38;
	[tilespmem:$0xAC00] =	vst v63  }
0x345: {  	_ =	swait.ge [sflag:s15], $0x2400  }
0x346: {  	[sflag:s15] =	ssyncset.done $0x0  }
0x347: {  	s0 =	simm.s32 @!p0 $0x4;
	[sflag:s15] =	ssyncadd.s32 $0xFFFFDC00  }
0x348: {  	s16 =	simm.s32 $0x20;
	s17 =	simm.s32 $0x0;
	_ =	swait.ge @!p0 [sflag:s0], $0x200  }
0x349: {  	s4 =	sand.u32 $0x3FFFFC00, s17;
	s18 =	sand.u32 $0x60, s16;
	[sflag:s0] =	ssyncset.done @!p0 $0x0  }
0x34a: {  	s19 =	sor.u32 s18, s4;
	[sflag:s0] =	ssyncadd.s32 @!p0 $0xFFFFFE00  }
0x34b: {  	v0 =	vld [tilespmem:s19+$0x0]  }
0x34c: {  	v1 =	vld [tilespmem:s19+$0x180];
	_ =	sdelay $0x1  }
0x34d: {  	v2 =	vld [tilespmem:s19+$0x300];
	_ =	sdelay $0x1  }
0x34e: {  	s20 =	simm.s32 $0x0  }
0x34f: {  	s21 =	sand.u32 $0x40, s20;
	s23 =	simm.s32 $0x0;
	v0 =	vadd.f32 v1, v0  }
0x350: {  	s22 =	sor.u32 s21, s4;
	s2 =	sand.u32 $0x3FFFFE00, s23  }
0x351: {  	s8 =	sadd.s32 $0x8800, s2;
	v3 =	vld [tilespmem:s22+$0x180];
	v0 =	vadd.f32 v2, v0  }
0x352: {  	s24 =	sor.u32 s18, s8;
	v1 =	vld [tilespmem:s22+$0x0]  }
0x353: {  	v2 =	vld [tilespmem:s22+$0x300];
	[tilespmem:s24+$0x0] =	vst v0  }
0x354: {  	v0 =	vld [tilespmem:s19+$0x80]  }
0x355: {  	v4 =	vld [tilespmem:s19+$0x200];
	_ =	sdelay $0x1  }
0x356: {  	v1 =	vadd.f32 v3, v1;
	v3 =	vld [tilespmem:s19+$0x380];
	_ =	sdelay $0x1  }
0x357: {  	v1 =	vadd.f32 v2, v1  }
0x358: {  	s10 =	sor.u32 s21, s8;
	v0 =	vadd.f32 v4, v0  }
0x359: {  	[tilespmem:s10+$0x0] =	vst v1  }
0x35a: {  	v1 =	vld [tilespmem:s22+$0x80];
	v0 =	vadd.f32 v3, v0  }
0x35b: {  	v2 =	vld [tilespmem:s22+$0x200]  }
0x35c: {  	v3 =	vld [tilespmem:s22+$0x380];
	[tilespmem:s24+$0x80] =	vst v0  }
0x35d: {  	v0 =	vld [tilespmem:s19+$0x100]  }
0x35e: {  	s2 =	sadd.s32 $0x2000, s4;
	v4 =	vld [tilespmem:s19+$0x280]  }
0x35f: {  	s25 =	sor.u32 s18, s2  }
0x360: {  	v1 =	vadd.f32 v2, v1;
	v2 =	vld [tilespmem:s25+$0x0];
	_ =	sdelay $0x1  }
0x361: {  	v1 =	vadd.f32 v3, v1  }
0x362: {  	v0 =	vadd.f32 v4, v0  }
0x363: {  	[tilespmem:s10+$0x80] =	vst v1  }
0x364: {  	v1 =	vld [tilespmem:s22+$0x100];
	v0 =	vadd.f32 v2, v0  }
0x365: {  	s29 =	sor.u32 $0x10, s18;
	s26 =	sor.u32 s21, s2;
	v3 =	vld [tilespmem:s22+$0x280]  }
0x366: {  	s30 =	sor.u32 s29, s4;
	v2 =	vld [tilespmem:s26+$0x0];
	[tilespmem:s24+$0x100] =	vst v0  }
0x367: {  	v0 =	vld [tilespmem:s30+$0x0]  }
0x368: {  	v4 =	vld [tilespmem:s30+$0x180];
	_ =	sdelay $0x1  }
0x369: {  	v1 =	vadd.f32 v3, v1;
	v3 =	vld [tilespmem:s30+$0x300];
	_ =	sdelay $0x1  }
0x36a: {  	v1 =	vadd.f32 v2, v1  }
0x36b: {  	s31 =	sor.u32 $0x10, s21;
	v0 =	vadd.f32 v4, v0  }
0x36c: {  	s16 =	sor.u32 s31, s4;
	[tilespmem:s10+$0x100] =	vst v1  }
0x36d: {  	v1 =	vld [tilespmem:s16+$0x0];
	v0 =	vadd.f32 v3, v0  }
0x36e: {  	s12 =	sor.u32 s29, s8;
	v2 =	vld [tilespmem:s16+$0x180]  }
0x36f: {  	[tilespmem:s12+$0x0] =	vst v0  }
0x370: {  	v0 =	vld [tilespmem:s30+$0x80]  }
0x371: {  	v4 =	vld [tilespmem:s30+$0x200]  }
0x372: {  	v3 =	vld [tilespmem:s16+$0x300]  }
0x373: {  	v1 =	vadd.f32 v2, v1;
	v2 =	vld [tilespmem:s30+$0x380]  }
0x374: {  	s18 =	simm.s32 $0x40;
	s15 =	simm.s32 $0x200  }
0x375: {  	s17 =	simm.s32 $0x60;
	s20 =	sand.u32 $0x40, s18;
	s4 =	sand.u32 $0x3FFFFC00, s15  }
0x376: {  	s6 =	sand.u32 $0x60, s17;
	s22 =	sor.u32 s20, s4;
	v0 =	vadd.f32 v4, v0  }
0x377: {  	s13 =	sor.u32 s6, s4;
	v8 =	vld [tilespmem:s22+$0x0]  }
0x378: {  	v1 =	vadd.f32 v3, v1;
	v3 =	vld [tilespmem:s13+$0x0];
	v0 =	vadd.f32 v2, v0  }
0x379: {  	v2 =	vld [tilespmem:s13+$0x180]  }
0x37a: {  	v4 =	vld [tilespmem:s13+$0x300];
	[tilespmem:s12+$0x80] =	vst v0  }
0x37b: {  	s5 =	sor.u32 s31, s8;
	v0 =	vld [tilespmem:s30+$0x100]  }
0x37c: {  	[tilespmem:s5+$0x0] =	vst v1;
	v5 =	vld [tilespmem:s30+$0x280]  }
0x37d: {  	s19 =	sor.u32 s29, s2;
	v1 =	vld [tilespmem:s16+$0x80]  }
0x37e: {  	s21 =	simm.s32 $0x100;
	v2 =	vadd.f32 v2, v3;
	v3 =	vld [tilespmem:s19+$0x0]  }
0x37f: {  	s0 =	sand.u32 $0x3FFFFE00, s21;
	v6 =	vld [tilespmem:s16+$0x200]  }
0x380: {  	s0 =	sadd.s32 $0x8800, s0;
	v7 =	vld [tilespmem:s16+$0x380];
	v2 =	vadd.f32 v4, v2  }
0x381: {  	s23 =	sor.u32 s6, s0;
	v4 =	vld [tilespmem:s22+$0x180];
	v0 =	vadd.f32 v5, v0  }
0x382: {  	s14 =	simm.s32 $0x0;
	v5 =	vld [tilespmem:s22+$0x300];
	[tilespmem:s23+$0x0] =	vst v2  }
0x383: {  	s14 =	sand.u32 $0x600, s14;
	s15 =	simm.s32 $0x10;
	v0 =	vadd.f32 v3, v0;
	v2 =	vld [tilespmem:s13+$0x80]  }
0x384: {  	s14 =	sor.u32 $0x8000, s14;
	s15 =	sand.u32 $0x70, s15;
	v1 =	vadd.f32 v6, v1;
	v3 =	vld [tilespmem:s13+$0x200]  }
0x385: {  	s24 =	sor.u32 s15, s14;
	v6 =	vld [tilespmem:s13+$0x380];
	[tilespmem:s12+$0x100] =	vst v0  }
0x386: {  	v0 =	vadd.f32 v7, v1;
	v1 =	vld [tilespmem:s24+$0x0]  }
0x387: {  	v4 =	vadd.f32 v4, v8;
	v7 =	vld [tilespmem:s24+$0x80]  }
0x388: {  	[tilespmem:s5+$0x80] =	vst v0;
	v0 =	vld [tilespmem:s24+$0x180]  }
0x389: {  	v4 =	vadd.f32 v5, v4;
	v8 =	vld [tilespmem:s16+$0x100];
	v2 =	vadd.f32 v3, v2  }
0x38a: {  	s25 =	sor.u32 s20, s0;
	v3 =	vld [tilespmem:s24+$0x100]  }
0x38b: {  	v5 =	vld [tilespmem:s16+$0x280];
	[tilespmem:s25+$0x0] =	vst v4;
	v2 =	vadd.f32 v6, v2  }
0x38c: {  	v4 =	vld [tilespmem:s22+$0x80];
	v6 =	vand.u32 $0x7F, v1;
	v9 =	vand.u32 $0x7F, v7;
	v1 =	vshll.u32 v1, $0x2  }
0x38d: {  	v10 =	vld [tilespmem:s22+$0x200];
	v7 =	vshll.u32 v7, $0x2;
	v11 =	vand.u32 $0x7F, v0;
	v1 =	vand.u32 $0xFFFFFE00, v1  }
0x38e: {  	s9 =	sor.u32 s31, s2;
	s2 =	sadd.s32 $0x2000, s4;
	v12 =	vld [tilespmem:s22+$0x380];
	v0 =	vshll.u32 v0, $0x2;
	v7 =	vand.u32 $0xFFFFFE00, v7;
	v1 =	vor.u32 v6, v1  }
0x38f: {  	s26 =	sor.u32 s6, s2;
	[tilespmem:s23+$0x80] =	vst v2;
	v6 =	vld [tilespmem:s9+$0x0];
	v2 =	vor.u32 v9, v7;
	v0 =	vand.u32 $0xFFFFFE00, v0  }
0x390: {  	v13 =	vshll.u32 v3, $0x2;
	v9 =	vld [tilespmem:s26+$0x0];
	v0 =	vor.u32 v11, v0  }
0x391: {  	v3 =	vand.u32 $0x7F, v3;
	v7 =	vand.u32 $0xFFFFFE00, v13;
	v11 =	vld [tilespmem:s13+$0x100];
	v13 =	vor.u32 $0x100, v1  }
0x392: {  	v3 =	vor.u32 v3, v7;
	v7 =	vld [tilespmem:s13+$0x280];
	v4 =	vadd.f32 v10, v4  }
0x393: {  	v14 =	vld.idx.msk [tilespmem:v1+s3+$0x0], $0xffff;
	v1 =	vor.u32 $0x80, v1  }
0x394: {  	v15 =	vor.u32 $0x100, v2;
	v4 =	vadd.f32 v12, v4;
	v16 =	vld.idx.msk [tilespmem:v2+s3+$0x0], $0xffff;
	v2 =	vor.u32 $0x80, v2  }
0x395: {  	v17 =	vld.idx.msk [tilespmem:v0+s3+$0x0], $0xffff  }
0x396: {  	v13 =	vld.idx.msk [tilespmem:v13+s3+$0x0], $0xffff;
	[tilespmem:s25+$0x80] =	vst v4  }
0x397: {  	v4 =	vld [tilespmem:s22+$0x100]  }
0x398: {  	v12 =	vor.u32 $0x80, v0;
	v18 =	vld.idx.msk [tilespmem:v1+s3+$0x0], $0xffff  }
0x399: {  	v1 =	vor.u32 $0x80, v3;
	v19 =	vld.idx.msk [tilespmem:v2+s3+$0x0], $0xffff  }
0x39a: {  	v2 =	vadd.f32 v5, v8;
	v5 =	vld [tilespmem:s22+$0x280]  }
0x39b: {  	s30 =	sor.u32 s20, s2;
	v10 =	vld.idx.msk [tilespmem:v3+s3+$0x0], $0xffff  }
0x39c: {  	s29 =	simm.s32 $0x0;
	v0 =	vor.u32 $0x100, v0;
	v8 =	vld [tilespmem:s30+$0x0];
	v2 =	vadd.f32 v6, v2  }
0x39d: {  	s9 =	sand.u32 $0x60, s29;
	v7 =	vadd.f32 v7, v11;
	v6 =	vld.idx.msk [tilespmem:v12+s3+$0x0], $0xffff  }
0x39e: {  	s31 =	sor.u32 s9, s14;
	[tilespmem:s5+$0x100] =	vst v2;
	v11 =	vld.idx.msk [tilespmem:v1+s3+$0x0], $0xffff  }
0x39f: {  	v1 =	vadd.f32 v9, v7;
	v2 =	vld [tilespmem:s31+$0x0];
	v4 =	vadd.f32 v5, v4  }
0x3a0: {  	s5 =	sor.u32 $0x10, s6;
	v7 =	vld [tilespmem:s31+$0x80]  }
0x3a1: {  	s17 =	sor.u32 s5, s4;
	v5 =	vor.u32 $0x100, v3;
	[tilespmem:s23+$0x100] =	vst v1;
	v3 =	vadd.f32 v8, v4;
	v8 =	vld.idx.msk [tilespmem:v0+s3+$0x0], $0xffff  }
0x3a2: {  	v1 =	vld [tilespmem:s17+$0x0]  }
0x3a3: {  	s12 =	sor.u32 $0x10, s20;
	v4 =	vld [tilespmem:s17+$0x180]  }
0x3a4: {  	s23 =	sor.u32 s12, s4;
	v9 =	vld [tilespmem:s17+$0x300];
	[tilespmem:s25+$0x100] =	vst v3  }
0x3a5: {  	v0 =	vshll.u32 v2, $0x2;
	v12 =	vld [tilespmem:s23+$0x0]  }
0x3a6: {  	v2 =	vand.u32 $0x7F, v2;
	v20 =	vld [tilespmem:s23+$0x180];
	v0 =	vand.u32 $0xFFFFFE00, v0  }
0x3a7: {  	v15 =	vld.idx.msk [tilespmem:v15+s3+$0x0], $0xffff;
	v3 =	vor.u32 v2, v0  }
0x3a8: {  	s8 =	sor.u32 s12, s0;
	s26 =	simm.s32 $0xA0;
	s25 =	simm.s32 $0x400;
	v0 =	vshll.u32 v7, $0x2;
	v2 =	vand.u32 $0x7F, v7;
	v7 =	vld [tilespmem:s23+$0x300];
	v1 =	vadd.f32 v4, v1  }
0x3a9: {  	s6 =	sand.u32 $0x60, s26;
	v21 =	vld [tilespmem:s31+$0x100];
	s24 =	sor.u32 s5, s0;
	s0 =	sand.u32 $0x3FFFFC00, s25;
	v0 =	vand.u32 $0xFFFFFE00, v0  }
0x3aa: {  	v5 =	vld.idx.msk [tilespmem:v5+s3+$0x0], $0xffff;
	s29 =	sor.u32 s6, s0;
	v4 =	vor.u32 v2, v0;
	v0 =	vadd.f32 v9, v1  }
0x3ab: {  	v10 =	vsub.f32 v17, v10;
	v17 =	vld [tilespmem:s29+$0x300];
	v1 =	vadd.f32 v20, v12  }
0x3ac: {  	v9 =	vld [tilespmem:s31+$0x180];
	[tilespmem:s24+$0x0] =	vst v0  }
0x3ad: {  	v7 =	vadd.f32 v7, v1;
	v2 =	vld [tilespmem:s17+$0x80]  }
0x3ae: {  	v12 =	vld [tilespmem:s17+$0x200]  }
0x3af: {  	[tilespmem:s8+$0x0] =	vst v7;
	v7 =	vld [tilespmem:s17+$0x380]  }
0x3b0: {  	v20 =	vor.u32 $0x80, v3;
	v22 =	vld [tilespmem:s23+$0x80]  }
0x3b1: {  	v23 =	vld [tilespmem:s23+$0x200]  }
0x3b2: {  	v0 =	vld.idx.msk [tilespmem:v3+s3+$0x0], $0xffff  }
0x3b3: {  	v24 =	vld [tilespmem:s23+$0x380];
	v12 =	vadd.f32 v12, v2  }
0x3b4: {  	v11 =	vsub.f32 v6, v11;
	v1 =	vld.idx.msk [tilespmem:v4+s3+$0x0], $0xffff  }
0x3b5: {  	s30 =	simm.s32 $0x80;
	v2 =	vld.idx.msk [tilespmem:v20+s3+$0x0], $0xffff;
	v7 =	vadd.f32 v7, v12;
	v12 =	vsub.f32 v14, v16  }
0x3b6: {  	s7 =	sand.u32 $0x40, s30;
	v20 =	vld [tilespmem:s29+$0x0];
	v14 =	vsub.f32 v18, v19;
	v19 =	vadd.f32 v23, v22  }
0x3b7: {  	v13 =	vsub.f32 v13, v15;
	v15 =	vmul.f32 v10, v10;
	s31 =	sor.u32 s7, s0;
	v16 =	vld [tilespmem:s29+$0x180]  }
0x3b8: {  	v23 =	vsub.f32 v8, v5;
	v5 =	vmul.f32 v11, v11;
	[tilespmem:s24+$0x80] =	vst v7;
	v19 =	vadd.f32 v24, v19;
	v24 =	vld [tilespmem:s31+$0x180]  }
0x3b9: {  	v6 =	vmul.f32 v12, v12;
	v7 =	vmul.f32 v14, v14;
	v18 =	vld [tilespmem:s17+$0x100]  }
0x3ba: {  	v22 =	vld [tilespmem:s17+$0x280]  }
0x3bb: {  	s15 =	sor.u32 s5, s2;
	v5 =	vadd.f32 v5, v15;
	v15 =	vmul.f32 v23, v23;
	v6 =	vadd.f32 v7, v6;
	v7 =	vld [tilespmem:s31+$0x0]  }
0x3bc: {  	s16 =	simm.s32 $0xE0;
	[tilespmem:s8+$0x80] =	vst v19;
	v16 =	vadd.f32 v16, v20;
	v20 =	vld [tilespmem:s15+$0x0]  }
0x3bd: {  	s2 =	sor.u32 s12, s2;
	v8 =	vmul.f32 v13, v13;
	s17 =	simm.s32 $0x200;
	v5 =	vadd.f32 v15, v5;
	v15 =	vld [tilespmem:s23+$0x100];
	s15 =	simm.s32 $0x600  }
0x3be: {  	s16 =	sand.u32 $0x60, s16;
	s18 =	sand.u32 $0x3FFFFE00, s17;
	v30 =	vld [tilespmem:s2+$0x0];
	s9 =	sand.u32 $0x3FFFFC00, s15  }
0x3bf: {  	s4 =	sadd.s32 $0x8800, s18;
	v6 =	vadd.f32 v8, v6;
	v8 =	vld [tilespmem:s31+$0x300];
	v16 =	vadd.f32 v17, v16;
	s18 =	sor.u32 s16, s9  }
0x3c0: {  	s19 =	sor.u32 s6, s4;
	v17 =	vadd.f32 v22, v18;
	v53 =	vld [tilespmem:s18+$0x0]  }
0x3c1: {  	s20 =	simm.s32 $0x80;
	v5 =	vmul.f32 v5, v6;
	[tilespmem:s19+$0x0] =	vst v16;
	v16 =	vld [tilespmem:s23+$0x280]  }
0x3c2: {  	s21 =	simm.s32 $0x30;
	s10 =	sand.u32 $0x600, s20;
	v6 =	vld [tilespmem:s29+$0x380];
	v17 =	vadd.f32 v20, v17  }
0x3c3: {  	s22 =	sor.u32 $0x8000, s10;
	v19 =	vshll.u32 v21, $0x2;
	s23 =	sand.u32 $0x70, s21;
	v7 =	vadd.f32 v24, v7;
	v18 =	vld [tilespmem:s29+$0x80];
	v5 =	vmax.f32 v5, $1.000000000e-30  }
0x3c4: {  	v21 =	vand.u32 $0x7F, v21;
	v20 =	vld [tilespmem:s29+$0x200];
	s10 =	sor.u32 s23, s22;
	v22 =	vshra.s32 v5, $0x1;
	v24 =	vmul.f32 $5.000000000e-01, v5;
	[tilespmem:s24+$0x100] =	vst v17  }
0x3c5: {  	v7 =	vadd.f32 v8, v7;
	v17 =	vshll.u32 v9, $0x2;
	v22 =	vsub.s32 $0x5F3759DF, v22;
	v5 =	vld [tilespmem:s10+$0x0]  }
0x3c6: {  	v8 =	vand.u32 $0x7F, v9;
	v25 =	vld [tilespmem:s10+$0x80];
	v9 =	vand.u32 $0xFFFFFE00, v17;
	v17 =	vmul.f32 v22, v24  }
0x3c7: {  	v19 =	vand.u32 $0xFFFFFE00, v19;
	s24 =	sor.u32 s7, s4;
	v26 =	vld [tilespmem:s10+$0x180];
	v27 =	vor.u32 v8, v9;
	v8 =	vor.u32 $0x80, v4  }
0x3c8: {  	v19 =	vor.u32 v21, v19;
	[tilespmem:s24+$0x0] =	vst v7;
	v28 =	vld [tilespmem:s10+$0x100];
	v7 =	vor.u32 $0x80, v27;
	v9 =	vmul.f32 v22, v17  }
0x3c9: {  	v21 =	vor.u32 $0x80, v19;
	v29 =	vld [tilespmem:s31+$0x200]  }
0x3ca: {  	v17 =	vld [tilespmem:s31+$0x80];
	v9 =	vsub.f32 $1.500000000e+00, v9  }
0x3cb: {  	v18 =	vadd.f32 v20, v18;
	v20 =	vld [tilespmem:s31+$0x380]  }
0x3cc: {  	v31 =	vand.u32 $0x7F, v25;
	v22 =	vmul.f32 v22, v9;
	v8 =	vld.idx.msk [tilespmem:v8+s3+$0x0], $0xffff  }
0x3cd: {  	v9 =	vadd.f32 v6, v18;
	v18 =	vand.u32 $0x7F, v5;
	v6 =	vshll.u32 v5, $0x2;
	v5 =	vld.idx.msk [tilespmem:v7+s3+$0x0], $0xffff  }
0x3ce: {  	v60 =	vand.u32 $0x7F, v26;
	v7 =	vshll.u32 v25, $0x2;
	v25 =	vand.u32 $0xFFFFFE00, v6;
	v6 =	vld.idx.msk [tilespmem:v21+s3+$0x0], $0xffff  }
0x3cf: {  	s2 =	sadd.s32 $0x2000, s0;
	v21 =	vshll.u32 v26, $0x2;
	v26 =	vand.u32 $0xFFFFFE00, v7;
	v18 =	vor.u32 v18, v25;
	v7 =	vld.idx.msk [tilespmem:v27+s3+$0x0], $0xffff  }
0x3d0: {  	v10 =	vmul.f32 v10, v12;
	s25 =	sor.u32 s6, s2;
	[tilespmem:s19+$0x80] =	vst v9;
	v9 =	vld.idx.msk [tilespmem:v19+s3+$0x0], $0xffff;
	v19 =	vor.u32 $0x100, v19  }
0x3d1: {  	v11 =	vmul.f32 v11, v14;
	v21 =	vand.u32 $0xFFFFFE00, v21;
	v26 =	vor.u32 v31, v26;
	v31 =	vld [tilespmem:s25+$0x0]  }
0x3d2: {  	v25 =	vshll.u32 v28, $0x2;
	v28 =	vand.u32 $0x7F, v28;
	v21 =	vor.u32 v60, v21;
	v61 =	vld [tilespmem:s29+$0x100]  }
0x3d3: {  	v24 =	vmul.f32 v22, v24;
	v25 =	vand.u32 $0xFFFFFE00, v25;
	v12 =	vld [tilespmem:s29+$0x280];
	v14 =	vor.u32 $0x100, v18  }
0x3d4: {  	v25 =	vor.u32 v28, v25;
	v28 =	vld.idx.msk [tilespmem:v18+s3+$0x0], $0xffff  }
0x3d5: {  	v24 =	vmul.f32 v24, v22;
	v62 =	vor.u32 $0x100, v26;
	v19 =	vld.idx.msk [tilespmem:v19+s3+$0x0], $0xffff  }
0x3d6: {  	v13 =	vmul.f32 v23, v13;
	v10 =	vadd.f32 v11, v10;
	v23 =	vor.u32 $0x80, v26;
	v63 =	vld.idx.msk [tilespmem:v26+s3+$0x0], $0xffff  }
0x3d7: {  	v11 =	vor.u32 $0x80, v18;
	v36 =	vor.u32 $0x80, v21;
	v18 =	vsub.f32 $1.500000000e+00, v24;
	v24 =	vld.idx.msk [tilespmem:v21+s3+$0x0], $0xffff  }
0x3d8: {  	v14 =	vld.idx.msk [tilespmem:v14+s3+$0x0], $0xffff  }
0x3d9: {  	v10 =	vadd.f32 v13, v10;
	v21 =	vor.u32 $0x100, v21;
	v26 =	vld.idx.msk [tilespmem:v25+s3+$0x0], $0xffff;
	v13 =	vmul.f32 v18, v22  }
0x3da: {  	v18 =	vor.u32 $0x80, v25;
	v22 =	vld.idx.msk [tilespmem:v62+s3+$0x0], $0xffff  }
0x3db: {  	v25 =	vor.u32 $0x100, v25;
	v23 =	vld.idx.msk [tilespmem:v23+s3+$0x0], $0xffff;
	v10 =	vmul.f32 v13, v10  }
0x3dc: {  	v17 =	vadd.f32 v29, v17;
	v29 =	vld.idx.msk [tilespmem:v36+s3+$0x0], $0xffff  }
0x3dd: {  	v3 =	vor.u32 $0x100, v3;
	v15 =	vadd.f32 v16, v15;
	v13 =	vld.idx.msk [tilespmem:v11+s3+$0x0], $0xffff;
	v10 =	vmax.f32 v10, $-1.000000000e+00  }
0x3de: {  	v7 =	vsub.f32 v7, v9;
	v16 =	vld.idx.msk [tilespmem:v21+s3+$0x0], $0xffff;
	v11 =	vmin.f32 v10, $1.000000000e+00;
	v10 =	vadd.f32 v20, v17  }
0x3df: {  	v12 =	vadd.f32 v12, v61;
	v28 =	vsub.f32 v28, v63;
	v17 =	vld.idx.msk [tilespmem:v18+s3+$0x0], $0xffff;
	v18 =	vand.u32 $0x7FFFFFFF, v11  }
0x3e0: {  	v27 =	vor.u32 $0x100, v27;
	v21 =	vld.idx.msk [tilespmem:v25+s3+$0x0], $0xffff;
	v24 =	vsub.f32 v24, v26;
	v20 =	vsub.f32 $1.000000000e+00, v18;
	[tilespmem:s24+$0x80] =	vst v10  }
0x3e1: {  	s26 =	simm.s32 $0x20;
	v25 =	vor.u32 $0x100, v4;
	v22 =	vsub.f32 v14, v22;
	v10 =	vadd.f32 v30, v15;
	v15 =	vld [tilespmem:s31+$0x100]  }
0x3e2: {  	s5 =	sand.u32 $0x60, s26;
	s29 =	sor.u32 s7, s2;
	v14 =	vmul.f32 v28, v28;
	v23 =	vsub.f32 v13, v23;
	v30 =	vld [tilespmem:s31+$0x280];
	v4 =	vmax.f32 v20, $1.000000000e-30  }
0x3e3: {  	s30 =	sor.u32 s5, s22;
	v40 =	vmul.f32 v22, v22;
	v38 =	vld [tilespmem:s29+$0x0];
	[tilespmem:s8+$0x100] =	vst v10;
	v37 =	vshra.s32 v4, $0x1;
	v39 =	vmul.f32 $5.000000000e-01, v4  }
0x3e4: {  	v4 =	vadd.f32 v31, v12;
	v12 =	vld [tilespmem:s30+$0x0];
	v17 =	vsub.f32 v29, v17;
	v31 =	vsub.s32 $0x5F3759DF, v37  }
0x3e5: {  	vm0 =	vlt.f32 v11, $0.0e+00;
	v26 =	vld [tilespmem:s30+$0x80];
	v29 =	vmul.f32 v24, v24;
	v32 =	vmul.f32 v31, v39  }
0x3e6: {  	s31 =	sor.u32 $0x10, s6;
	v10 =	vld [tilespmem:s30+$0x100];
	v16 =	vsub.f32 v16, v21;
	[tilespmem:s19+$0x100] =	vst v4;
	v4 =	vmul.f32 v23, v23;
	v21 =	vmul.f32 v17, v17  }
0x3e7: {  	v9 =	vmul.f32 v24, v28;
	s6 =	sor.u32 s31, s0;
	v13 =	vld [tilespmem:s30+$0x180];
	v17 =	vmul.f32 v17, v23;
	v15 =	vadd.f32 v30, v15  }
0x3e8: {  	v30 =	vld [tilespmem:s6+$0x0];
	v32 =	vmul.f32 v31, v32;
	v4 =	vadd.f32 v4, v14;
	v14 =	vadd.f32 v21, v29  }
0x3e9: {  	v41 =	vld [tilespmem:s6+$0x180];
	v21 =	vmul.f32 v16, v16;
	v9 =	vadd.f32 v17, v9;
	v15 =	vadd.f32 v38, v15  }
0x3ea: {  	s7 =	sor.u32 $0x10, s7;
	v29 =	vld.idx.msk [tilespmem:v3+s3+$0x0], $0xffff;
	v16 =	vmul.f32 v16, v22;
	v42 =	vand.u32 $0x7F, v12;
	v3 =	vsub.f32 $1.500000000e+00, v32  }
0x3eb: {  	s10 =	sor.u32 s7, s0;
	v12 =	vshll.u32 v12, $0x2;
	v34 =	vadd.f32 v40, v4;
	v14 =	vadd.f32 v21, v14;
	[tilespmem:s24+$0x100] =	vst v15;
	v15 =	vld [tilespmem:s6+$0x300]  }
0x3ec: {  	v44 =	vmul.f32 $1.872929930e-02, v18;
	v11 =	vshll.u32 v10, $0x2;
	v4 =	vand.u32 $0xFFFFFE00, v12;
	v12 =	vld [tilespmem:s10+$0x0]  }
0x3ed: {  	v9 =	vadd.f32 v16, v9;
	v21 =	vmul.f32 v31, v3;
	v31 =	vld [tilespmem:s10+$0x180];
	v14 =	vmul.f32 v14, v34  }
0x3ee: {  	v25 =	vld.idx.msk [tilespmem:v25+s3+$0x0], $0xffff;
	v4 =	vor.u32 v42, v4;
	v3 =	vshll.u32 v26, $0x2;
	v30 =	vadd.f32 v41, v30  }
0x3ef: {  	s19 =	simm.s32 $0xC0;
	v43 =	vld [tilespmem:s10+$0x300];
	v26 =	vand.u32 $0x7F, v26;
	v3 =	vand.u32 $0xFFFFFE00, v3;
	v14 =	vmax.f32 v14, $1.000000000e-30  }
0x3f0: {  	v23 =	vld [tilespmem:s18+$0x180];
	s0 =	sand.u32 $0x40, s19;
	v45 =	vmul.f32 $5.000000000e-01, v14;
	v15 =	vadd.f32 v15, v30;
	v30 =	vshra.s32 v14, $0x1  }
0x3f1: {  	s13 =	sor.u32 s31, s4;
	s20 =	sor.u32 s0, s9;
	v3 =	vor.u32 v26, v3;
	v26 =	vld.idx.msk [tilespmem:v27+s3+$0x0], $0xffff;
	v27 =	vmul.f32 v21, v39;
	v30 =	vsub.s32 $0x5F3759DF, v30  }
0x3f2: {  	v16 =	vld [tilespmem:s20+$0x0];
	v14 =	vsub.f32 $7.426100220e-02, v44;
	v31 =	vadd.f32 v31, v12;
	[tilespmem:s13+$0x0] =	vst v15;
	v15 =	vmul.f32 v30, v45  }
0x3f3: {  	v10 =	vand.u32 $0x7F, v10;
	v11 =	vand.u32 $0xFFFFFE00, v11;
	v27 =	vmul.f32 v27, v21;
	v46 =	vld [tilespmem:s6+$0x80]  }
0x3f4: {  	v47 =	vmul.f32 v14, v18;
	v31 =	vadd.f32 v43, v31;
	v48 =	vld [tilespmem:s6+$0x200];
	v15 =	vmul.f32 v30, v15  }
0x3f5: {  	s12 =	sor.u32 s7, s4;
	v10 =	vor.u32 v10, v11;
	v11 =	vor.u32 $0x80, v3;
	v12 =	vld.idx.msk [tilespmem:v4+s3+$0x0], $0xffff;
	v27 =	vsub.f32 $1.500000000e+00, v27  }
0x3f6: {  	v35 =	vadd.f32 $-2.121143940e-01, v47;
	[tilespmem:s12+$0x0] =	vst v31;
	v31 =	vld [tilespmem:s6+$0x380];
	v15 =	vsub.f32 $1.500000000e+00, v15  }
0x3f7: {  	v0 =	vsub.f32 v0, v1;
	v49 =	vor.u32 $0x80, v4;
	v14 =	vld.idx.msk [tilespmem:v3+s3+$0x0], $0xffff;
	v1 =	vmul.f32 v27, v21  }
0x3f8: {  	v2 =	vsub.f32 v2, v8;
	v50 =	vld [tilespmem:s10+$0x80];
	v18 =	vmul.f32 v35, v18;
	v8 =	vmul.f32 v30, v15  }
0x3f9: {  	v21 =	vld [tilespmem:s10+$0x200];
	v27 =	vadd.f32 v48, v46  }
0x3fa: {  	v11 =	vld.idx.msk [tilespmem:v11+s3+$0x0], $0xffff;
	v20 =	vmul.f32 v1, v20;
	v18 =	vadd.f32 $1.570728780e+00, v18;
	v52 =	vmul.f32 v8, v45  }
0x3fb: {  	v5 =	vsub.f32 v5, v6;
	v15 =	vld [tilespmem:s10+$0x380];
	v27 =	vadd.f32 v31, v27  }
0x3fc: {  	v1 =	vld.idx.msk [tilespmem:v49+s3+$0x0], $0xffff;
	v6 =	vmul.f32 v20, v18;
	v18 =	vmul.f32 v52, v8  }
0x3fd: {  	v51 =	vmul.f32 v2, v2;
	v28 =	vmul.f32 v5, v5;
	v20 =	vld [tilespmem:s18+$0x300];
	[tilespmem:s13+$0x80] =	vst v27  }
0x3fe: {  	v22 =	vmul.f32 v7, v7;
	v21 =	vadd.f32 v21, v50;
	v17 =	vld [tilespmem:s6+$0x100];
	v18 =	vsub.f32 $1.500000000e+00, v18  }
0x3ff: {  	v7 =	vmul.f32 v7, v0;
	v30 =	vmul.f32 v0, v0;
	v27 =	vld [tilespmem:s6+$0x280]  }
0x400: {  	s22 =	simm.s32 $0x300;
	s21 =	sor.u32 s31, s2;
	v0 =	vld [tilespmem:s20+$0x180];
	v15 =	vadd.f32 v15, v21;
	v8 =	vmul.f32 v18, v8;
	v18 =	vadd.f32 v23, v53  }
0x401: {  	s23 =	sand.u32 $0x3FFFFE00, s22;
	v5 =	vmul.f32 v5, v2;
	v22 =	vadd.f32 v28, v22;
	v19 =	vsub.f32 v26, v19;
	v21 =	vld [tilespmem:s21+$0x0]  }
0x402: {  	s4 =	sadd.s32 $0x8800, s23;
	v14 =	vsub.f32 v12, v14;
	[tilespmem:s12+$0x80] =	vst v15;
	v2 =	vmul.f32 v8, v9;
	v8 =	vld [tilespmem:s20+$0x300];
	v9 =	vadd.f32 v20, v18  }
0x403: {  	s24 =	sor.u32 s16, s4;
	v24 =	vadd.f32 v51, v30;
	v18 =	vld [tilespmem:s10+$0x100];
	v20 =	vsub.f32 v29, v25  }
0x404: {  	s2 =	sor.u32 s7, s2;
	v30 =	vsub.f32 $3.141592740e+00, v6;
	v15 =	vshll.u32 v13, $0x2;
	v17 =	vadd.f32 v27, v17;
	[tilespmem:s24+$0x0] =	vst v9;
	v9 =	vld [tilespmem:s10+$0x280]  }
0x405: {  	s25 =	simm.s32 $0x100;
	v13 =	vand.u32 $0x7F, v13;
	v26 =	vmul.f32 v20, v20;
	v12 =	vmul.f32 v19, v20;
	v20 =	vld [tilespmem:s2+$0x0]  }
0x406: {  	s26 =	simm.s32 $0x50;
	s5 =	sand.u32 $0x600, s25;
	v15 =	vand.u32 $0xFFFFFE00, v15;
	v2 =	vmax.f32 v2, $-1.000000000e+00;
	v17 =	vadd.f32 v21, v17;
	v23 =	vld [tilespmem:s18+$0x380]  }
0x407: {  	s29 =	sor.u32 $0x8000, s5;
	s30 =	sand.u32 $0x70, s26;
	v0 =	vadd.f32 v0, v16;
	v13 =	vor.u32 v13, v15;
	v2 =	vmin.f32 v2, $1.000000000e+00;
	v25 =	vld [tilespmem:s18+$0x80]  }
0x408: {  	s5 =	sor.u32 s30, s29;
	v15 =	vmul.f32 v19, v19;
	v31 =	vor.u32 $0x80, v13;
	v16 =	vld [tilespmem:s18+$0x200];
	v21 =	vand.u32 $0x7FFFFFFF, v2;
	[tilespmem:s13+$0x100] =	vst v17  }
0x409: {  	v27 =	vsub.f32 $1.000000000e+00, v21;
	v17 =	vld [tilespmem:s5+$0x0];
	v0 =	vadd.f32 v8, v0  }
0x40a: {  	s31 =	sor.u32 s0, s4;
	v15 =	vadd.f32 v15, v22;
	v8 =	vld [tilespmem:s5+$0x80]  }
0x40b: {  	v24 =	vadd.f32 v26, v24;
	v28 =	vld [tilespmem:s5+$0x180];
	v26 =	vmax.f32 v27, $1.000000000e-30;
	[tilespmem:s31+$0x0] =	vst v0;
	v0 =	vsel vm0, v30, v6  }
0x40c: {  	v29 =	vld [tilespmem:s5+$0x100];
	v6 =	vor.u32 $0x80, v10;
	v22 =	vshra.s32 v26, $0x1;
	v26 =	vmul.f32 $5.000000000e-01, v26  }
0x40d: {  	v5 =	vadd.f32 v5, v7;
	v31 =	vld.idx.msk [tilespmem:v31+s3+$0x0], $0xffff;
	v16 =	vadd.f32 v16, v25;
	v22 =	vsub.s32 $0x5F3759DF, v22  }
0x40e: {  	v15 =	vmul.f32 v15, v24;
	v9 =	vadd.f32 v9, v18;
	v54 =	vld [tilespmem:s20+$0x80];
	v24 =	vmul.f32 v22, v26  }
0x40f: {  	v7 =	vld [tilespmem:s20+$0x200];
	v16 =	vadd.f32 v23, v16;
	v23 =	vand.u32 $0x7F, v17;
	v17 =	vshll.u32 v17, $0x2  }
0x410: {  	s17 =	simm.s32 $0x40;
	v56 =	vmul.f32 $1.872929930e-02, v21;
	v25 =	vld [tilespmem:s20+$0x380];
	v9 =	vadd.f32 v20, v9;
	v17 =	vand.u32 $0xFFFFFE00, v17  }
0x411: {  	s2 =	sand.u32 $0x60, s17;
	v15 =	vmax.f32 v15, $1.000000000e-30;
	v24 =	vmul.f32 v22, v24;
	v6 =	vld.idx.msk [tilespmem:v6+s3+$0x0], $0xffff;
	v17 =	vor.u32 v23, v17  }
0x412: {  	s7 =	sadd.s32 $0x2000, s9;
	s2 =	sor.u32 s2, s29;
	v19 =	vshra.s32 v15, $0x1;
	v30 =	vand.u32 $0x7F, v8;
	v8 =	vshll.u32 v8, $0x2;
	[tilespmem:s12+$0x100] =	vst v9;
	v23 =	vld.idx.msk [tilespmem:v13+s3+$0x0], $0xffff  }
0x413: {  	s10 =	sor.u32 s16, s7;
	v15 =	vmul.f32 $5.000000000e-01, v15;
	v8 =	vand.u32 $0xFFFFFE00, v8;
	[tilespmem:s24+$0x80] =	vst v16;
	v44 =	vld [tilespmem:s2+$0x100];
	v24 =	vsub.f32 $1.500000000e+00, v24  }
0x414: {  	v55 =	vand.u32 $0x7F, v28;
	v8 =	vor.u32 v30, v8;
	v30 =	vld [tilespmem:s10+$0x0];
	v58 =	vor.u32 $0x100, v17  }
0x415: {  	v19 =	vsub.s32 $0x5F3759DF, v19;
	v57 =	vld [tilespmem:s18+$0x100];
	v22 =	vmul.f32 v22, v24;
	v24 =	vshll.u32 v28, $0x2  }
0x416: {  	v28 =	vshll.u32 v29, $0x2;
	v16 =	vand.u32 $0xFFFFFE00, v24;
	v60 =	vld.idx.msk [tilespmem:v17+s3+$0x0], $0xffff;
	v17 =	vor.u32 $0x80, v17  }
0x417: {  	v29 =	vand.u32 $0x7F, v29;
	v24 =	vld.idx.msk [tilespmem:v10+s3+$0x0], $0xffff;
	v28 =	vand.u32 $0xFFFFFE00, v28;
	v16 =	vor.u32 v55, v16  }
0x418: {  	v59 =	vmul.f32 v19, v15;
	v28 =	vor.u32 v29, v28;
	v26 =	vmul.f32 v22, v26;
	v29 =	vld [tilespmem:s18+$0x280]  }
0x419: {  	v5 =	vadd.f32 v12, v5;
	v33 =	vsub.f32 $7.426100220e-02, v56;
	v61 =	vor.u32 $0x100, v8;
	v41 =	vld.idx.msk [tilespmem:v58+s3+$0x0], $0xffff  }
0x41a: {  	v36 =	vmul.f32 v19, v59;
	v63 =	vor.u32 $0x80, v16;
	v12 =	vmul.f32 v26, v22;
	v26 =	vld.idx.msk [tilespmem:v8+s3+$0x0], $0xffff  }
0x41b: {  	v33 =	vmul.f32 v33, v21;
	v8 =	vor.u32 $0x80, v8;
	v17 =	vld.idx.msk [tilespmem:v17+s3+$0x0], $0xffff  }
0x41c: {  	v36 =	vsub.f32 $1.500000000e+00, v36;
	v42 =	vor.u32 $0x80, v28;
	v12 =	vsub.f32 $1.500000000e+00, v12;
	v62 =	vld.idx.msk [tilespmem:v16+s3+$0x0], $0xffff  }
0x41d: {  	v33 =	vadd.f32 $-2.121143940e-01, v33;
	v7 =	vadd.f32 v7, v54;
	v18 =	vld.idx.msk [tilespmem:v28+s3+$0x0], $0xffff  }
0x41e: {  	v19 =	vmul.f32 v19, v36;
	v16 =	vor.u32 $0x100, v16;
	v12 =	vmul.f32 v12, v22;
	v22 =	vld.idx.msk [tilespmem:v61+s3+$0x0], $0xffff  }
0x41f: {  	v21 =	vmul.f32 v33, v21;
	v7 =	vadd.f32 v25, v7;
	v28 =	vor.u32 $0x100, v28;
	v20 =	vld.idx.msk [tilespmem:v63+s3+$0x0], $0xffff  }
0x420: {  	v1 =	vsub.f32 v1, v11;
	v6 =	vsub.f32 v31, v6;
	v15 =	vmul.f32 v19, v15;
	v8 =	vld.idx.msk [tilespmem:v8+s3+$0x0], $0xffff  }
0x421: {  	[tilespmem:s31+$0x80] =	vst v7;
	v11 =	vmul.f32 v12, v27;
	v12 =	vadd.f32 $1.570728780e+00, v21;
	v21 =	vsub.f32 v23, v24;
	v23 =	vld.idx.msk [tilespmem:v42+s3+$0x0], $0xffff  }
0x422: {  	v25 =	vmul.f32 v6, v6;
	v15 =	vmul.f32 v15, v19;
	v27 =	vadd.f32 v29, v57;
	v29 =	vld [tilespmem:s20+$0x100]  }
0x423: {  	v4 =	vor.u32 $0x100, v4;
	v24 =	vmul.f32 v11, v12;
	v16 =	vld.idx.msk [tilespmem:v16+s3+$0x0], $0xffff;
	v12 =	vmul.f32 v21, v21  }
0x424: {  	v43 =	vmul.f32 v14, v14;
	vm0 =	vlt.f32 v2, $0.0e+00;
	v13 =	vor.u32 $0x100, v13;
	v28 =	vld.idx.msk [tilespmem:v28+s3+$0x0], $0xffff  }
0x425: {  	v7 =	vmul.f32 v1, v1;
	s18 =	sor.u32 s0, s7;
	v15 =	vsub.f32 $1.500000000e+00, v15;
	v12 =	vadd.f32 v25, v12;
	v25 =	vld [tilespmem:s20+$0x280]  }
0x426: {  	v10 =	vor.u32 $0x100, v10;
	v9 =	vld [tilespmem:s18+$0x0];
	v26 =	vsub.f32 v60, v26;
	v27 =	vadd.f32 v30, v27  }
0x427: {  	v6 =	vmul.f32 v6, v1;
	v18 =	vsub.f32 v62, v18;
	v30 =	vld [tilespmem:s2+$0x0];
	v31 =	vsub.f32 v17, v8  }
0x428: {  	s19 =	sor.u32 $0x10, s16;
	v14 =	vmul.f32 v21, v14;
	v21 =	vld.idx.msk [tilespmem:v4+s3+$0x0], $0xffff;
	v22 =	vsub.f32 v41, v22;
	v20 =	vsub.f32 v20, v23  }
0x429: {  	v8 =	vld [tilespmem:s2+$0x80];
	v17 =	vmul.f32 v26, v26;
	[tilespmem:s24+$0x100] =	vst v27;
	s20 =	sor.u32 s19, s9;
	v28 =	vsub.f32 v16, v28;
	v16 =	vmul.f32 v31, v31  }
0x42a: {  	v23 =	vmul.f32 v18, v18;
	v27 =	vld [tilespmem:s20+$0x0];
	v45 =	vmul.f32 v20, v20;
	v2 =	vadd.f32 v25, v29  }
0x42b: {  	v11 =	vadd.f32 v7, v43;
	v25 =	vld [tilespmem:s2+$0x180];
	v29 =	vmul.f32 v22, v22;
	v16 =	vadd.f32 v16, v17  }
0x42c: {  	v17 =	vadd.f32 v45, v23;
	v23 =	vmul.f32 v28, v28;
	v2 =	vadd.f32 v9, v2;
	v9 =	vld [tilespmem:s20+$0x180]  }
0x42d: {  	v7 =	vsub.f32 $3.141592740e+00, v24;
	v16 =	vadd.f32 v29, v16;
	v29 =	vld.idx.msk [tilespmem:v13+s3+$0x0], $0xffff  }
0x42e: {  	v3 =	vor.u32 $0x100, v3;
	s6 =	sor.u32 $0x10, s0;
	v17 =	vadd.f32 v23, v17;
	v13 =	vadd.f32 v6, v14;
	v14 =	vld.idx.msk [tilespmem:v10+s3+$0x0], $0xffff  }
0x42f: {  	s23 =	simm.s32 $0x800;
	s21 =	sor.u32 s6, s9;
	v4 =	vmul.f32 v15, v19;
	s24 =	simm.s32 $0x100;
	v1 =	vsel vm0, v7, v24;
	v7 =	vshll.u32 v30, $0x2;
	[tilespmem:s31+$0x100] =	vst v2;
	v2 =	vld [tilespmem:s20+$0x300]  }
0x430: {  	s18 =	sand.u32 $0x40, s24;
	v15 =	vand.u32 $0x7F, v30;
	v7 =	vand.u32 $0xFFFFFE00, v7;
	s2 =	sand.u32 $0x3FFFFC00, s23;
	v16 =	vmul.f32 v17, v16;
	v17 =	vld [tilespmem:s21+$0x0]  }
0x431: {  	s0 =	sor.u32 s18, s2;
	v23 =	vor.u32 v15, v7;
	v19 =	vld [tilespmem:s21+$0x180]  }
0x432: {  	s25 =	simm.s32 $0x120;
	v4 =	vmul.f32 v4, v5;
	v5 =	vshll.u32 v8, $0x2;
	v54 =	vld [tilespmem:s0+$0x0];
	v9 =	vadd.f32 v9, v27  }
0x433: {  	s16 =	sand.u32 $0x60, s25;
	v8 =	vand.u32 $0x7F, v8;
	v5 =	vand.u32 $0xFFFFFE00, v5;
	v15 =	vld [tilespmem:s21+$0x300]  }
0x434: {  	s9 =	sor.u32 s16, s2;
	v7 =	vmax.f32 v16, $1.000000000e-30;
	v27 =	vld.idx.msk [tilespmem:v3+s3+$0x0], $0xffff;
	v3 =	vor.u32 v8, v5;
	v2 =	vadd.f32 v2, v9  }
0x435: {  	s22 =	sor.u32 s19, s4;
	v16 =	vshra.s32 v7, $0x1;
	v24 =	vmul.f32 $5.000000000e-01, v7;
	v14 =	vsub.f32 v29, v14;
	v29 =	vld [tilespmem:s9+$0x180]  }
0x436: {  	v5 =	vsub.s32 $0x5F3759DF, v16;
	v7 =	vadd.f32 v19, v17;
	v19 =	vld.idx.msk [tilespmem:v23+s3+$0x0], $0xffff;
	[tilespmem:s22+$0x0] =	vst v2  }
0x437: {  	v6 =	vmul.f32 v5, v24;
	v8 =	vld [tilespmem:s20+$0x80]  }
0x438: {  	v4 =	vmax.f32 v4, $-1.000000000e+00;
	v9 =	vand.u32 $0x7F, v25;
	v2 =	vshll.u32 v25, $0x2;
	v25 =	vld [tilespmem:s20+$0x200]  }
0x439: {  	v17 =	vor.u32 $0x80, v3;
	v6 =	vmul.f32 v5, v6;
	v15 =	vadd.f32 v15, v7;
	v47 =	vld.idx.msk [tilespmem:v3+s3+$0x0], $0xffff  }
0x43a: {  	s4 =	sor.u32 s6, s4;
	v30 =	vmin.f32 v4, $1.000000000e+00;
	v4 =	vshll.u32 v44, $0x2;
	v46 =	vor.u32 $0x80, v23;
	v48 =	vld [tilespmem:s20+$0x380]  }
0x43b: {  	v2 =	vand.u32 $0xFFFFFE00, v2;
	v21 =	vsub.f32 v21, v27;
	v27 =	vld [tilespmem:s9+$0x0];
	v6 =	vsub.f32 $1.500000000e+00, v6;
	[tilespmem:s4+$0x0] =	vst v15  }
0x43c: {  	v4 =	vand.u32 $0xFFFFFE00, v4;
	v16 =	vand.u32 $0x7F, v44;
	v10 =	vor.u32 v9, v2;
	v50 =	vld [tilespmem:s21+$0x80]  }
0x43d: {  	v9 =	vor.u32 v16, v4;
	v49 =	vmul.f32 v5, v6;
	v6 =	vor.u32 $0x100, v23;
	v23 =	vld [tilespmem:s21+$0x200]  }
0x43e: {  	v18 =	vmul.f32 v18, v26;
	v20 =	vmul.f32 v20, v31;
	v16 =	vor.u32 $0x80, v10;
	v17 =	vld.idx.msk [tilespmem:v17+s3+$0x0], $0xffff  }
0x43f: {  	v15 =	vor.u32 $0x80, v9;
	v5 =	vmul.f32 v49, v24;
	v24 =	vld [tilespmem:s21+$0x380]  }
0x440: {  	v18 =	vadd.f32 v20, v18;
	v25 =	vadd.f32 v25, v8;
	v8 =	vld.idx.msk [tilespmem:v46+s3+$0x0], $0xffff  }
0x441: {  	v20 =	vmul.f32 v28, v22;
	v2 =	vor.u32 $0x100, v3;
	v3 =	vor.u32 $0x100, v10;
	v10 =	vld.idx.msk [tilespmem:v10+s3+$0x0], $0xffff  }
0x442: {  	v51 =	vmul.f32 v14, v14;
	v7 =	vand.u32 $0x7FFFFFFF, v30;
	v4 =	vor.u32 $0x100, v9;
	v9 =	vld.idx.msk [tilespmem:v9+s3+$0x0], $0xffff  }
0x443: {  	v26 =	vmul.f32 v5, v49;
	v25 =	vadd.f32 v48, v25;
	v5 =	vsub.f32 $1.000000000e+00, v7;
	v16 =	vld.idx.msk [tilespmem:v16+s3+$0x0], $0xffff  }
0x444: {  	vm0 =	vlt.f32 v30, $0.0e+00;
	v18 =	vadd.f32 v20, v18;
	v12 =	vadd.f32 v51, v12;
	v15 =	vld.idx.msk [tilespmem:v15+s3+$0x0], $0xffff  }
0x445: {  	v23 =	vadd.f32 v23, v50;
	v22 =	vsub.f32 $1.500000000e+00, v26;
	v26 =	vld [tilespmem:s9+$0x300];
	[tilespmem:s22+$0x80] =	vst v25;
	v28 =	vmax.f32 v5, $1.000000000e-30  }
0x446: {  	v31 =	vmul.f32 $1.872929930e-02, v7;
	v25 =	vmul.f32 v21, v21;
	v52 =	vld [tilespmem:s20+$0x100];
	v53 =	vshra.s32 v28, $0x1  }
0x447: {  	s26 =	sor.u32 s19, s7;
	v23 =	vadd.f32 v24, v23;
	v8 =	vsub.f32 v8, v17;
	v20 =	vmul.f32 v22, v49;
	v22 =	vld [tilespmem:s20+$0x280]  }
0x448: {  	v24 =	vld [tilespmem:s26+$0x0];
	v25 =	vadd.f32 v25, v11;
	v11 =	vsub.f32 v19, v47;
	v19 =	vmul.f32 v14, v21  }
0x449: {  	v21 =	vld [tilespmem:s0+$0x180];
	v9 =	vsub.f32 v10, v9;
	[tilespmem:s4+$0x80] =	vst v23;
	v23 =	vsub.s32 $0x5F3759DF, v53;
	v15 =	vsub.f32 v16, v15  }
0x44a: {  	v16 =	vmul.f32 v8, v8;
	v18 =	vmul.f32 v20, v18;
	v20 =	vadd.f32 v29, v27  }
0x44b: {  	s29 =	simm.s32 $0x400;
	v27 =	vmul.f32 $5.000000000e-01, v28;
	v12 =	vmul.f32 v12, v25;
	v19 =	vadd.f32 v19, v13  }
0x44c: {  	s30 =	sand.u32 $0x3FFFFE00, s29;
	v14 =	vmax.f32 v18, $-1.000000000e+00;
	v18 =	vld [tilespmem:s0+$0x300];
	v20 =	vadd.f32 v26, v20;
	v22 =	vadd.f32 v22, v52  }
0x44d: {  	s20 =	sadd.s32 $0x8800, s30;
	v28 =	vmul.f32 v23, v27;
	v12 =	vmax.f32 v12, $1.000000000e-30;
	v14 =	vmin.f32 v14, $1.000000000e+00  }
0x44e: {  	s12 =	simm.s32 $0x180;
	s8 =	sor.u32 s16, s20;
	v25 =	vld [tilespmem:s21+$0x100];
	v21 =	vadd.f32 v21, v54;
	v29 =	vand.u32 $0x7FFFFFFF, v14;
	v22 =	vadd.f32 v24, v22  }
0x44f: {  	s13 =	simm.s32 $0x70;
	s31 =	sand.u32 $0x600, s12;
	[tilespmem:s8+$0x0] =	vst v20;
	v20 =	vld [tilespmem:s21+$0x280];
	v24 =	vsub.f32 $7.426100220e-02, v31;
	v31 =	vshra.s32 v12, $0x1;
	v12 =	vmul.f32 $5.000000000e-01, v12  }
0x450: {  	s17 =	sand.u32 $0x70, s13;
	s15 =	sor.u32 $0x8000, s31;
	v28 =	vmul.f32 v23, v28;
	v55 =	vsub.f32 $1.000000000e+00, v29;
	v57 =	vld [tilespmem:s9+$0x80];
	v31 =	vsub.s32 $0x5F3759DF, v31  }
0x451: {  	s19 =	sor.u32 s17, s15;
	vm1 =	vlt.f32 v14, $0.0e+00;
	v59 =	vld [tilespmem:s9+$0x200];
	[tilespmem:s22+$0x100] =	vst v22;
	v22 =	vmul.f32 v31, v12;
	v18 =	vadd.f32 v18, v21  }
0x452: {  	s21 =	sor.u32 s18, s20;
	v58 =	vmax.f32 v55, $1.000000000e-30;
	v13 =	vmul.f32 v24, v7;
	v24 =	vsub.f32 $1.500000000e+00, v28;
	v61 =	vld [tilespmem:s19+$0x0]  }
0x453: {  	v60 =	vshra.s32 v58, $0x1;
	v32 =	vmul.f32 $5.000000000e-01, v58;
	v22 =	vmul.f32 v31, v22;
	[tilespmem:s21+$0x0] =	vst v18;
	v18 =	vld [tilespmem:s19+$0x100]  }
0x454: {  	v44 =	vmul.f32 $1.872929930e-02, v29;
	v21 =	vsub.s32 $0x5F3759DF, v60;
	v23 =	vmul.f32 v23, v24  }
0x455: {  	v56 =	vld [tilespmem:s9+$0x380];
	v20 =	vadd.f32 v20, v25;
	v30 =	vmul.f32 v21, v32;
	v22 =	vsub.f32 $1.500000000e+00, v22  }
0x456: {  	v13 =	vadd.f32 $-2.121143940e-01, v13;
	v35 =	vadd.f32 v59, v57;
	v27 =	vmul.f32 v23, v27  }
0x457: {  	v62 =	vld [tilespmem:s19+$0x80];
	v28 =	vmul.f32 v21, v30;
	v22 =	vmul.f32 v31, v22;
	v40 =	vand.u32 $0x7F, v61  }
0x458: {  	v24 =	vld [tilespmem:s0+$0x200];
	v38 =	vshll.u32 v61, $0x2;
	v46 =	vand.u32 $0x7F, v18;
	v18 =	vshll.u32 v18, $0x2  }
0x459: {  	v30 =	vld [tilespmem:s0+$0x80];
	v25 =	vsub.f32 $1.500000000e+00, v28;
	v43 =	vand.u32 $0xFFFFFE00, v38;
	v18 =	vand.u32 $0xFFFFFE00, v18  }
0x45a: {  	s23 =	sor.u32 s6, s7;
	v63 =	vld [tilespmem:s19+$0x180];
	v31 =	vadd.f32 v56, v35;
	v34 =	vor.u32 v40, v43;
	v18 =	vor.u32 v46, v18  }
0x45b: {  	v42 =	vld [tilespmem:s23+$0x0];
	s22 =	sadd.s32 $0x2000, s2;
	v7 =	vmul.f32 v13, v7;
	v21 =	vmul.f32 v21, v25;
	v50 =	vor.u32 $0x100, v34  }
0x45c: {  	s24 =	sor.u32 s16, s22;
	v41 =	vand.u32 $0x7F, v62;
	v27 =	vmul.f32 v27, v23;
	v28 =	vld [tilespmem:s0+$0x380];
	[tilespmem:s8+$0x80] =	vst v31;
	v25 =	vshll.u32 v62, $0x2  }
0x45d: {  	v48 =	vld [tilespmem:s24+$0x0];
	v25 =	vand.u32 $0xFFFFFE00, v25;
	v54 =	vor.u32 $0x80, v18;
	v32 =	vmul.f32 v21, v32  }
0x45e: {  	v38 =	vsub.f32 $7.426100220e-02, v44;
	v24 =	vadd.f32 v24, v30;
	v30 =	vld [tilespmem:s9+$0x280];
	v25 =	vor.u32 v41, v25  }
0x45f: {  	v45 =	vand.u32 $0x7F, v63;
	v39 =	vshll.u32 v63, $0x2;
	v31 =	vmul.f32 v32, v21;
	v17 =	vld.idx.msk [tilespmem:v18+s3+$0x0], $0xffff  }
0x460: {  	v47 =	vand.u32 $0xFFFFFE00, v39;
	v27 =	vsub.f32 $1.500000000e+00, v27;
	v38 =	vmul.f32 v38, v29;
	v10 =	vld.idx.msk [tilespmem:v50+s3+$0x0], $0xffff  }
0x461: {  	v51 =	vor.u32 $0x100, v25;
	v24 =	vadd.f32 v28, v24;
	v13 =	vsub.f32 $1.500000000e+00, v31;
	v31 =	vld [tilespmem:s9+$0x100]  }
0x462: {  	v14 =	vmul.f32 v27, v23;
	v49 =	vadd.f32 $-2.121143940e-01, v38;
	v32 =	vor.u32 v45, v47;
	v38 =	vld.idx.msk [tilespmem:v54+s3+$0x0], $0xffff  }
0x463: {  	v8 =	vmul.f32 v15, v8;
	v26 =	vmul.f32 v11, v11;
	[tilespmem:s21+$0x80] =	vst v24;
	v52 =	vld.idx.msk [tilespmem:v25+s3+$0x0], $0xffff;
	v25 =	vor.u32 $0x80, v25  }
0x464: {  	v12 =	vmul.f32 v22, v12;
	v59 =	vmul.f32 v14, v5;
	v53 =	vor.u32 $0x80, v32;
	v5 =	vld [tilespmem:s0+$0x280]  }
0x465: {  	v29 =	vmul.f32 v49, v29;
	v13 =	vmul.f32 v13, v21;
	v21 =	vld.idx.msk [tilespmem:v34+s3+$0x0], $0xffff;
	v34 =	vor.u32 $0x80, v34  }
0x466: {  	v20 =	vadd.f32 v42, v20;
	v12 =	vmul.f32 v12, v22;
	v18 =	vor.u32 $0x100, v18;
	v36 =	vld.idx.msk [tilespmem:v51+s3+$0x0], $0xffff  }
0x467: {  	v29 =	vadd.f32 $1.570728780e+00, v29;
	v28 =	vld.idx.msk [tilespmem:v32+s3+$0x0], $0xffff;
	v32 =	vor.u32 $0x100, v32;
	v13 =	vmul.f32 v13, v55  }
0x468: {  	v58 =	vadd.f32 $1.570728780e+00, v7;
	v56 =	vsub.f32 $1.500000000e+00, v12;
	v55 =	vmul.f32 v9, v9;
	v25 =	vld.idx.msk [tilespmem:v25+s3+$0x0], $0xffff  }
0x469: {  	v9 =	vmul.f32 v9, v11;
	v29 =	vmul.f32 v13, v29;
	v13 =	vadd.f32 v16, v26;
	v26 =	vld.idx.msk [tilespmem:v53+s3+$0x0], $0xffff  }
0x46a: {  	v16 =	vmul.f32 v15, v15;
	v15 =	vmul.f32 v56, v22;
	v22 =	vadd.f32 v30, v31;
	v34 =	vld.idx.msk [tilespmem:v34+s3+$0x0], $0xffff  }
0x46b: {  	v23 =	vld.idx.msk [tilespmem:v18+s3+$0x0], $0xffff;
	v8 =	vadd.f32 v8, v9;
	v11 =	vsub.f32 $3.141592740e+00, v29  }
0x46c: {  	v14 =	vsub.f32 v10, v36;
	v12 =	vadd.f32 v16, v55;
	v16 =	vld.idx.msk [tilespmem:v32+s3+$0x0], $0xffff  }
0x46d: {  	s9 =	simm.s32 $0x60;
	v9 =	vld [tilespmem:s0+$0x100];
	v7 =	vadd.f32 v48, v22;
	v57 =	vsel vm1, v11, v29;
	v11 =	vmul.f32 v15, v19  }
0x46e: {  	vm0 =	vmmov vm0;
	s29 =	sor.u32 s18, s22;
	s26 =	sand.u32 $0x60, s9;
	v18 =	vsub.f32 v28, v17;
	v15 =	vsub.f32 v21, v52  }
0x46f: {  	[tilespmem:s4+$0x100] =	vst v20;
	v20 =	vld [tilespmem:s29+$0x0];
	s30 =	sor.u32 s26, s15;
	v19 =	vsub.f32 v26, v38;
	v11 =	vmax.f32 v11, $-1.000000000e+00;
	v17 =	vsub.f32 v34, v25  }
0x470: {  	v22 =	vmul.f32 v18, v18;
	v10 =	vmul.f32 v15, v15;
	v60 =	vmin.f32 v11, $1.000000000e+00;
	v11 =	vld [tilespmem:s30+$0x80]  }
0x471: {  	v21 =	vld [tilespmem:s30+$0x0];
	v16 =	vsub.f32 v16, v23;
	v25 =	vmul.f32 v19, v19;
	v23 =	vmul.f32 v17, v17  }
0x472: {  	s16 =	sor.u32 $0x10, s16;
	v27 =	vmul.f32 v14, v14;
	v9 =	vadd.f32 v5, v9;
	v26 =	vld [tilespmem:s30+$0x180];
	v5 =	vand.u32 $0x7FFFFFFF, v60  }
0x473: {  	s19 =	simm.s32 $0x20;
	v24 =	vld [tilespmem:s30+$0x100];
	s0 =	sor.u32 s16, s2;
	[tilespmem:s8+$0x100] =	vst v7;
	v7 =	vadd.f32 v23, v10;
	v10 =	vadd.f32 v25, v22;
	v22 =	vmul.f32 v16, v16  }
0x474: {  	[tilespmem:s19+$0xAA10] =	vst v1;
	v9 =	vadd.f32 v20, v9;
	v20 =	vld [tilespmem:s0+$0x0];
	vm1 =	vlt.f32 v60, $0.0e+00;
	v1 =	vsub.f32 $1.000000000e+00, v5  }
0x475: {  	v25 =	vld [tilespmem:s0+$0x180];
	v28 =	vshll.u32 v11, $0x2;
	v7 =	vadd.f32 v27, v7;
	v10 =	vadd.f32 v22, v10  }
0x476: {  	s31 =	sor.u32 $0x10, s18;
	v23 =	vand.u32 $0x7F, v21;
	v21 =	vshll.u32 v21, $0x2;
	v22 =	vand.u32 $0xFFFFFE00, v28;
	v28 =	vld.idx.msk [tilespmem:v6+s3+$0x0], $0xffff  }
0x477: {  	s18 =	sor.u32 s31, s2;
	[tilespmem:s21+$0x100] =	vst v9;
	v9 =	vshll.u32 v26, $0x2;
	v26 =	vand.u32 $0x7F, v26;
	v6 =	vld [tilespmem:s0+$0x300];
	v7 =	vmul.f32 v10, v7  }
0x478: {  	v30 =	vld [tilespmem:s18+$0x180];
	v21 =	vand.u32 $0xFFFFFE00, v21;
	v9 =	vand.u32 $0xFFFFFE00, v9;
	v27 =	vshll.u32 v24, $0x2  }
0x479: {  	v21 =	vor.u32 v23, v21;
	v23 =	vand.u32 $0x7F, v24;
	v10 =	vld [tilespmem:s18+$0x0];
	v7 =	vmax.f32 v7, $1.000000000e-30  }
0x47a: {  	v29 =	vld.idx.msk [tilespmem:v4+s3+$0x0], $0xffff;
	v20 =	vadd.f32 v25, v20;
	v25 =	vshra.s32 v7, $0x1;
	v24 =	vmul.f32 $5.000000000e-01, v7  }
0x47b: {  	v31 =	vld [tilespmem:s18+$0x300];
	v11 =	vand.u32 $0x7F, v11;
	v27 =	vand.u32 $0xFFFFFE00, v27;
	v62 =	vsub.s32 $0x5F3759DF, v25  }
0x47c: {  	v61 =	vor.u32 v11, v22;
	v25 =	vld.idx.msk [tilespmem:v2+s3+$0x0], $0xffff;
	v2 =	vadd.f32 v6, v20;
	v20 =	vmul.f32 v62, v24  }
0x47d: {  	s6 =	sor.u32 s16, s20;
	v4 =	vor.u32 $0x100, v21;
	v7 =	vor.u32 v26, v9;
	v6 =	vor.u32 v23, v27;
	v27 =	vld.idx.msk [tilespmem:v3+s3+$0x0], $0xffff  }
0x47e: {  	v22 =	vor.u32 $0x80, v21;
	v23 =	vld.idx.msk [tilespmem:v21+s3+$0x0], $0xffff;
	v26 =	vadd.f32 v30, v10;
	[tilespmem:s6+$0x0] =	vst v2;
	v20 =	vmul.f32 v62, v20  }
0x47f: {  	s28 =	simm.s32 $0x40;
	v11 =	vor.u32 $0x80, v61;
	v9 =	vor.u32 $0x80, v7;
	v3 =	vor.u32 $0x100, v61;
	v30 =	vld [tilespmem:s0+$0x80]  }
0x480: {  	[tilespmem:s28+$0xAA10] =	vst v57;
	s21 =	simm.s32 $0x0;
	v21 =	vmul.f32 $1.872929930e-02, v5;
	v63 =	vadd.f32 v31, v26;
	v31 =	vld [tilespmem:s0+$0x200];
	v20 =	vsub.f32 $1.500000000e+00, v20  }
0x481: {  	s7 =	sor.u32 s31, s20;
	s26 =	simm.s32 $0x80;
	[tilespmem:s21+$0xAA10] =	vst v0;
	v10 =	vor.u32 $0x80, v6;
	v0 =	vor.u32 $0x100, v6;
	v26 =	vld.idx.msk [tilespmem:v61+s3+$0x0], $0xffff;
	v25 =	vsub.f32 v28, v25  }
0x482: {  	s23 =	simm.s32 $0x180;
	s24 =	sor.u32 s31, s22;
	s20 =	sand.u32 $0x60, s26;
	v2 =	vor.u32 $0x100, v7;
	v32 =	vld [tilespmem:s0+$0x380];
	[tilespmem:s7+$0x0] =	vst v63;
	v28 =	vmul.f32 v62, v20;
	v20 =	vmul.f32 v59, v58  }
.LBB2_7:
0x483: {  	v33 =	vld [tilespmem:s18+$0x80];
	v27 =	vsub.f32 v27, v29;
	v29 =	vmul.f32 v25, v25;
	v34 =	vmax.f32 v1, $1.000000000e-30;
	s8 =	smov.u32 s26;
	s26 =	sadd.s32 $0x20, s26  }
0x484: {  	s25 =	sadd.s32 $0x40, s25;
	s2 =	sshll.u32 s26, $0x4;
	s5 =	sand.u32 $0x60, s26;
	v35 =	vld [tilespmem:s18+$0x200];
	v24 =	vmul.f32 v28, v24;
	v36 =	vshra.s32 v34, $0x1;
	v34 =	vmul.f32 $5.000000000e-01, v34  }
0x485: {  	s4 =	sadd.s32 $0xFFFFFFE0, s25;
	s30 =	sand.u32 $0x60, s25;
	s29 =	sand.u32 $0x3FFFFC00, s2;
	v37 =	vld [tilespmem:s18+$0x380];
	v30 =	vadd.f32 v31, v30;
	v31 =	vmul.f32 v18, v15;
	v38 =	vmul.f32 v27, v27  }
0x486: {  	v17 =	vmul.f32 v19, v17;
	p0 =	slt.u32 s26, $0x1E0;
	s17 =	sand.u32 $0x40, s4;
	s15 =	sor.u32 s30, s29;
	v18 =	vld.idx.msk [tilespmem:v22+s3+$0x0], $0xffff;
	v19 =	vmul.f32 v24, v28;
	v22 =	vadd.f32 v29, v13  }
0x487: {  	s4 =	sor.u32 s17, s29;
	s13 =	sor.u32 $0x10, s17;
	v15 =	vsub.f32 v23, v26;
	v23 =	vmul.f32 v27, v25;
	v24 =	vld [tilespmem:s15+$0x0];
	v13 =	vadd.f32 v32, v30  }
0x488: {  	v14 =	vmul.f32 v16, v14;
	s10 =	sor.u32 s13, s29;
	v17 =	vadd.f32 v17, v31;
	v25 =	vld [tilespmem:s15+$0x180];
	v16 =	vsub.f32 $1.500000000e+00, v19  }
0x489: {  	v12 =	vadd.f32 v38, v12;
	v19 =	vld [tilespmem:s15+$0x300];
	v26 =	vadd.f32 v35, v33;
	[tilespmem:s6+$0x80] =	vst v13;
	v13 =	vmul.f32 v15, v15  }
0x48a: {  	v17 =	vadd.f32 v14, v17;
	v14 =	vadd.f32 v23, v8;
	v27 =	vld [tilespmem:s0+$0x100];
	v16 =	vmul.f32 v16, v28  }
0x48b: {  	v12 =	vmul.f32 v12, v22;
	v22 =	vsub.s32 $0x5F3759DF, v36;
	v8 =	vadd.f32 v37, v26;
	v23 =	vld [tilespmem:s0+$0x280]  }
0x48c: {  	v21 =	vsub.f32 $7.426100220e-02, v21;
	s0 =	sor.u32 s16, s22;
	v26 =	vld [tilespmem:s4+$0x0];
	v16 =	vmul.f32 v16, v17;
	v17 =	vmul.f32 v22, v34  }
0x48d: {  	s2 =	sshll.u32 s26, $0x3;
	v24 =	vadd.f32 v25, v24;
	[tilespmem:s7+$0x80] =	vst v8;
	v25 =	vld [tilespmem:s0+$0x0];
	v8 =	vmax.f32 v12, $1.000000000e-30;
	v12 =	vsub.f32 $3.141592740e+00, v20  }
0x48e: {  	s0 =	sand.u32 $0x3FFFFE00, s2;
	v28 =	vld [tilespmem:s4+$0x180];
	v16 =	vmax.f32 v16, $-1.000000000e+00;
	v29 =	vshra.s32 v8, $0x1;
	v30 =	vmul.f32 $5.000000000e-01, v8  }
0x48f: {  	s2 =	sadd.s32 $0x8800, s0;
	v31 =	vld [tilespmem:s4+$0x300];
	v19 =	vadd.f32 v19, v24;
	v8 =	vmin.f32 v16, $1.000000000e+00;
	v24 =	vsub.s32 $0x5F3759DF, v29  }
0x490: {  	s31 =	sor.u32 s17, s2;
	s14 =	sor.u32 s13, s2;
	s0 =	sor.u32 s30, s2;
	v29 =	vld [tilespmem:s18+$0x100];
	v16 =	vadd.f32 v23, v27;
	v23 =	vand.u32 $0x7FFFFFFF, v8;
	v27 =	vmul.f32 v24, v30  }
0x491: {  	s12 =	sadd.s32 $0x80, s12;
	v21 =	vmul.f32 v21, v5;
	v17 =	vmul.f32 v22, v17;
	[tilespmem:s0+$0x0] =	vst v19;
	v19 =	vld [tilespmem:s18+$0x280];
	v32 =	vsub.f32 $1.000000000e+00, v23;
	s18 =	smov.u32 s10  }
0x492: {  	s16 =	sadd.s32 $0x30, s9;
	s9 =	smov.u32 s8;
	v12 =	vsel vm0, v12, v20;
	s10 =	sand.u32 $0x600, s12;
	v33 =	vld [tilespmem:s15+$0x380];
	v16 =	vadd.f32 v25, v16;
	v25 =	vmul.f32 v24, v27  }
0x493: {  	s16 =	sand.u32 $0x70, s16;
	v17 =	vsub.f32 $1.500000000e+00, v17;
	s10 =	sor.u32 $0x8000, s10;
	v20 =	vadd.f32 v28, v26;
	v26 =	vld [tilespmem:s15+$0x80];
	v27 =	vmax.f32 v32, $1.000000000e-30  }
0x494: {  	s8 =	sor.u32 s20, s10;
	s20 =	smov.u32 s5;
	v28 =	vld [tilespmem:s15+$0x200];
	[tilespmem:s6+$0x100] =	vst v16;
	s6 =	sor.u32 s16, s10;
	v16 =	vshra.s32 v27, $0x1;
	v27 =	vmul.f32 $5.000000000e-01, v27;
	v25 =	vsub.f32 $1.500000000e+00, v25  }
0x495: {  	v20 =	vadd.f32 v31, v20;
	v31 =	vld [tilespmem:s6+$0x0];
	v35 =	vsub.s32 $0x5F3759DF, v16;
	v16 =	vmul.f32 v22, v17;
	[tilespmem:s21+$0xAA00] =	vst v12;
	s21 =	smov.u32 s19;
	s19 =	smov.u32 s28  }
0x496: {  	v12 =	vadd.f32 v19, v29;
	v19 =	vld [tilespmem:s6+$0x80];
	v22 =	vmul.f32 v35, v27;
	v17 =	vmul.f32 v24, v25  }
0x497: {  	v21 =	vadd.f32 $-2.121143940e-01, v21;
	vm0 =	vmmov vm1;
	[tilespmem:s31+$0x0] =	vst v20;
	v20 =	vld [tilespmem:s6+$0x180];
	v24 =	vmul.f32 v16, v34  }
0x498: {  	v25 =	vld [tilespmem:s6+$0x100];
	v22 =	vmul.f32 v35, v22;
	v29 =	vmul.f32 v17, v30  }
0x499: {  	v5 =	vmul.f32 v21, v5;
	v30 =	vld [tilespmem:s4+$0x80];
	v26 =	vadd.f32 v28, v26;
	v24 =	vmul.f32 v24, v16  }
0x49a: {  	v21 =	vld [tilespmem:s4+$0x200];
	v22 =	vsub.f32 $1.500000000e+00, v22;
	v28 =	vmul.f32 v29, v17  }
0x49b: {  	v29 =	vld [tilespmem:s4+$0x380];
	v26 =	vadd.f32 v33, v26;
	v33 =	vand.u32 $0x7F, v31;
	v34 =	vand.u32 $0x7F, v19  }
0x49c: {  	v36 =	vld [tilespmem:s24+$0x0];
	v37 =	vand.u32 $0x7F, v20;
	v22 =	vmul.f32 v35, v22;
	v35 =	vmul.f32 $1.872929930e-02, v23  }
0x49d: {  	v31 =	vshll.u32 v31, $0x2;
	v19 =	vshll.u32 v19, $0x2;
	v38 =	vand.u32 $0x7F, v25;
	v11 =	vld.idx.msk [tilespmem:v11+s3+$0x0], $0xffff  }
0x49e: {  	v20 =	vshll.u32 v20, $0x2;
	v9 =	vld.idx.msk [tilespmem:v9+s3+$0x0], $0xffff;
	v27 =	vmul.f32 v22, v27;
	v35 =	vsub.f32 $7.426100220e-02, v35  }
0x49f: {  	v31 =	vand.u32 $0xFFFFFE00, v31;
	v19 =	vand.u32 $0xFFFFFE00, v19;
	v25 =	vshll.u32 v25, $0x2;
	v10 =	vld.idx.msk [tilespmem:v10+s3+$0x0], $0xffff  }
0x4a0: {  	s22 =	sadd.s32 $0x2000, s29;
	v31 =	vor.u32 v33, v31;
	v7 =	vld.idx.msk [tilespmem:v7+s3+$0x0], $0xffff;
	v27 =	vmul.f32 v27, v22;
	v33 =	vmul.f32 v35, v23  }
0x4a1: {  	s5 =	sor.u32 s17, s22;
	s6 =	sor.u32 s30, s22;
	s24 =	sor.u32 s13, s22;
	v19 =	vor.u32 v34, v19;
	v20 =	vand.u32 $0xFFFFFE00, v20;
	v25 =	vand.u32 $0xFFFFFE00, v25;
	[tilespmem:s0+$0x80] =	vst v26;
	v6 =	vld.idx.msk [tilespmem:v6+s3+$0x0], $0xffff  }
0x4a2: {  	v20 =	vor.u32 v37, v20;
	v26 =	vld [tilespmem:s6+$0x0];
	v27 =	vsub.f32 $1.500000000e+00, v27;
	v33 =	vadd.f32 $-2.121143940e-01, v33  }
0x4a3: {  	v21 =	vadd.f32 v21, v30;
	v25 =	vor.u32 v38, v25;
	v12 =	vadd.f32 v36, v12;
	v30 =	vld [tilespmem:s15+$0x100]  }
0x4a4: {  	v35 =	vor.u32 $0x100, v31;
	v34 =	vld [tilespmem:s15+$0x280];
	v22 =	vmul.f32 v27, v22;
	v23 =	vmul.f32 v33, v23  }
0x4a5: {  	v21 =	vadd.f32 v29, v21;
	v11 =	vsub.f32 v18, v11;
	[tilespmem:s7+$0x100] =	vst v12;
	v27 =	vld.idx.msk [tilespmem:v31+s3+$0x0], $0xffff;
	v12 =	vor.u32 $0x100, v19;
	s7 =	smov.u32 s14  }
0x4a6: {  	v29 =	vor.u32 $0x80, v31;
	v18 =	vld.idx.msk [tilespmem:v19+s3+$0x0], $0xffff;
	v22 =	vmul.f32 v22, v32;
	v23 =	vadd.f32 $1.570728780e+00, v23  }
0x4a7: {  	v19 =	vor.u32 $0x80, v19;
	v6 =	vsub.f32 v7, v6;
	v7 =	vsub.f32 v9, v10;
	[tilespmem:s31+$0x80] =	vst v21;
	v21 =	vld.idx.msk [tilespmem:v20+s3+$0x0], $0xffff  }
0x4a8: {  	v31 =	vmul.f32 v11, v11;
	v10 =	vor.u32 $0x80, v20;
	v9 =	vld.idx.msk [tilespmem:v25+s3+$0x0], $0xffff;
	v22 =	vmul.f32 v22, v23  }
0x4a9: {  	v32 =	vor.u32 $0x80, v25;
	v33 =	vmul.f32 v6, v6;
	v23 =	vld.idx.msk [tilespmem:v35+s3+$0x0], $0xffff;
	v35 =	vmul.f32 v7, v7  }
0x4aa: {  	v20 =	vor.u32 $0x100, v20;
	v13 =	vadd.f32 v31, v13;
	v36 =	vld.idx.msk [tilespmem:v12+s3+$0x0], $0xffff;
	v31 =	vsub.f32 $3.141592740e+00, v22  }
0x4ab: {  	vm1 =	vlt.f32 v8, $0.0e+00;
	v25 =	vor.u32 $0x100, v25;
	v29 =	vld.idx.msk [tilespmem:v29+s3+$0x0], $0xffff;
	v12 =	vadd.f32 v35, v33  }
0x4ac: {  	s28 =	sshra.s32 s23, $0x2;
	s23 =	smov.u32 s12;
	v6 =	vmul.f32 v6, v15;
	v7 =	vmul.f32 v7, v11;
	v19 =	vld.idx.msk [tilespmem:v19+s3+$0x0], $0xffff;
	v8 =	vsel vm1, v31, v22  }
0x4ad: {  	v15 =	vsub.f32 $1.500000000e+00, v24;
	v11 =	vsub.f32 $1.500000000e+00, v28;
	v10 =	vld.idx.msk [tilespmem:v10+s3+$0x0], $0xffff;
	[tilespmem:s28+$0xAA10] =	vst v8  }
0x4ae: {  	v33 =	vadd.f32 $1.570728780e+00, v5;
	v8 =	vadd.f32 v7, v6;
	v22 =	vld.idx.msk [tilespmem:v32+s3+$0x0], $0xffff  }
0x4af: {  	v6 =	vmul.f32 v11, v17;
	v7 =	vmul.f32 v15, v16;
	v5 =	vld.idx.msk [tilespmem:v20+s3+$0x0], $0xffff  }
0x4b0: {  	v11 =	vadd.f32 v34, v30;
	v16 =	vld.idx.msk [tilespmem:v25+s3+$0x0], $0xffff  }
0x4b1: {  	v6 =	vmul.f32 v6, v14;
	v34 =	vmul.f32 v7, v1;
	v20 =	vld [tilespmem:s4+$0x100]  }
0x4b2: {  	v7 =	vadd.f32 v26, v11;
	v1 =	vld [tilespmem:s4+$0x280]  }
0x4b3: {  	v15 =	vsub.f32 v27, v18;
	v18 =	vsub.f32 v21, v9;
	v6 =	vmax.f32 v6, $-1.000000000e+00;
	v11 =	vld [tilespmem:s5+$0x0]  }
0x4b4: {  	v17 =	vsub.f32 v29, v19;
	v35 =	vmin.f32 v6, $1.000000000e+00;
	v19 =	vsub.f32 v10, v22;
	v9 =	vld [tilespmem:s8+$0x0]  }
0x4b5: {  	v14 =	vsub.f32 v23, v36;
	v21 =	vmul.f32 v18, v18;
	v10 =	vmul.f32 v15, v15;
	v6 =	vld [tilespmem:s8+$0x80]  }
0x4b6: {  	v23 =	vmul.f32 v17, v17;
	v16 =	vsub.f32 v5, v16;
	v24 =	vmul.f32 v19, v19;
	v22 =	vld [tilespmem:s8+$0x100]  }
0x4b7: {  	s16 =	sor.u32 $0x10, s30;
	v25 =	vmul.f32 v14, v14;
	v5 =	vand.u32 $0x7FFFFFFF, v35;
	v1 =	vadd.f32 v1, v20;
	v20 =	vld [tilespmem:s8+$0x180]  }
0x4b8: {  	[tilespmem:s0+$0x100] =	vst v7;
	s0 =	sor.u32 s16, s29;
	v7 =	vadd.f32 v23, v10;
	v10 =	vadd.f32 v24, v21;
	v21 =	vmul.f32 v16, v16  }
0x4b9: {  	v1 =	vadd.f32 v11, v1;
	v11 =	vld [tilespmem:s0+$0x0];
	v23 =	vand.u32 $0x7F, v9;
	v9 =	vshll.u32 v9, $0x2  }
0x4ba: {  	v24 =	vld [tilespmem:s0+$0x180];
	v26 =	vshll.u32 v6, $0x2;
	v7 =	vadd.f32 v25, v7;
	v10 =	vadd.f32 v21, v10  }
0x4bb: {  	[tilespmem:s31+$0x100] =	vst v1;
	v1 =	vand.u32 $0xFFFFFE00, v9;
	v9 =	vand.u32 $0xFFFFFE00, v26;
	v21 =	vshll.u32 v22, $0x2;
	v25 =	vld.idx.msk [tilespmem:v4+s3+$0x0], $0xffff  }
0x4bc: {  	v4 =	vld [tilespmem:s0+$0x300];
	v26 =	vshll.u32 v20, $0x2;
	v21 =	vand.u32 $0xFFFFFE00, v21;
	v7 =	vmul.f32 v10, v7  }
0x4bd: {  	v6 =	vand.u32 $0x7F, v6;
	v20 =	vand.u32 $0x7F, v20;
	v10 =	vld [tilespmem:s18+$0x0];
	v26 =	vand.u32 $0xFFFFFE00, v26  }
0x4be: {  	v22 =	vand.u32 $0x7F, v22;
	v1 =	vor.u32 v23, v1;
	v28 =	vld [tilespmem:s18+$0x180];
	v7 =	vmax.f32 v7, $1.000000000e-30  }
0x4bf: {  	v31 =	vld [tilespmem:s18+$0x300];
	v11 =	vadd.f32 v24, v11;
	v23 =	vshra.s32 v7, $0x1;
	v24 =	vmul.f32 $5.000000000e-01, v7  }
0x4c0: {  	v32 =	vor.u32 v6, v9;
	v7 =	vor.u32 v20, v26;
	v20 =	vsub.s32 $0x5F3759DF, v23;
	v36 =	vld.idx.msk [tilespmem:v3+s3+$0x0], $0xffff  }
0x4c1: {  	v6 =	vor.u32 v22, v21;
	v3 =	vadd.f32 v4, v11;
	v4 =	vmul.f32 v20, v24;
	v27 =	vld.idx.msk [tilespmem:v2+s3+$0x0], $0xffff  }
0x4c2: {  	s6 =	sor.u32 s16, s2;
	v22 =	vor.u32 $0x80, v1;
	v9 =	vor.u32 $0x80, v7;
	v11 =	vor.u32 $0x80, v32;
	v29 =	vld.idx.msk [tilespmem:v0+s3+$0x0], $0xffff  }
.Ltmp2:
0x4c3: {  	v0 =	vadd.f32 v28, v10;
	[tilespmem:s6+$0x0] =	vst v3;
	v23 =	vld.idx.msk [tilespmem:v1+s3+$0x0], $0xffff;
	v10 =	vor.u32 $0x80, v6;
	v21 =	vmul.f32 v20, v4;
	(pc) =	sbr.rel @p0 .LBB2_7-.Ltmp2, $4  }
0x4c4: {  	v2 =	vor.u32 $0x100, v7;
	v4 =	vor.u32 $0x100, v1;
	v3 =	vor.u32 $0x100, v32;
	v30 =	vld [tilespmem:s0+$0x80]  }
0x4c5: {  	v28 =	vadd.f32 v31, v0;
	v31 =	vld [tilespmem:s0+$0x200];
	v0 =	vor.u32 $0x100, v6;
	v37 =	vsub.f32 $1.500000000e+00, v21  }
0x4c6: {  	v1 =	vsub.f32 $1.000000000e+00, v5;
	v25 =	vsub.f32 v25, v36;
	v21 =	vmul.f32 $1.872929930e-02, v5;
	v26 =	vld.idx.msk [tilespmem:v32+s3+$0x0], $0xffff  }
0x4c7: {  	vm1 =	vlt.f32 v35, $0.0e+00;
	[tilespmem:s7+$0x0] =	vst v28;
	v32 =	vld [tilespmem:s0+$0x380];
	v28 =	vmul.f32 v20, v37;
	v20 =	vmul.f32 v34, v33  }
0x4c8: {  	_ =	sdelay $0x1  }
0x4c9: {  	v30 =	vadd.f32 v31, v30;
	_ =	sdelay $0x1  }
0x4ca: {  	v30 =	vadd.f32 v32, v30;
	_ =	sdelay $0x1  }
0x4cb: {  	[tilespmem:s6+$0x80] =	vst v30  }
0x4cc: {  	v30 =	vld [tilespmem:s0+$0x100]  }
0x4cd: {  	v61 =	vld [tilespmem:s0+$0x280]  }
0x4ce: {  	s17 =	sor.u32 s16, s22;
	v34 =	vld [tilespmem:s18+$0x80]  }
0x4cf: {  	v15 =	vmul.f32 v18, v15;
	v24 =	vmul.f32 v28, v24;
	v62 =	vld [tilespmem:s17+$0x0]  }
0x4d0: {  	v17 =	vmul.f32 v19, v17;
	v14 =	vmul.f32 v16, v14;
	v37 =	vld [tilespmem:s18+$0x200]  }
0x4d1: {  	v36 =	vsub.f32 v27, v29;
	v39 =	vmul.f32 v25, v25;
	v40 =	vld [tilespmem:s18+$0x380];
	v63 =	vmul.f32 v24, v28  }
0x4d2: {  	v42 =	vmax.f32 v1, $1.000000000e-30;
	v22 =	vld.idx.msk [tilespmem:v22+s3+$0x0], $0xffff;
	v21 =	vsub.f32 $7.426100220e-02, v21;
	v33 =	vadd.f32 v61, v30  }
0x4d3: {  	s12 =	sadd.s32 $0x80, s12;
	v11 =	vld.idx.msk [tilespmem:v11+s3+$0x0], $0xffff;
	vm9 =	vmmov vm1;
	v15 =	vadd.f32 v17, v15;
	v35 =	vsub.f32 $1.500000000e+00, v63  }
0x4d4: {  	s2 =	sadd.s32 $0x30, s9;
	v7 =	vld.idx.msk [tilespmem:v7+s3+$0x0], $0xffff;
	s22 =	sand.u32 $0x600, s12;
	v44 =	vshra.s32 v42, $0x1;
	v41 =	vmul.f32 v36, v36;
	v19 =	vadd.f32 v62, v33  }
0x4d5: {  	v6 =	vld.idx.msk [tilespmem:v6+s3+$0x0], $0xffff;
	s2 =	sand.u32 $0x70, s2;
	v45 =	vadd.f32 v39, v13;
	v14 =	vadd.f32 v14, v15;
	v38 =	vmul.f32 v35, v28;
	s0 =	sor.u32 $0x8000, s22  }
0x4d6: {  	v50 =	vmul.f32 v36, v25;
	v21 =	vmul.f32 v21, v5;
	v12 =	vadd.f32 v41, v12;
	s2 =	sor.u32 s2, s0;
	[tilespmem:s6+$0x100] =	vst v19  }
0x4d7: {  	v53 =	vsub.s32 $0x5F3759DF, v44;
	v13 =	vsub.f32 v23, v26;
	v14 =	vmul.f32 v38, v14;
	v43 =	vld [tilespmem:s2+$0x0]  }
0x4d8: {  	v21 =	vadd.f32 $-2.121143940e-01, v21;
	v47 =	vadd.f32 v37, v34;
	v49 =	vmul.f32 v12, v45;
	v46 =	vld [tilespmem:s2+$0x80]  }
0x4d9: {  	v31 =	vmul.f32 v13, v13;
	v11 =	vsub.f32 v22, v11;
	v14 =	vmax.f32 v14, $-1.000000000e+00;
	v48 =	vld [tilespmem:s2+$0x180]  }
0x4da: {  	v51 =	vadd.f32 v40, v47;
	v23 =	vmax.f32 v49, $1.000000000e-30;
	v12 =	vmin.f32 v14, $1.000000000e+00  }
0x4db: {  	v6 =	vsub.f32 v7, v6;
	v60 =	vshra.s32 v23, $0x1;
	v15 =	vand.u32 $0x7FFFFFFF, v12;
	v52 =	vld [tilespmem:s2+$0x100]  }
0x4dc: {  	v9 =	vld.idx.msk [tilespmem:v9+s3+$0x0], $0xffff;
	[tilespmem:s7+$0x80] =	vst v51;
	v23 =	vmul.f32 $5.000000000e-01, v23;
	v30 =	vsub.s32 $0x5F3759DF, v60;
	v16 =	vsub.f32 $1.000000000e+00, v15  }
0x4dd: {  	v58 =	vld [tilespmem:s18+$0x100];
	v54 =	vand.u32 $0x7F, v43;
	v55 =	vand.u32 $0x7F, v46;
	v29 =	vshll.u32 v43, $0x2  }
0x4de: {  	v61 =	vld [tilespmem:s18+$0x280];
	v56 =	vand.u32 $0x7F, v48;
	v28 =	vshll.u32 v46, $0x2;
	v29 =	vand.u32 $0xFFFFFE00, v29  }
0x4df: {  	v10 =	vld.idx.msk [tilespmem:v10+s3+$0x0], $0xffff;
	v18 =	vshll.u32 v48, $0x2;
	v28 =	vand.u32 $0xFFFFFE00, v28;
	v26 =	vor.u32 v54, v29  }
0x4e0: {  	v63 =	vld [tilespmem:s24+$0x0];
	v57 =	vshll.u32 v52, $0x2;
	v18 =	vand.u32 $0xFFFFFE00, v18;
	v27 =	vor.u32 v55, v28  }
0x4e1: {  	v4 =	vld.idx.msk [tilespmem:v4+s3+$0x0], $0xffff;
	v24 =	vand.u32 $0x7F, v52;
	v17 =	vand.u32 $0xFFFFFE00, v57;
	v18 =	vor.u32 v56, v18  }
0x4e2: {  	v3 =	vld.idx.msk [tilespmem:v3+s3+$0x0], $0xffff;
	v19 =	vmul.f32 $5.000000000e-01, v42;
	v62 =	vmax.f32 v16, $1.000000000e-30;
	v24 =	vor.u32 v24, v17  }
0x4e3: {  	v34 =	vshra.s32 v62, $0x1;
	v35 =	vmul.f32 $5.000000000e-01, v62;
	v28 =	vadd.f32 v61, v58  }
0x4e4: {  	v41 =	vmul.f32 v30, v23;
	v59 =	vmul.f32 v53, v19;
	v46 =	vsub.s32 $0x5F3759DF, v34;
	v36 =	vld.idx.msk [tilespmem:v26+s3+$0x0], $0xffff  }
0x4e5: {  	v9 =	vsub.f32 v9, v10;
	v38 =	vmul.f32 v46, v35;
	v28 =	vadd.f32 v63, v28;
	v47 =	vld.idx.msk [tilespmem:v27+s3+$0x0], $0xffff  }
0x4e6: {  	v49 =	vmul.f32 v30, v41;
	v45 =	vmul.f32 v53, v59;
	v40 =	vor.u32 $0x80, v18;
	v39 =	vld.idx.msk [tilespmem:v18+s3+$0x0], $0xffff  }
0x4e7: {  	v3 =	vsub.f32 v4, v3;
	s0 =	sor.u32 s20, s0;
	v43 =	vor.u32 $0x80, v24;
	v48 =	vmul.f32 v46, v38;
	[tilespmem:s7+$0x100] =	vst v28;
	v42 =	vld.idx.msk [tilespmem:v24+s3+$0x0], $0xffff  }
0x4e8: {  	v5 =	vmul.f32 v21, v5;
	v25 =	vsub.f32 $1.500000000e+00, v49;
	v17 =	vsub.f32 $1.500000000e+00, v45;
	v55 =	vld [tilespmem:s0+$0x0]  }
0x4e9: {  	v14 =	vadd.f32 v50, v8;
	v33 =	vor.u32 $0x100, v26;
	v8 =	vsub.f32 $1.500000000e+00, v48;
	v56 =	vld [tilespmem:s0+$0x80]  }
0x4ea: {  	v25 =	vmul.f32 v30, v25;
	v37 =	vor.u32 $0x80, v27;
	v17 =	vmul.f32 v53, v17;
	v59 =	vld [tilespmem:s0+$0x100]  }
0x4eb: {  	v53 =	vmul.f32 $1.872929930e-02, v15;
	v26 =	vor.u32 $0x80, v26;
	v29 =	vmul.f32 v46, v8;
	v50 =	vld.idx.msk [tilespmem:v40+s3+$0x0], $0xffff  }
0x4ec: {  	v51 =	vsub.f32 $3.141592740e+00, v20;
	v23 =	vmul.f32 v25, v23;
	v27 =	vor.u32 $0x100, v27;
	v52 =	vld.idx.msk [tilespmem:v43+s3+$0x0], $0xffff  }
0x4ed: {  	v30 =	vsub.f32 $7.426100220e-02, v53;
	v18 =	vor.u32 $0x100, v18;
	v62 =	vld [tilespmem:s0+$0x180];
	v54 =	vmul.f32 v29, v35  }
0x4ee: {  	v5 =	vadd.f32 $1.570728780e+00, v5;
	v23 =	vmul.f32 v23, v25;
	v24 =	vor.u32 $0x100, v24;
	v33 =	vld.idx.msk [tilespmem:v33+s3+$0x0], $0xffff  }
0x4ef: {  	v8 =	vsel vm0, v51, v20;
	v37 =	vld.idx.msk [tilespmem:v37+s3+$0x0], $0xffff;
	v30 =	vmul.f32 v30, v15;
	v20 =	vmul.f32 v54, v29  }
0x4f0: {  	v26 =	vld.idx.msk [tilespmem:v26+s3+$0x0], $0xffff;
	v28 =	vsub.f32 v36, v47;
	v32 =	vsub.f32 v39, v42;
	v46 =	vshll.u32 v55, $0x2  }
0x4f1: {  	v27 =	vld.idx.msk [tilespmem:v27+s3+$0x0], $0xffff;
	v47 =	vshll.u32 v56, $0x2;
	v34 =	vand.u32 $0x7F, v55;
	v35 =	vsub.f32 v50, v52  }
0x4f2: {  	v18 =	vld.idx.msk [tilespmem:v18+s3+$0x0], $0xffff;
	v48 =	vshll.u32 v59, $0x2;
	v36 =	vand.u32 $0x7F, v56;
	v41 =	vand.u32 $0xFFFFFE00, v47  }
0x4f3: {  	v24 =	vld.idx.msk [tilespmem:v24+s3+$0x0], $0xffff;
	v58 =	vmul.f32 v32, v32;
	v36 =	vor.u32 v36, v41;
	v40 =	vmul.f32 v35, v35  }
0x4f4: {  	v49 =	vshll.u32 v62, $0x2;
	v42 =	vand.u32 $0xFFFFFE00, v48;
	v51 =	vor.u32 $0x80, v36  }
0x4f5: {  	v26 =	vsub.f32 v26, v37;
	v38 =	vadd.f32 v40, v58;
	v40 =	vand.u32 $0xFFFFFE00, v46  }
0x4f6: {  	v27 =	vsub.f32 v33, v27;
	v33 =	vand.u32 $0x7F, v59;
	v34 =	vor.u32 v34, v40  }
0x4f7: {  	v2 =	vld.idx.msk [tilespmem:v2+s3+$0x0], $0xffff;
	v57 =	vmul.f32 v28, v28;
	v52 =	vor.u32 v33, v42;
	v60 =	vmul.f32 v26, v26  }
0x4f8: {  	v18 =	vsub.f32 v18, v24;
	v24 =	vand.u32 $0x7F, v62;
	v62 =	vor.u32 $0x100, v36;
	v42 =	vld.idx.msk [tilespmem:v0+s3+$0x0], $0xffff  }
0x4f9: {  	v63 =	vmul.f32 v27, v27;
	v50 =	vor.u32 $0x80, v34;
	v21 =	vld.idx.msk [tilespmem:v36+s3+$0x0], $0xffff;
	v37 =	vadd.f32 v60, v57  }
0x4fa: {  	v20 =	vsub.f32 $1.500000000e+00, v20;
	v40 =	vand.u32 $0xFFFFFE00, v49;
	v56 =	vor.u32 $0x80, v52;
	v60 =	vld.idx.msk [tilespmem:v51+s3+$0x0], $0xffff  }
0x4fb: {  	v61 =	vadd.f32 $-2.121143940e-01, v30;
	v24 =	vor.u32 v24, v40;
	v54 =	vadd.f32 v63, v37;
	v37 =	vld.idx.msk [tilespmem:v34+s3+$0x0], $0xffff  }
0x4fc: {  	v19 =	vmul.f32 v17, v19;
	v20 =	vmul.f32 v20, v29;
	v59 =	vor.u32 $0x100, v34;
	v29 =	vld.idx.msk [tilespmem:v52+s3+$0x0], $0xffff  }
0x4fd: {  	v15 =	vmul.f32 v61, v15;
	v45 =	vmul.f32 v18, v18;
	v47 =	vor.u32 $0x100, v52;
	v52 =	vld.idx.msk [tilespmem:v62+s3+$0x0], $0xffff  }
0x4fe: {  	v61 =	vmul.f32 v6, v6;
	v6 =	vmul.f32 v6, v13;
	v53 =	vor.u32 $0x80, v24;
	v57 =	vld.idx.msk [tilespmem:v50+s3+$0x0], $0xffff  }
0x4ff: {  	v58 =	vmul.f32 v11, v11;
	v55 =	vadd.f32 v45, v38;
	v45 =	vor.u32 $0x100, v24;
	v38 =	vld.idx.msk [tilespmem:v56+s3+$0x0], $0xffff  }
0x500: {  	v23 =	vsub.f32 $1.500000000e+00, v23;
	v46 =	vmul.f32 v9, v9;
	v9 =	vmul.f32 v9, v11;
	v24 =	vld.idx.msk [tilespmem:v24+s3+$0x0], $0xffff  }
0x501: {  	v49 =	vmul.f32 v19, v17;
	v10 =	vadd.f32 v58, v31;
	v50 =	vld.idx.msk [tilespmem:v59+s3+$0x0], $0xffff;
	v0 =	vmul.f32 v55, v54  }
0x502: {  	v16 =	vmul.f32 v20, v16;
	v6 =	vadd.f32 v9, v6;
	v51 =	vadd.f32 v46, v61;
	v56 =	vld.idx.msk [tilespmem:v47+s3+$0x0], $0xffff  }
0x503: {  	v2 =	vsub.f32 v2, v42;
	v33 =	vld.idx.msk [tilespmem:v53+s3+$0x0], $0xffff;
	v53 =	vsub.f32 $1.500000000e+00, v49;
	v0 =	vmax.f32 v0, $1.000000000e-30  }
0x504: {  	v55 =	vmul.f32 v23, v25;
	v54 =	vld.idx.msk [tilespmem:v45+s3+$0x0], $0xffff;
	v63 =	vshra.s32 v0, $0x1;
	v44 =	vmul.f32 $5.000000000e-01, v0  }
0x505: {  	v9 =	vmul.f32 v53, v17;
	v4 =	vsub.f32 v37, v21;
	v36 =	vsub.s32 $0x5F3759DF, v63  }
0x506: {  	v7 =	vsub.f32 v57, v60;
	v17 =	vsub.f32 v24, v29;
	v48 =	vmul.f32 v36, v44  }
0x507: {  	v57 =	vmul.f32 v3, v3;
	v19 =	vsub.f32 v50, v52;
	v63 =	vmul.f32 v2, v2  }
0x508: {  	v58 =	vmul.f32 v4, v4;
	v23 =	vsub.f32 v33, v38;
	v13 =	vmul.f32 v36, v48  }
0x509: {  	v59 =	vmul.f32 v7, v7;
	v60 =	vmul.f32 v17, v17;
	v11 =	vsub.f32 v54, v56  }
0x50a: {  	v10 =	vadd.f32 v57, v10;
	v61 =	vmul.f32 v23, v23;
	v13 =	vsub.f32 $1.500000000e+00, v13  }
0x50b: {  	v34 =	vmul.f32 v19, v19;
	v20 =	vadd.f32 v63, v51;
	v22 =	vadd.f32 v59, v58  }
0x50c: {  	v33 =	vadd.f32 v61, v60;
	v13 =	vmul.f32 v36, v13;
	v36 =	vmul.f32 v11, v11  }
0x50d: {  	v15 =	vadd.f32 $1.570728780e+00, v15;
	v28 =	vmul.f32 v32, v28;
	v18 =	vmul.f32 v18, v27  }
0x50e: {  	v10 =	vmul.f32 v20, v10;
	v22 =	vadd.f32 v34, v22;
	v24 =	vadd.f32 v36, v33  }
0x50f: {  	vm10 =	vlt.f32 v12, $0.0e+00;
	v14 =	vmul.f32 v55, v14;
	v0 =	vmul.f32 v16, v15  }
0x510: {  	v37 =	vmul.f32 v35, v26;
	v10 =	vmax.f32 v10, $1.000000000e-30;
	v39 =	vmul.f32 v24, v22  }
0x511: {  	v14 =	vmax.f32 v14, $-1.000000000e+00;
	v40 =	vshra.s32 v10, $0x1;
	v62 =	vmul.f32 v13, v44  }
0x512: {  	v10 =	vmul.f32 $5.000000000e-01, v10;
	v21 =	vsub.s32 $0x5F3759DF, v40;
	v20 =	vmax.f32 v39, $1.000000000e-30  }
0x513: {  	v16 =	vmul.f32 v62, v13;
	v41 =	vshra.s32 v20, $0x1;
	v20 =	vmul.f32 $5.000000000e-01, v20  }
0x514: {  	v38 =	vadd.f32 v37, v28;
	v42 =	vmul.f32 v21, v10;
	v22 =	vsub.s32 $0x5F3759DF, v41  }
0x515: {  	v45 =	vmin.f32 v14, $1.000000000e+00;
	v16 =	vsub.f32 $1.500000000e+00, v16;
	v43 =	vmul.f32 v22, v20  }
0x516: {  	v2 =	vmul.f32 v2, v3;
	v47 =	vand.u32 $0x7FFFFFFF, v45;
	v46 =	vmul.f32 v21, v42  }
0x517: {  	v15 =	vadd.f32 v18, v38;
	v13 =	vmul.f32 v16, v13;
	v48 =	vmul.f32 v22, v43  }
0x518: {  	v2 =	vadd.f32 v2, v6;
	v4 =	vmul.f32 v17, v4;
	v14 =	vsub.f32 $1.500000000e+00, v46  }
0x519: {  	v63 =	vsub.f32 $3.141592740e+00, v0;
	v13 =	vmul.f32 v13, v15;
	v51 =	vsub.f32 $1.500000000e+00, v48  }
0x51a: {  	vm11 =	vlt.f32 v45, $0.0e+00;
	v49 =	vmul.f32 $1.872929930e-02, v47;
	v14 =	vmul.f32 v21, v14  }
0x51b: {  	v7 =	vmul.f32 v23, v7;
	v50 =	vmax.f32 v13, $-1.000000000e+00;
	v13 =	vmul.f32 v22, v51  }
0x51c: {  	v59 =	vmul.f32 v11, v19;
	v16 =	vsub.f32 $1.000000000e+00, v47;
	v10 =	vmul.f32 v14, v10  }
0x51d: {  	vm1 =	vmmov vm11;
	v44 =	vmul.f32 v9, v1;
	v56 =	vmul.f32 v13, v20  }
0x51e: {  	v4 =	vadd.f32 v7, v4;
	v52 =	vmax.f32 v16, $1.000000000e-30;
	v10 =	vmul.f32 v10, v14  }
0x51f: {  	v1 =	vmul.f32 v44, v5;
	v54 =	vshra.s32 v52, $0x1;
	v6 =	vmul.f32 v56, v13  }
0x520: {  	v15 =	vmul.f32 $5.000000000e-01, v52;
	v5 =	vmin.f32 v50, $1.000000000e+00;
	v10 =	vsub.f32 $1.500000000e+00, v10  }
0x521: {  	v60 =	vsub.s32 $0x5F3759DF, v54;
	v53 =	vand.u32 $0x7FFFFFFF, v5;
	v6 =	vsub.f32 $1.500000000e+00, v6  }
0x522: {  	v62 =	vmul.f32 v60, v15;
	v55 =	vsub.f32 $1.000000000e+00, v53;
	v10 =	vmul.f32 v10, v14  }
0x523: {  	v4 =	vadd.f32 v59, v4;
	v31 =	vmul.f32 $1.872929930e-02, v53;
	v6 =	vmul.f32 v6, v13  }
0x524: {  	v27 =	vmul.f32 v60, v62;
	v57 =	vmax.f32 v55, $1.000000000e-30;
	v2 =	vmul.f32 v10, v2  }
0x525: {  	v14 =	vsub.f32 $7.426100220e-02, v31;
	v58 =	vshra.s32 v57, $0x1;
	v4 =	vmul.f32 v6, v4  }
0x526: {  	v20 =	vmul.f32 $5.000000000e-01, v57;
	v10 =	vsub.f32 $1.500000000e+00, v27;
	v2 =	vmax.f32 v2, $-1.000000000e+00  }
0x527: {  	v17 =	vsub.s32 $0x5F3759DF, v58;
	v2 =	vmin.f32 v2, $1.000000000e+00;
	v4 =	vmax.f32 v4, $-1.000000000e+00  }
0x528: {  	v61 =	vmul.f32 v17, v20;
	v30 =	vand.u32 $0x7FFFFFFF, v2;
	v4 =	vmin.f32 v4, $1.000000000e+00  }
0x529: {  	v10 =	vmul.f32 v60, v10;
	v32 =	vsub.f32 $1.000000000e+00, v30;
	v33 =	vand.u32 $0x7FFFFFFF, v4  }
0x52a: {  	v0 =	vsel vm10, v63, v0;
	v40 =	vmul.f32 v14, v53;
	v34 =	vsub.f32 $1.000000000e+00, v33  }
0x52b: {  	v26 =	vmul.f32 v17, v61;
	v15 =	vmul.f32 v10, v15;
	v35 =	vmax.f32 v32, $1.000000000e-30  }
0x52c: {  	v36 =	vshra.s32 v35, $0x1;
	v21 =	vmul.f32 $5.000000000e-01, v35;
	v37 =	vmax.f32 v34, $1.000000000e-30  }
0x52d: {  	v23 =	vsub.s32 $0x5F3759DF, v36;
	v38 =	vshra.s32 v37, $0x1;
	v24 =	vmul.f32 $5.000000000e-01, v37  }
0x52e: {  	v29 =	vsub.f32 $1.500000000e+00, v26;
	v39 =	vmul.f32 v23, v21;
	v25 =	vsub.s32 $0x5F3759DF, v38  }
0x52f: {  	v7 =	vadd.f32 $-2.121143940e-01, v40;
	v44 =	vmul.f32 $1.872929930e-02, v30;
	v41 =	vmul.f32 v25, v24  }
0x530: {  	v28 =	vsub.f32 $7.426100220e-02, v49;
	v12 =	vmul.f32 v17, v29;
	v26 =	vmul.f32 v23, v39  }
0x531: {  	v3 =	vmul.f32 v7, v53;
	v9 =	vsub.f32 $7.426100220e-02, v44;
	v14 =	vmul.f32 v25, v41  }
0x532: {  	v6 =	vmul.f32 v28, v47;
	v20 =	vmul.f32 v12, v20;
	v42 =	vsub.f32 $1.500000000e+00, v26  }
0x533: {  	v15 =	vmul.f32 v15, v10;
	v9 =	vmul.f32 v9, v30;
	v43 =	vsub.f32 $1.500000000e+00, v14  }
0x534: {  	v6 =	vadd.f32 $-2.121143940e-01, v6;
	v20 =	vmul.f32 v20, v12;
	v45 =	vmul.f32 v23, v42  }
0x535: {  	v15 =	vsub.f32 $1.500000000e+00, v15;
	v46 =	vmul.f32 $1.872929930e-02, v33;
	v7 =	vmul.f32 v25, v43  }
0x536: {  	v6 =	vmul.f32 v6, v47;
	v20 =	vsub.f32 $1.500000000e+00, v20;
	v47 =	vmul.f32 v45, v21  }
0x537: {  	v10 =	vmul.f32 v15, v10;
	v48 =	vsub.f32 $7.426100220e-02, v46;
	v49 =	vmul.f32 v7, v24  }
0x538: {  	v3 =	vadd.f32 $1.570728780e+00, v3;
	v12 =	vmul.f32 v20, v12;
	v20 =	vmul.f32 v47, v45  }
0x539: {  	v9 =	vadd.f32 $-2.121143940e-01, v9;
	v15 =	vmul.f32 v48, v33;
	v18 =	vmul.f32 v49, v7  }
0x53a: {  	v10 =	vmul.f32 v10, v16;
	v12 =	vmul.f32 v12, v55;
	v51 =	vsub.f32 $1.500000000e+00, v20  }
0x53b: {  	v9 =	vmul.f32 v9, v30;
	v15 =	vadd.f32 $-2.121143940e-01, v15;
	v52 =	vsub.f32 $1.500000000e+00, v18  }
0x53c: {  	v50 =	vsub.f32 $3.141592740e+00, v1;
	v3 =	vmul.f32 v12, v3;
	v12 =	vmul.f32 v51, v45  }
0x53d: {  	v6 =	vadd.f32 $1.570728780e+00, v6;
	v53 =	vmul.f32 v15, v33;
	v7 =	vmul.f32 v52, v7  }
0x53e: {  	vm12 =	vlt.f32 v5, $0.0e+00;
	v9 =	vadd.f32 $1.570728780e+00, v9;
	v54 =	vmul.f32 v12, v32  }
0x53f: {  	v6 =	vmul.f32 v10, v6;
	v13 =	vadd.f32 $1.570728780e+00, v53;
	v7 =	vmul.f32 v7, v34  }
0x540: {  	s25 =	sshra.s32 s23, $0x2;
	[tilespmem:s21+$0xAA00] =	vst v8;
	v1 =	vsel vm9, v50, v1;
	v55 =	vsub.f32 $3.141592740e+00, v3;
	v57 =	vmul.f32 v54, v9  }
0x541: {  	[tilespmem:s25+$0xAA10] =	vst v0;
	vm13 =	vlt.f32 v2, $0.0e+00;
	v56 =	vsub.f32 $3.141592740e+00, v6;
	v59 =	vmul.f32 v7, v13  }
0x542: {  	s26 =	sshra.s32 s12, $0x2;
	[tilespmem:s19+$0xAA00] =	vst v1;
	vm0 =	vmmov vm13;
	v58 =	vsel vm12, v55, v3;
	v61 =	vsub.f32 $3.141592740e+00, v57  }
0x543: {  	vm14 =	vlt.f32 v4, $0.0e+00;
	v60 =	vsel vm1, v56, v6;
	[tilespmem:s26+$0xAA10] =	vst v58;
	v62 =	vsub.f32 $3.141592740e+00, v59  }
0x544: {  	vm15 =	vmmov vm14;
	s4 =	rddreg [dreg:$0x15];
	[tilespmem:s28+$0xAA00] =	vst v60;
	v63 =	vsel vm0, v61, v57  }
0x545: {  	s5 =	rddreg [dreg:$0x14];
	[tilespmem:s25+$0xAA00] =	vst v63;
	v0 =	vsel vm15, v62, v59  }
0x546: {  	[tilespmem:s26+$0xAA00] =	vst v0  }
0x547: {  	s31 =	rddreg [dreg:$0x11]  }
0x548: {  	s9 =	sadd.s32 $0x1, s31  }
0x549: {  	p0 =	sne.s32 s9, $0x40  }
.Ltmp3:
0x54a: {  	s4 =	sshll.u32 s4, $0x4;
	(pc) =	sbr.rel @p0 .LBB2_4-.Ltmp3, $4  }
0x54b: {  	s29 =	rddreg [dreg:$0x2];
	s5 =	sshll.u32 s5, $0x6;
	s4 =	sand.u32 $0x70, s4  }
0x54c: {  	s8 =	simm.s32 $0x400;
	s28 =	sand.u32 $0x3FE00, s5;
	s4 =	sadd.s32 s29, s4  }
0x54d: {  	s30 =	simm.s32 $0xAA00;
	s6 =	simm.s32 $0x80;
	s0 =	sadd.s32 s28, s4  }
0x54e: {  	[hbm4b:s0+s6] =	stream.strided.scatter [tilespmem:s30], [sflag:$0x4], $0x200, s8, s6, $0x38;
	[tilespmem:$0xAC00] =	vst v63  }
0x54f: {  	s0 =	simm.s32 $0x2  }
0x550: {  	_ =	swait.ge [sflag:s0], $0x2400  }
0x551: {  	[sflag:s0] =	ssyncset.done $0x0  }
0x552: {  	s30 =	simm.s32 $0x3;
	[sflag:s0] =	ssyncadd.s32 $0xFFFFDC00  }
0x553: {  	_ =	swait.ge [sflag:s30], $0x200  }
0x554: {  	[sflag:s30] =	ssyncset.done $0x0  }
0x555: {  	s2 =	simm.s32 $0x4;
	[sflag:s30] =	ssyncadd.s32 $0xFFFFFE00  }
0x556: {  	_ =	swait.ge [sflag:s2], $0x200  }
0x557: {  	s4 =	rddreg [dreg:$0x10]  }
0x558: {  	s31 =	rddreg [dreg:$0x8];
	s4 =	sadd.s32 $0x1, s4  }
0x559: {  	p0 =	sne.s32 s4, s31  }
.Ltmp4:
0x55a: {  	_ = 	snop;
	(pc) =	sbr.rel @p0 .LBB2_1-.Ltmp4, $3  }
0x55b: {  	_ =	sdelay $0x1  }
0x55c: {  	[sflag:s2] =	ssyncset.done $0x0  }
0x55d: {  	[sflag:s2] =	ssyncadd.s32 $0xFFFFFE00  }
0x55e: {  	_ =	sfence.sel $0x180000  }
0x55f: {  	[bflag:$0x0] =	sbarrier.arrive $0xFFFF  }
0x560: {  	_ =	strace $0x90000047  }
0x561: {  	s0 =	stileid.u32;
	[bflag:$0x2] =	sbarrier.arrive $0xFFFF  }
0x562: {  	p0 =	sne.s32 s0, $0x0;
	s0 =	rddreg [dreg:$0x3]  }
0x563: {  	s0 =	sadd.s32 @!p0 $0x100000, s0  }
0x564: {  	[sflag:s0] =	ssyncadd.tile.s32 @!p0 $0x1;
	_ =	shalt  }
.Lfunc_end2:
_tile_overlayer_lowered:
.L_overlay_start_2:
0x565: {  	(tag) =	ssettag $0x2  }
0x566: {  	s0 =	rddreg [dreg:$0x0];
	s2 =	stileid.u32  }
0x567: {  	s1 =	rddreg [dreg:$0x1];
	p0 =	sne.s32 s2, $0x0  }
0x568: {  	s3 =	rddreg [dreg:$0x2];
	[bflag:$0x3] =	sbarrier.arrive $0xFFFF;
	s2 =	simm.s32 @!p0 $0x1C05  }
0x569: {  	[timem:s3], [sflag:s2] =	dma.local @!p0 [hbm:s0], s1  }
0x56a: {  	s0 =	simm.s32 @!p0 $0x5  }
0x56b: {  	_ =	swait.ge @!p0 [sflag:s0], s1  }
0x56c: {  	s1 =	ssub.s32 @!p0 $0x0, s1;
	[sflag:s0] =	ssyncset.done @!p0 $0x0  }
0x56d: {  	[sflag:s0] =	ssyncadd.s32 @!p0 s1  }
0x56e: {  	[bflag:$0x3] =	sbarrier.arrive $0xFFFF  }
0x56f: {  	_ =	shalt  }

</sc_bundles>
